<compile_context>
chip_gen: v7x
topology: tpu7x:2x2x1
jax: 0.10.2.dev20260603
libtpu: 0.0.44.dev20260713+nightly
codegen_flags: <defaults>
</compile_context>

<pallas_src>
import functools

import jax
import jax.numpy as jnp
from jax import lax
from jax.experimental import pallas as pl
from jax.experimental.pallas import tpu as pltpu
from jax.experimental.pallas import tpu_sc as plsc

N = 10000
D = 256
E = 160000
EPS = 1e-5
HALF = 128

TILES = 16
EDGES_PER_TILE = E // TILES
CHUNK = 125
NCHUNK = EDGES_PER_TILE // CHUNK
IB = 16
NBLK = NCHUNK // IB
ROWS_MAIN = 624
ROWS_LAST = N - 15 * ROWS_MAIN

BM = 1000



def _mm_body(x_ref, w_ref, oa_ref, ob_ref):
    h = jnp.dot(x_ref[...], w_ref[...], preferred_element_type=jnp.float32)
    oa_ref[...] = h[:, :HALF]
    ob_ref[...] = h[:, HALF:]


def _mm(x, w):
    return pl.pallas_call(
        _mm_body,
        grid=(N // BM,),
        in_specs=[
            pl.BlockSpec((BM, D), lambda i: (i, 0)),
            pl.BlockSpec((D, D), lambda i: (0, 0)),
        ],
        out_specs=[
            pl.BlockSpec((BM, HALF), lambda i: (i, 0)),
            pl.BlockSpec((BM, HALF), lambda i: (i, 0)),
        ],
        out_shape=[jax.ShapeDtypeStruct((N, HALF), jnp.float32)] * 2,
    )(x, w)


def _stats_body(aa_ref, ab_ref, sa_ref, qa_ref, sb_ref, qb_ref):
    i = pl.program_id(0)

    @pl.when(i == 0)
    def _():
        sa_ref[...] = jnp.zeros_like(sa_ref)
        qa_ref[...] = jnp.zeros_like(qa_ref)
        sb_ref[...] = jnp.zeros_like(sb_ref)
        qb_ref[...] = jnp.zeros_like(qb_ref)

    aa = aa_ref[...]
    ab = ab_ref[...]
    sa_ref[...] += jnp.sum(aa, axis=0)[None, :]
    qa_ref[...] += jnp.sum(aa * aa, axis=0)[None, :]
    sb_ref[...] += jnp.sum(ab, axis=0)[None, :]
    qb_ref[...] += jnp.sum(ab * ab, axis=0)[None, :]


def _stats(aa, ab):
    return pl.pallas_call(
        _stats_body,
        grid=(N // BM,),
        in_specs=[
            pl.BlockSpec((BM, HALF), lambda i: (i, 0)),
            pl.BlockSpec((BM, HALF), lambda i: (i, 0)),
        ],
        out_specs=[pl.BlockSpec((8, HALF), lambda i: (0, 0))] * 4,
        out_shape=[jax.ShapeDtypeStruct((8, HALF), jnp.float32)] * 4,
    )(aa, ab)


def _affine(s_ref, q_ref, g, be):
    m = s_ref[0:1, :] * (1.0 / N)
    v = q_ref[0:1, :] * (1.0 / N) - m * m
    inv = lax.rsqrt(v + EPS)
    alpha = g * inv
    beta = be - m * alpha
    return alpha, beta


def _fused_body(aa_ref, ab_ref, sa_ref, qa_ref, sb_ref, qb_ref,
                g_ref, be_ref, w_ref, oa_ref, ob_ref):
    al_a, bt_a = _affine(sa_ref, qa_ref, g_ref[0:1, :HALF], be_ref[0:1, :HALF])
    al_b, bt_b = _affine(sb_ref, qb_ref, g_ref[0:1, HALF:], be_ref[0:1, HALF:])
    za = jnp.maximum(aa_ref[...] * al_a + bt_a, 0.0)
    zb = jnp.maximum(ab_ref[...] * al_b + bt_b, 0.0)
    h = (jnp.dot(za, w_ref[:HALF, :], preferred_element_type=jnp.float32)
         + jnp.dot(zb, w_ref[HALF:, :], preferred_element_type=jnp.float32))
    oa_ref[...] = h[:, :HALF]
    ob_ref[...] = h[:, HALF:]


def _fused(aa, ab, sa, qa, sb, qb, g, be, w):
    vec = pl.BlockSpec((8, HALF), lambda i: (0, 0))
    return pl.pallas_call(
        _fused_body,
        grid=(N // BM,),
        in_specs=[
            pl.BlockSpec((BM, HALF), lambda i: (i, 0)),
            pl.BlockSpec((BM, HALF), lambda i: (i, 0)),
            vec, vec, vec, vec,
            pl.BlockSpec((1, D), lambda i: (0, 0)),
            pl.BlockSpec((1, D), lambda i: (0, 0)),
            pl.BlockSpec((D, D), lambda i: (0, 0)),
        ],
        out_specs=[
            pl.BlockSpec((BM, HALF), lambda i: (i, 0)),
            pl.BlockSpec((BM, HALF), lambda i: (i, 0)),
        ],
        out_shape=[jax.ShapeDtypeStruct((N, HALF), jnp.float32)] * 2,
    )(aa, ab, sa, qa, sb, qb, g, be, w)


def _final_body(aa_ref, ab_ref, sa_ref, qa_ref, sb_ref, qb_ref,
                g_ref, be_ref, o_ref):
    al_a, bt_a = _affine(sa_ref, qa_ref, g_ref[0:1, :HALF], be_ref[0:1, :HALF])
    al_b, bt_b = _affine(sb_ref, qb_ref, g_ref[0:1, HALF:], be_ref[0:1, HALF:])
    o_ref[:, :HALF] = aa_ref[...] * al_a + bt_a
    o_ref[:, HALF:] = ab_ref[...] * al_b + bt_b


def _final(aa, ab, sa, qa, sb, qb, g, be):
    vec = pl.BlockSpec((8, HALF), lambda i: (0, 0))
    return pl.pallas_call(
        _final_body,
        grid=(N // BM,),
        in_specs=[
            pl.BlockSpec((BM, HALF), lambda i: (i, 0)),
            pl.BlockSpec((BM, HALF), lambda i: (i, 0)),
            vec, vec, vec, vec,
            pl.BlockSpec((1, D), lambda i: (0, 0)),
            pl.BlockSpec((1, D), lambda i: (0, 0)),
        ],
        out_specs=pl.BlockSpec((BM, D), lambda i: (i, 0)),
        out_shape=jax.ShapeDtypeStruct((N, D), jnp.float32),
    )(aa, ab, sa, qa, sb, qb, g, be)



def _scatter(ha, hb, src_r, dst_r, zb):
    mesh = plsc.VectorSubcoreMesh(core_axis_name="c", subcore_axis_name="s")

    @functools.partial(
        pl.kernel,
        mesh=mesh,
        out_type=[jax.ShapeDtypeStruct((N, HALF), jnp.float32)] * 2,
        scratch_types=[
            pltpu.VMEM((IB, CHUNK), jnp.int32),
            pltpu.VMEM((IB, CHUNK), jnp.int32),
            pltpu.VMEM((CHUNK, HALF), jnp.float32),
            pltpu.VMEM((CHUNK, HALF), jnp.float32),
            pltpu.VMEM_SHARED((N, HALF), jnp.float32),
            pltpu.SemaphoreType.DMA,
            pltpu.SemaphoreType.DMA,
        ],
    )
    def k(ha_hbm, hb_hbm, src_hbm, dst_hbm, zb_hbm, oa_hbm, ob_hbm,
          srcv, dstv, rows0, rows1, acc, sem0, sem1):
        c = lax.axis_index("c")
        s = lax.axis_index("s")
        r0 = s * ROWS_MAIN

        @pl.when(s < 15)
        def _():
            pltpu.sync_copy(zb_hbm.at[pl.ds(0, ROWS_MAIN)],
                            acc.at[pl.ds(r0, ROWS_MAIN)])

        @pl.when(s == 15)
        def _():
            pltpu.sync_copy(zb_hbm, acc.at[pl.ds(15 * ROWS_MAIN, ROWS_LAST)])

        plsc.subcore_barrier()

        bufs = (rows0, rows1)
        sems = (sem0, sem1)

        def run(h_hbm):
            def blk_body(blk, carry):
                j0 = blk * IB
                pltpu.sync_copy(src_hbm.at[s, pl.ds(j0, IB)], srcv)
                pltpu.sync_copy(dst_hbm.at[s, pl.ds(j0, IB)], dstv)
                pltpu.async_copy(h_hbm.at[srcv.at[0]], bufs[0], sems[0])

                def body(i, c2):
                    j = i * 2
                    for b in range(2):
                        jj = j + b
                        nb = (b + 1) % 2

                        @pl.when(jj + 1 < IB)
                        def _():
                            pltpu.async_copy(
                                h_hbm.at[srcv.at[jj + 1]], bufs[nb], sems[nb])

                        pltpu.make_async_copy(
                            h_hbm.at[srcv.at[jj]], bufs[b], sems[b]).wait()
                        pltpu.sync_copy(bufs[b], acc.at[dstv.at[jj]], add=True)
                    return c2

                lax.fori_loop(0, IB // 2, body, 0)
                return carry

            lax.fori_loop(0, NBLK, blk_body, 0)

        @pl.when(c == 0)
        def _():
            run(ha_hbm)

        @pl.when(c == 1)
        def _():
            run(hb_hbm)

        plsc.subcore_barrier()

        def drain(o_hbm):
            @pl.when(s < 15)
            def _():
                pltpu.sync_copy(acc.at[pl.ds(r0, ROWS_MAIN)],
                                o_hbm.at[pl.ds(r0, ROWS_MAIN)])

            @pl.when(s == 15)
            def _():
                pltpu.sync_copy(acc.at[pl.ds(15 * ROWS_MAIN, ROWS_LAST)],
                                o_hbm.at[pl.ds(15 * ROWS_MAIN, ROWS_LAST)])

        @pl.when(c == 0)
        def _():
            drain(oa_hbm)

        @pl.when(c == 1)
        def _():
            drain(ob_hbm)

    return k(ha, hb, src_r, dst_r, zb)



def kernel(x, edge_index, W1, b1, g1, be1, W2, b2, g2, be2):
    src_r = edge_index[0].reshape(TILES, NCHUNK, CHUNK)
    dst_r = edge_index[1].reshape(TILES, NCHUNK, CHUNK)
    zb = jnp.zeros((ROWS_LAST, HALF), jnp.float32)
    g1r = g1.reshape(1, D)
    be1r = be1.reshape(1, D)
    g2r = g2.reshape(1, D)
    be2r = be2.reshape(1, D)

    h1a, h1b = _mm(x, W1)
    a1a, a1b = _scatter(h1a, h1b, src_r, dst_r, zb)
    s1a, q1a, s1b, q1b = _stats(a1a, a1b)
    h2a, h2b = _fused(a1a, a1b, s1a, q1a, s1b, q1b, g1r, be1r, W2)
    a2a, a2b = _scatter(h2a, h2b, src_r, dst_r, zb)
    s2a, q2a, s2b, q2b = _stats(a2a, a2b)
    return _final(a2a, a2b, s2a, q2a, s2b, q2b, g2r, be2r)

# --- scband reference (transcript-rebuilt; emitter-appended) ---
"""Pipeline reference for scband-di-gcn-63273458205067 (READ-ONLY COPY).

The authoritative reference and input builder live on the scoring server;
editing this copy changes nothing except your own understanding.
"""

import jax, jax.numpy as jnp
import numpy as np

N = 10000
E = 160000
D = 256
EPS = 1e-5


def setup_inputs(seed: int = 0) -> dict:
    key = jax.random.key(seed)
    ks = jax.random.split(key, 12)
    x = jax.random.normal(ks[0], (N, D), dtype=jnp.float32)
    edge_index = jax.random.randint(ks[1], (2, E), 0, N, dtype=jnp.int32)
    scale = 1.0 / np.sqrt(D)
    W1 = jax.random.uniform(ks[2], (D, D), jnp.float32, -scale, scale)
    b1 = jnp.zeros((D,), jnp.float32)
    W2 = jax.random.uniform(ks[3], (D, D), jnp.float32, -scale, scale)
    b2 = jnp.zeros((D,), jnp.float32)
    g1 = jnp.ones((D,), jnp.float32)
    be1 = jnp.zeros((D,), jnp.float32)
    g2 = jnp.ones((D,), jnp.float32)
    be2 = jnp.zeros((D,), jnp.float32)
    return {"x": x, "edge_index": edge_index, "W1": W1, "b1": b1, "g1": g1, "be1": be1, "W2": W2, "b2": b2, "g2": g2, "be2": be2}


def _gcn_conv(x, edge_index, W, b):
    # GCNConv(normalize=False, add_self_loops=False): linear then scatter-add src->dst
    h = x @ W
    src = edge_index[0]
    dst = edge_index[1]
    agg = jnp.zeros_like(h).at[dst].add(h[src])
    return agg + b


def _batchnorm(h, gamma, beta):
    # BatchNorm1d in training mode: biased batch stats over node dimension
    m = jnp.mean(h, axis=0)
    v = jnp.var(h, axis=0)
    return (h - m) / jnp.sqrt(v + EPS) * gamma + beta


def reference(x, edge_index, W1, b1, g1, be1, W2, b2, g2, be2):
    h = _gcn_conv(x, edge_index, W1, b1)
    h = _batchnorm(h, g1, be1)
    h = jax.nn.relu(h)
    h = _gcn_conv(h, edge_index, W2, b2)
    out = _batchnorm(h, g2, be2)
    return out

if __name__ == "__main__":
    import jax
    _d = setup_inputs()
    print(jax.jit(kernel)(*tuple(_d.values())))

</pallas_src>

<mosaic_0001>
#map = affine_map<(d0, d1) -> (0, 0)>
#map1 = affine_map<(d0, d1) -> (0, 0, 0)>
module attributes {stable_mosaic.version = 14 : i64} {
  func.func @k(%arg0: i32, %arg1: i32, %arg2: memref<10000x128xf32, #tpu.memory_space<hbm>>, %arg3: memref<10000x128xf32, #tpu.memory_space<hbm>>, %arg4: memref<16x80x125xi32, #tpu.memory_space<hbm>>, %arg5: memref<16x80x125xi32, #tpu.memory_space<hbm>>, %arg6: memref<640x128xf32, #tpu.memory_space<hbm>>, %arg7: memref<10000x128xf32, #tpu.memory_space<hbm>>, %arg8: memref<10000x128xf32, #tpu.memory_space<hbm>>, %arg9: memref<16x125xi32, #tpu.memory_space<vmem>>, %arg10: memref<16x125xi32, #tpu.memory_space<vmem>>, %arg11: memref<125x128xf32, #tpu.memory_space<vmem>>, %arg12: memref<125x128xf32, #tpu.memory_space<vmem>>, %arg13: memref<10000x128xf32, #tpu.memory_space<vmem_shared>>, %arg14: memref<!tpu.dma_semaphore, #tpu.memory_space<semaphore_mem>>, %arg15: memref<!tpu.dma_semaphore, #tpu.memory_space<semaphore_mem>>) attributes {dimension_semantics = [#tpu.dimension_semantics<core_parallel>, #tpu.dimension_semantics<subcore_parallel>], iteration_bounds = array<i64: 2, 16>, scalar_prefetch = 0 : i64, scratch_operands = 7 : i64, tpu.core_type = #tpu.core_type<sc_vector_subcore>, window_params = [{transform_indices = #map}, {transform_indices = #map}, {transform_indices = #map1}, {transform_indices = #map1}, {transform_indices = #map}, {transform_indices = #map}, {transform_indices = #map}]} {
    %mul3A = arith.constant 624 : i32
    %mul3A_0 = arith.muli %arg1, %mul3A : i32
    %lt3A = arith.constant 15 : i32
    %lt3A_1 = arith.cmpi slt, %arg1, %lt3A : i32
    %convert_element_type3A = arith.extui %lt3A_1 : i1 to i32
    %cond3A = arith.constant 0 : i32
    %cond3A_2 = arith.cmpi ne, %convert_element_type3A, %cond3A : i32
    scf.if %cond3A_2 {
      "tpu.region"() ({
        %run_scoped3A = tpu.sem_alloc : memref<!tpu.dma_semaphore, #tpu.memory_space<semaphore_mem>>
        %dma_start3A = arith.constant 0 : i32
        %dma_start3A_28 = tpu.memref_slice %arg13[%mul3A_0, %dma_start3A] : memref<10000x128xf32, #tpu.memory_space<vmem_shared>> -> memref<624x128xf32, #tpu.memory_space<vmem_shared>>
        %dma_start3A_29 = arith.constant 0 : i32
        %dma_start3A_30 = arith.constant 0 : i32
        %dma_start3A_31 = tpu.memref_slice %arg6[%dma_start3A_29, %dma_start3A_30] : memref<640x128xf32, #tpu.memory_space<hbm>> -> memref<624x128xf32, #tpu.memory_space<hbm>>
        tpu.enqueue_dma source(%dma_start3A_31 : memref<624x128xf32, #tpu.memory_space<hbm>>) target(%dma_start3A_28 : memref<624x128xf32, #tpu.memory_space<vmem_shared>>) target_semaphore(%run_scoped3A : memref<!tpu.dma_semaphore, #tpu.memory_space<semaphore_mem>>)
        %dma_wait3A = arith.constant 0 : i32
        %dma_wait3A_32 = tpu.memref_slice %arg13[%mul3A_0, %dma_wait3A] : memref<10000x128xf32, #tpu.memory_space<vmem_shared>> -> memref<624x128xf32, #tpu.memory_space<vmem_shared>>
        %dma_wait3A_33 = arith.constant 0 : i32
        %dma_wait3A_34 = arith.constant 0 : i32
        %dma_wait3A_35 = tpu.memref_slice %arg6[%dma_wait3A_33, %dma_wait3A_34] : memref<640x128xf32, #tpu.memory_space<hbm>> -> memref<624x128xf32, #tpu.memory_space<hbm>>
        tpu.wait_dma2 semaphore(%run_scoped3A : memref<!tpu.dma_semaphore, #tpu.memory_space<semaphore_mem>>) src(%dma_wait3A_35 : memref<624x128xf32, #tpu.memory_space<hbm>>) dst(%dma_wait3A_32 : memref<624x128xf32, #tpu.memory_space<vmem_shared>>)
        tpu.yield
      }) : () -> ()
    } else {
    }
    %eq3A = arith.constant 15 : i32
    %eq3A_3 = arith.cmpi eq, %arg1, %eq3A : i32
    %convert_element_type3A_4 = arith.extui %eq3A_3 : i1 to i32
    %cond3A_5 = arith.constant 0 : i32
    %cond3A_6 = arith.cmpi ne, %convert_element_type3A_4, %cond3A_5 : i32
    scf.if %cond3A_6 {
      "tpu.region"() ({
        %run_scoped3A = tpu.sem_alloc : memref<!tpu.dma_semaphore, #tpu.memory_space<semaphore_mem>>
        %dma_start3A = arith.constant 9360 : i32
        %dma_start3A_28 = arith.constant 0 : i32
        %dma_start3A_29 = tpu.memref_slice %arg13[%dma_start3A, %dma_start3A_28] : memref<10000x128xf32, #tpu.memory_space<vmem_shared>> -> memref<640x128xf32, #tpu.memory_space<vmem_shared>>
        tpu.enqueue_dma source(%arg6 : memref<640x128xf32, #tpu.memory_space<hbm>>) target(%dma_start3A_29 : memref<640x128xf32, #tpu.memory_space<vmem_shared>>) target_semaphore(%run_scoped3A : memref<!tpu.dma_semaphore, #tpu.memory_space<semaphore_mem>>)
        %dma_wait3A = arith.constant 9360 : i32
        %dma_wait3A_30 = arith.constant 0 : i32
        %dma_wait3A_31 = tpu.memref_slice %arg13[%dma_wait3A, %dma_wait3A_30] : memref<10000x128xf32, #tpu.memory_space<vmem_shared>> -> memref<640x128xf32, #tpu.memory_space<vmem_shared>>
        tpu.wait_dma2 semaphore(%run_scoped3A : memref<!tpu.dma_semaphore, #tpu.memory_space<semaphore_mem>>) src(%arg6 : memref<640x128xf32, #tpu.memory_space<hbm>>) dst(%dma_wait3A_31 : memref<640x128xf32, #tpu.memory_space<vmem_shared>>)
        tpu.yield
      }) : () -> ()
    } else {
    }
    %barrier3A = arith.constant 0 : index
    tpu.barrier barrier_id(%barrier3A)
    %eq3A_7 = arith.constant 0 : i32
    %eq3A_8 = arith.cmpi eq, %arg0, %eq3A_7 : i32
    %convert_element_type3A_9 = arith.extui %eq3A_8 : i1 to i32
    %cond3A_10 = arith.constant 0 : i32
    %cond3A_11 = arith.cmpi ne, %convert_element_type3A_9, %cond3A_10 : i32
    scf.if %cond3A_11 {
      %scan3A = arith.constant 0 : i32
      %scan3A_28 = arith.constant 0 : i32
      %scan3A_29 = arith.constant 5 : i32
      %scan3A_30 = arith.addi %scan3A_28, %scan3A_29 : i32
      %scan3A_31 = arith.constant 1 : i32
      scf.for %scan3A_33 = %scan3A_28 to %scan3A_30 step %scan3A_31  : i32 {
        %mul3A_34 = arith.constant 16 : i32
        %mul3A_35 = arith.muli %scan3A_33, %mul3A_34 : i32
        "tpu.region"() ({
          %run_scoped3A = tpu.sem_alloc : memref<!tpu.dma_semaphore, #tpu.memory_space<semaphore_mem>>
          %dma_start3A_48 = arith.constant 0 : i32
          %dma_start3A_49 = tpu.memref_slice %arg4[%arg1, %mul3A_35, %dma_start3A_48] : memref<16x80x125xi32, #tpu.memory_space<hbm>> -> memref<1x16x125xi32, #tpu.memory_space<hbm>>
          %dma_start3A_50 = tpu.memref_squeeze %dma_start3A_49 : memref<1x16x125xi32, #tpu.memory_space<hbm>> -> memref<16x125xi32, #tpu.memory_space<hbm>>
          %dma_start3A_51 = arith.constant 0 : i32
          %dma_start3A_52 = tpu.memref_slice %arg4[%arg1, %mul3A_35, %dma_start3A_51] : memref<16x80x125xi32, #tpu.memory_space<hbm>> -> memref<1x16x125xi32, #tpu.memory_space<hbm>>
          %dma_start3A_53 = tpu.memref_squeeze %dma_start3A_52 : memref<1x16x125xi32, #tpu.memory_space<hbm>> -> memref<16x125xi32, #tpu.memory_space<hbm>>
          tpu.enqueue_dma source(%dma_start3A_53 : memref<16x125xi32, #tpu.memory_space<hbm>>) target(%arg9 : memref<16x125xi32, #tpu.memory_space<vmem>>) target_semaphore(%run_scoped3A : memref<!tpu.dma_semaphore, #tpu.memory_space<semaphore_mem>>)
          %dma_wait3A = arith.constant 0 : i32
          %dma_wait3A_54 = tpu.memref_slice %arg4[%arg1, %mul3A_35, %dma_wait3A] : memref<16x80x125xi32, #tpu.memory_space<hbm>> -> memref<1x16x125xi32, #tpu.memory_space<hbm>>
          %dma_wait3A_55 = tpu.memref_squeeze %dma_wait3A_54 : memref<1x16x125xi32, #tpu.memory_space<hbm>> -> memref<16x125xi32, #tpu.memory_space<hbm>>
          %dma_wait3A_56 = arith.constant 0 : i32
          %dma_wait3A_57 = tpu.memref_slice %arg4[%arg1, %mul3A_35, %dma_wait3A_56] : memref<16x80x125xi32, #tpu.memory_space<hbm>> -> memref<1x16x125xi32, #tpu.memory_space<hbm>>
          %dma_wait3A_58 = tpu.memref_squeeze %dma_wait3A_57 : memref<1x16x125xi32, #tpu.memory_space<hbm>> -> memref<16x125xi32, #tpu.memory_space<hbm>>
          tpu.wait_dma2 semaphore(%run_scoped3A : memref<!tpu.dma_semaphore, #tpu.memory_space<semaphore_mem>>) src(%dma_wait3A_58 : memref<16x125xi32, #tpu.memory_space<hbm>>) dst(%arg9 : memref<16x125xi32, #tpu.memory_space<vmem>>)
          tpu.yield
        }) : () -> ()
        "tpu.region"() ({
          %run_scoped3A = tpu.sem_alloc : memref<!tpu.dma_semaphore, #tpu.memory_space<semaphore_mem>>
          %dma_start3A_48 = arith.constant 0 : i32
          %dma_start3A_49 = tpu.memref_slice %arg5[%arg1, %mul3A_35, %dma_start3A_48] : memref<16x80x125xi32, #tpu.memory_space<hbm>> -> memref<1x16x125xi32, #tpu.memory_space<hbm>>
          %dma_start3A_50 = tpu.memref_squeeze %dma_start3A_49 : memref<1x16x125xi32, #tpu.memory_space<hbm>> -> memref<16x125xi32, #tpu.memory_space<hbm>>
          %dma_start3A_51 = arith.constant 0 : i32
          %dma_start3A_52 = tpu.memref_slice %arg5[%arg1, %mul3A_35, %dma_start3A_51] : memref<16x80x125xi32, #tpu.memory_space<hbm>> -> memref<1x16x125xi32, #tpu.memory_space<hbm>>
          %dma_start3A_53 = tpu.memref_squeeze %dma_start3A_52 : memref<1x16x125xi32, #tpu.memory_space<hbm>> -> memref<16x125xi32, #tpu.memory_space<hbm>>
          tpu.enqueue_dma source(%dma_start3A_53 : memref<16x125xi32, #tpu.memory_space<hbm>>) target(%arg10 : memref<16x125xi32, #tpu.memory_space<vmem>>) target_semaphore(%run_scoped3A : memref<!tpu.dma_semaphore, #tpu.memory_space<semaphore_mem>>)
          %dma_wait3A = arith.constant 0 : i32
          %dma_wait3A_54 = tpu.memref_slice %arg5[%arg1, %mul3A_35, %dma_wait3A] : memref<16x80x125xi32, #tpu.memory_space<hbm>> -> memref<1x16x125xi32, #tpu.memory_space<hbm>>
          %dma_wait3A_55 = tpu.memref_squeeze %dma_wait3A_54 : memref<1x16x125xi32, #tpu.memory_space<hbm>> -> memref<16x125xi32, #tpu.memory_space<hbm>>
          %dma_wait3A_56 = arith.constant 0 : i32
          %dma_wait3A_57 = tpu.memref_slice %arg5[%arg1, %mul3A_35, %dma_wait3A_56] : memref<16x80x125xi32, #tpu.memory_space<hbm>> -> memref<1x16x125xi32, #tpu.memory_space<hbm>>
          %dma_wait3A_58 = tpu.memref_squeeze %dma_wait3A_57 : memref<1x16x125xi32, #tpu.memory_space<hbm>> -> memref<16x125xi32, #tpu.memory_space<hbm>>
          tpu.wait_dma2 semaphore(%run_scoped3A : memref<!tpu.dma_semaphore, #tpu.memory_space<semaphore_mem>>) src(%dma_wait3A_58 : memref<16x125xi32, #tpu.memory_space<hbm>>) dst(%arg10 : memref<16x125xi32, #tpu.memory_space<vmem>>)
          tpu.yield
        }) : () -> ()
        %dma_start3A = arith.constant 0 : i32
        %dma_start3A_36 = arith.constant 0 : i32
        %dma_start3A_37 = tpu.memref_slice %arg9[%dma_start3A, %dma_start3A_36] : memref<16x125xi32, #tpu.memory_space<vmem>> -> memref<1x125xi32, #tpu.memory_space<vmem>>
        %dma_start3A_38 = tpu.memref_squeeze %dma_start3A_37 : memref<1x125xi32, #tpu.memory_space<vmem>> -> memref<125xi32, #tpu.memory_space<vmem>>
        %dma_start3A_39 = arith.constant 0 : i32
        %dma_start3A_40 = arith.constant 0 : i32
        %dma_start3A_41 = tpu.memref_slice %arg2[%dma_start3A_39, %dma_start3A_40] : memref<10000x128xf32, #tpu.memory_space<hbm>> -> memref<10000x128xf32, #tpu.memory_space<hbm>>
        tpu.enqueue_indirect_dma source(%dma_start3A_41 : memref<10000x128xf32, #tpu.memory_space<hbm>>) target(%arg11 : memref<125x128xf32, #tpu.memory_space<vmem>>) offsets(%dma_start3A_38 : memref<125xi32, #tpu.memory_space<vmem>>) semaphore(%arg14 : memref<!tpu.dma_semaphore, #tpu.memory_space<semaphore_mem>>)
        %scan3A_42 = arith.constant 0 : i32
        %scan3A_43 = arith.constant 0 : i32
        %scan3A_44 = arith.constant 8 : i32
        %scan3A_45 = arith.addi %scan3A_43, %scan3A_44 : i32
        %scan3A_46 = arith.constant 1 : i32
        scf.for %scan3A_48 = %scan3A_43 to %scan3A_45 step %scan3A_46  : i32 {
          %mul3A_49 = arith.constant 2 : i32
          %mul3A_50 = arith.muli %scan3A_48, %mul3A_49 : i32
          %add3A = arith.constant 0 : i32
          %add3A_51 = arith.addi %mul3A_50, %add3A : i32
          %add3A_52 = arith.constant 1 : i32
          %add3A_53 = arith.addi %add3A_51, %add3A_52 : i32
          %lt3A_54 = arith.constant 16 : i32
          %lt3A_55 = arith.cmpi slt, %add3A_53, %lt3A_54 : i32
          %convert_element_type3A_56 = arith.extui %lt3A_55 : i1 to i32
          %cond3A_57 = arith.constant 0 : i32
          %cond3A_58 = arith.cmpi ne, %convert_element_type3A_56, %cond3A_57 : i32
          scf.if %cond3A_58 {
            %add3A_79 = arith.constant 1 : i32
            %add3A_80 = arith.addi %add3A_51, %add3A_79 : i32
            %dma_start3A_81 = arith.constant 0 : i32
            %dma_start3A_82 = tpu.memref_slice %arg9[%add3A_80, %dma_start3A_81] : memref<16x125xi32, #tpu.memory_space<vmem>> -> memref<1x125xi32, #tpu.memory_space<vmem>>
            %dma_start3A_83 = tpu.memref_squeeze %dma_start3A_82 : memref<1x125xi32, #tpu.memory_space<vmem>> -> memref<125xi32, #tpu.memory_space<vmem>>
            %dma_start3A_84 = arith.constant 0 : i32
            %dma_start3A_85 = arith.constant 0 : i32
            %dma_start3A_86 = tpu.memref_slice %arg2[%dma_start3A_84, %dma_start3A_85] : memref<10000x128xf32, #tpu.memory_space<hbm>> -> memref<10000x128xf32, #tpu.memory_space<hbm>>
            tpu.enqueue_indirect_dma source(%dma_start3A_86 : memref<10000x128xf32, #tpu.memory_space<hbm>>) target(%arg12 : memref<125x128xf32, #tpu.memory_space<vmem>>) offsets(%dma_start3A_83 : memref<125xi32, #tpu.memory_space<vmem>>) semaphore(%arg15 : memref<!tpu.dma_semaphore, #tpu.memory_space<semaphore_mem>>)
          } else {
          }
          %dma_wait3A = arith.constant 0 : i32
          %dma_wait3A_59 = tpu.memref_slice %arg9[%add3A_51, %dma_wait3A] : memref<16x125xi32, #tpu.memory_space<vmem>> -> memref<1x125xi32, #tpu.memory_space<vmem>>
          %dma_wait3A_60 = tpu.memref_squeeze %dma_wait3A_59 : memref<1x125xi32, #tpu.memory_space<vmem>> -> memref<125xi32, #tpu.memory_space<vmem>>
          %dma_wait3A_61 = arith.constant 0 : i32
          %dma_wait3A_62 = arith.constant 0 : i32
          %dma_wait3A_63 = tpu.memref_slice %arg2[%dma_wait3A_61, %dma_wait3A_62] : memref<10000x128xf32, #tpu.memory_space<hbm>> -> memref<10000x128xf32, #tpu.memory_space<hbm>>
          tpu.wait_indirect_dma semaphore(%arg14 : memref<!tpu.dma_semaphore, #tpu.memory_space<semaphore_mem>>) src(%dma_wait3A_63 : memref<10000x128xf32, #tpu.memory_space<hbm>>) dst(%arg11 : memref<125x128xf32, #tpu.memory_space<vmem>>)
          "tpu.region"() ({
            %run_scoped3A = tpu.sem_alloc : memref<!tpu.dma_semaphore, #tpu.memory_space<semaphore_mem>>
            %dma_start3A_79 = arith.constant 0 : i32
            %dma_start3A_80 = tpu.memref_slice %arg10[%add3A_51, %dma_start3A_79] : memref<16x125xi32, #tpu.memory_space<vmem>> -> memref<1x125xi32, #tpu.memory_space<vmem>>
            %dma_start3A_81 = tpu.memref_squeeze %dma_start3A_80 : memref<1x125xi32, #tpu.memory_space<vmem>> -> memref<125xi32, #tpu.memory_space<vmem>>
            %dma_start3A_82 = arith.constant 0 : i32
            %dma_start3A_83 = arith.constant 0 : i32
            %dma_start3A_84 = tpu.memref_slice %arg13[%dma_start3A_82, %dma_start3A_83] : memref<10000x128xf32, #tpu.memory_space<vmem_shared>> -> memref<10000x128xf32, #tpu.memory_space<vmem_shared>>
            tpu.enqueue_indirect_dma source(%arg11 : memref<125x128xf32, #tpu.memory_space<vmem>>) target(%dma_start3A_84 : memref<10000x128xf32, #tpu.memory_space<vmem_shared>>) offsets(%dma_start3A_81 : memref<125xi32, #tpu.memory_space<vmem>>) semaphore(%run_scoped3A : memref<!tpu.dma_semaphore, #tpu.memory_space<semaphore_mem>>) {add = true}
            %dma_wait3A_85 = arith.constant 0 : i32
            %dma_wait3A_86 = tpu.memref_slice %arg10[%add3A_51, %dma_wait3A_85] : memref<16x125xi32, #tpu.memory_space<vmem>> -> memref<1x125xi32, #tpu.memory_space<vmem>>
            %dma_wait3A_87 = tpu.memref_squeeze %dma_wait3A_86 : memref<1x125xi32, #tpu.memory_space<vmem>> -> memref<125xi32, #tpu.memory_space<vmem>>
            %dma_wait3A_88 = arith.constant 0 : i32
            %dma_wait3A_89 = arith.constant 0 : i32
            %dma_wait3A_90 = tpu.memref_slice %arg13[%dma_wait3A_88, %dma_wait3A_89] : memref<10000x128xf32, #tpu.memory_space<vmem_shared>> -> memref<10000x128xf32, #tpu.memory_space<vmem_shared>>
            tpu.wait_indirect_dma semaphore(%run_scoped3A : memref<!tpu.dma_semaphore, #tpu.memory_space<semaphore_mem>>) src(%arg11 : memref<125x128xf32, #tpu.memory_space<vmem>>) dst(%dma_wait3A_90 : memref<10000x128xf32, #tpu.memory_space<vmem_shared>>)
            tpu.yield
          }) : () -> ()
          %add3A_64 = arith.constant 1 : i32
          %add3A_65 = arith.addi %mul3A_50, %add3A_64 : i32
          %add3A_66 = arith.constant 1 : i32
          %add3A_67 = arith.addi %add3A_65, %add3A_66 : i32
          %lt3A_68 = arith.constant 16 : i32
          %lt3A_69 = arith.cmpi slt, %add3A_67, %lt3A_68 : i32
          %convert_element_type3A_70 = arith.extui %lt3A_69 : i1 to i32
          %cond3A_71 = arith.constant 0 : i32
          %cond3A_72 = arith.cmpi ne, %convert_element_type3A_70, %cond3A_71 : i32
          scf.if %cond3A_72 {
            %add3A_79 = arith.constant 1 : i32
            %add3A_80 = arith.addi %add3A_65, %add3A_79 : i32
            %dma_start3A_81 = arith.constant 0 : i32
            %dma_start3A_82 = tpu.memref_slice %arg9[%add3A_80, %dma_start3A_81] : memref<16x125xi32, #tpu.memory_space<vmem>> -> memref<1x125xi32, #tpu.memory_space<vmem>>
            %dma_start3A_83 = tpu.memref_squeeze %dma_start3A_82 : memref<1x125xi32, #tpu.memory_space<vmem>> -> memref<125xi32, #tpu.memory_space<vmem>>
            %dma_start3A_84 = arith.constant 0 : i32
            %dma_start3A_85 = arith.constant 0 : i32
            %dma_start3A_86 = tpu.memref_slice %arg2[%dma_start3A_84, %dma_start3A_85] : memref<10000x128xf32, #tpu.memory_space<hbm>> -> memref<10000x128xf32, #tpu.memory_space<hbm>>
            tpu.enqueue_indirect_dma source(%dma_start3A_86 : memref<10000x128xf32, #tpu.memory_space<hbm>>) target(%arg11 : memref<125x128xf32, #tpu.memory_space<vmem>>) offsets(%dma_start3A_83 : memref<125xi32, #tpu.memory_space<vmem>>) semaphore(%arg14 : memref<!tpu.dma_semaphore, #tpu.memory_space<semaphore_mem>>)
          } else {
          }
          %dma_wait3A_73 = arith.constant 0 : i32
          %dma_wait3A_74 = tpu.memref_slice %arg9[%add3A_65, %dma_wait3A_73] : memref<16x125xi32, #tpu.memory_space<vmem>> -> memref<1x125xi32, #tpu.memory_space<vmem>>
          %dma_wait3A_75 = tpu.memref_squeeze %dma_wait3A_74 : memref<1x125xi32, #tpu.memory_space<vmem>> -> memref<125xi32, #tpu.memory_space<vmem>>
          %dma_wait3A_76 = arith.constant 0 : i32
          %dma_wait3A_77 = arith.constant 0 : i32
          %dma_wait3A_78 = tpu.memref_slice %arg2[%dma_wait3A_76, %dma_wait3A_77] : memref<10000x128xf32, #tpu.memory_space<hbm>> -> memref<10000x128xf32, #tpu.memory_space<hbm>>
          tpu.wait_indirect_dma semaphore(%arg15 : memref<!tpu.dma_semaphore, #tpu.memory_space<semaphore_mem>>) src(%dma_wait3A_78 : memref<10000x128xf32, #tpu.memory_space<hbm>>) dst(%arg12 : memref<125x128xf32, #tpu.memory_space<vmem>>)
          "tpu.region"() ({
            %run_scoped3A = tpu.sem_alloc : memref<!tpu.dma_semaphore, #tpu.memory_space<semaphore_mem>>
            %dma_start3A_79 = arith.constant 0 : i32
            %dma_start3A_80 = tpu.memref_slice %arg10[%add3A_65, %dma_start3A_79] : memref<16x125xi32, #tpu.memory_space<vmem>> -> memref<1x125xi32, #tpu.memory_space<vmem>>
            %dma_start3A_81 = tpu.memref_squeeze %dma_start3A_80 : memref<1x125xi32, #tpu.memory_space<vmem>> -> memref<125xi32, #tpu.memory_space<vmem>>
            %dma_start3A_82 = arith.constant 0 : i32
            %dma_start3A_83 = arith.constant 0 : i32
            %dma_start3A_84 = tpu.memref_slice %arg13[%dma_start3A_82, %dma_start3A_83] : memref<10000x128xf32, #tpu.memory_space<vmem_shared>> -> memref<10000x128xf32, #tpu.memory_space<vmem_shared>>
            tpu.enqueue_indirect_dma source(%arg12 : memref<125x128xf32, #tpu.memory_space<vmem>>) target(%dma_start3A_84 : memref<10000x128xf32, #tpu.memory_space<vmem_shared>>) offsets(%dma_start3A_81 : memref<125xi32, #tpu.memory_space<vmem>>) semaphore(%run_scoped3A : memref<!tpu.dma_semaphore, #tpu.memory_space<semaphore_mem>>) {add = true}
            %dma_wait3A_85 = arith.constant 0 : i32
            %dma_wait3A_86 = tpu.memref_slice %arg10[%add3A_65, %dma_wait3A_85] : memref<16x125xi32, #tpu.memory_space<vmem>> -> memref<1x125xi32, #tpu.memory_space<vmem>>
            %dma_wait3A_87 = tpu.memref_squeeze %dma_wait3A_86 : memref<1x125xi32, #tpu.memory_space<vmem>> -> memref<125xi32, #tpu.memory_space<vmem>>
            %dma_wait3A_88 = arith.constant 0 : i32
            %dma_wait3A_89 = arith.constant 0 : i32
            %dma_wait3A_90 = tpu.memref_slice %arg13[%dma_wait3A_88, %dma_wait3A_89] : memref<10000x128xf32, #tpu.memory_space<vmem_shared>> -> memref<10000x128xf32, #tpu.memory_space<vmem_shared>>
            tpu.wait_indirect_dma semaphore(%run_scoped3A : memref<!tpu.dma_semaphore, #tpu.memory_space<semaphore_mem>>) src(%arg12 : memref<125x128xf32, #tpu.memory_space<vmem>>) dst(%dma_wait3A_90 : memref<10000x128xf32, #tpu.memory_space<vmem_shared>>)
            tpu.yield
          }) : () -> ()
        }
        %scan3A_47 = arith.constant 8 : i32
      }
      %scan3A_32 = arith.constant 5 : i32
    } else {
    }
    %eq3A_12 = arith.constant 1 : i32
    %eq3A_13 = arith.cmpi eq, %arg0, %eq3A_12 : i32
    %convert_element_type3A_14 = arith.extui %eq3A_13 : i1 to i32
    %cond3A_15 = arith.constant 0 : i32
    %cond3A_16 = arith.cmpi ne, %convert_element_type3A_14, %cond3A_15 : i32
    scf.if %cond3A_16 {
      %scan3A = arith.constant 0 : i32
      %scan3A_28 = arith.constant 0 : i32
      %scan3A_29 = arith.constant 5 : i32
      %scan3A_30 = arith.addi %scan3A_28, %scan3A_29 : i32
      %scan3A_31 = arith.constant 1 : i32
      scf.for %scan3A_33 = %scan3A_28 to %scan3A_30 step %scan3A_31  : i32 {
        %mul3A_34 = arith.constant 16 : i32
        %mul3A_35 = arith.muli %scan3A_33, %mul3A_34 : i32
        "tpu.region"() ({
          %run_scoped3A = tpu.sem_alloc : memref<!tpu.dma_semaphore, #tpu.memory_space<semaphore_mem>>
          %dma_start3A_48 = arith.constant 0 : i32
          %dma_start3A_49 = tpu.memref_slice %arg4[%arg1, %mul3A_35, %dma_start3A_48] : memref<16x80x125xi32, #tpu.memory_space<hbm>> -> memref<1x16x125xi32, #tpu.memory_space<hbm>>
          %dma_start3A_50 = tpu.memref_squeeze %dma_start3A_49 : memref<1x16x125xi32, #tpu.memory_space<hbm>> -> memref<16x125xi32, #tpu.memory_space<hbm>>
          %dma_start3A_51 = arith.constant 0 : i32
          %dma_start3A_52 = tpu.memref_slice %arg4[%arg1, %mul3A_35, %dma_start3A_51] : memref<16x80x125xi32, #tpu.memory_space<hbm>> -> memref<1x16x125xi32, #tpu.memory_space<hbm>>
          %dma_start3A_53 = tpu.memref_squeeze %dma_start3A_52 : memref<1x16x125xi32, #tpu.memory_space<hbm>> -> memref<16x125xi32, #tpu.memory_space<hbm>>
          tpu.enqueue_dma source(%dma_start3A_53 : memref<16x125xi32, #tpu.memory_space<hbm>>) target(%arg9 : memref<16x125xi32, #tpu.memory_space<vmem>>) target_semaphore(%run_scoped3A : memref<!tpu.dma_semaphore, #tpu.memory_space<semaphore_mem>>)
          %dma_wait3A = arith.constant 0 : i32
          %dma_wait3A_54 = tpu.memref_slice %arg4[%arg1, %mul3A_35, %dma_wait3A] : memref<16x80x125xi32, #tpu.memory_space<hbm>> -> memref<1x16x125xi32, #tpu.memory_space<hbm>>
          %dma_wait3A_55 = tpu.memref_squeeze %dma_wait3A_54 : memref<1x16x125xi32, #tpu.memory_space<hbm>> -> memref<16x125xi32, #tpu.memory_space<hbm>>
          %dma_wait3A_56 = arith.constant 0 : i32
          %dma_wait3A_57 = tpu.memref_slice %arg4[%arg1, %mul3A_35, %dma_wait3A_56] : memref<16x80x125xi32, #tpu.memory_space<hbm>> -> memref<1x16x125xi32, #tpu.memory_space<hbm>>
          %dma_wait3A_58 = tpu.memref_squeeze %dma_wait3A_57 : memref<1x16x125xi32, #tpu.memory_space<hbm>> -> memref<16x125xi32, #tpu.memory_space<hbm>>
          tpu.wait_dma2 semaphore(%run_scoped3A : memref<!tpu.dma_semaphore, #tpu.memory_space<semaphore_mem>>) src(%dma_wait3A_58 : memref<16x125xi32, #tpu.memory_space<hbm>>) dst(%arg9 : memref<16x125xi32, #tpu.memory_space<vmem>>)
          tpu.yield
        }) : () -> ()
        "tpu.region"() ({
          %run_scoped3A = tpu.sem_alloc : memref<!tpu.dma_semaphore, #tpu.memory_space<semaphore_mem>>
          %dma_start3A_48 = arith.constant 0 : i32
          %dma_start3A_49 = tpu.memref_slice %arg5[%arg1, %mul3A_35, %dma_start3A_48] : memref<16x80x125xi32, #tpu.memory_space<hbm>> -> memref<1x16x125xi32, #tpu.memory_space<hbm>>
          %dma_start3A_50 = tpu.memref_squeeze %dma_start3A_49 : memref<1x16x125xi32, #tpu.memory_space<hbm>> -> memref<16x125xi32, #tpu.memory_space<hbm>>
          %dma_start3A_51 = arith.constant 0 : i32
          %dma_start3A_52 = tpu.memref_slice %arg5[%arg1, %mul3A_35, %dma_start3A_51] : memref<16x80x125xi32, #tpu.memory_space<hbm>> -> memref<1x16x125xi32, #tpu.memory_space<hbm>>
          %dma_start3A_53 = tpu.memref_squeeze %dma_start3A_52 : memref<1x16x125xi32, #tpu.memory_space<hbm>> -> memref<16x125xi32, #tpu.memory_space<hbm>>
          tpu.enqueue_dma source(%dma_start3A_53 : memref<16x125xi32, #tpu.memory_space<hbm>>) target(%arg10 : memref<16x125xi32, #tpu.memory_space<vmem>>) target_semaphore(%run_scoped3A : memref<!tpu.dma_semaphore, #tpu.memory_space<semaphore_mem>>)
          %dma_wait3A = arith.constant 0 : i32
          %dma_wait3A_54 = tpu.memref_slice %arg5[%arg1, %mul3A_35, %dma_wait3A] : memref<16x80x125xi32, #tpu.memory_space<hbm>> -> memref<1x16x125xi32, #tpu.memory_space<hbm>>
          %dma_wait3A_55 = tpu.memref_squeeze %dma_wait3A_54 : memref<1x16x125xi32, #tpu.memory_space<hbm>> -> memref<16x125xi32, #tpu.memory_space<hbm>>
          %dma_wait3A_56 = arith.constant 0 : i32
          %dma_wait3A_57 = tpu.memref_slice %arg5[%arg1, %mul3A_35, %dma_wait3A_56] : memref<16x80x125xi32, #tpu.memory_space<hbm>> -> memref<1x16x125xi32, #tpu.memory_space<hbm>>
          %dma_wait3A_58 = tpu.memref_squeeze %dma_wait3A_57 : memref<1x16x125xi32, #tpu.memory_space<hbm>> -> memref<16x125xi32, #tpu.memory_space<hbm>>
          tpu.wait_dma2 semaphore(%run_scoped3A : memref<!tpu.dma_semaphore, #tpu.memory_space<semaphore_mem>>) src(%dma_wait3A_58 : memref<16x125xi32, #tpu.memory_space<hbm>>) dst(%arg10 : memref<16x125xi32, #tpu.memory_space<vmem>>)
          tpu.yield
        }) : () -> ()
        %dma_start3A = arith.constant 0 : i32
        %dma_start3A_36 = arith.constant 0 : i32
        %dma_start3A_37 = tpu.memref_slice %arg9[%dma_start3A, %dma_start3A_36] : memref<16x125xi32, #tpu.memory_space<vmem>> -> memref<1x125xi32, #tpu.memory_space<vmem>>
        %dma_start3A_38 = tpu.memref_squeeze %dma_start3A_37 : memref<1x125xi32, #tpu.memory_space<vmem>> -> memref<125xi32, #tpu.memory_space<vmem>>
        %dma_start3A_39 = arith.constant 0 : i32
        %dma_start3A_40 = arith.constant 0 : i32
        %dma_start3A_41 = tpu.memref_slice %arg3[%dma_start3A_39, %dma_start3A_40] : memref<10000x128xf32, #tpu.memory_space<hbm>> -> memref<10000x128xf32, #tpu.memory_space<hbm>>
        tpu.enqueue_indirect_dma source(%dma_start3A_41 : memref<10000x128xf32, #tpu.memory_space<hbm>>) target(%arg11 : memref<125x128xf32, #tpu.memory_space<vmem>>) offsets(%dma_start3A_38 : memref<125xi32, #tpu.memory_space<vmem>>) semaphore(%arg14 : memref<!tpu.dma_semaphore, #tpu.memory_space<semaphore_mem>>)
        %scan3A_42 = arith.constant 0 : i32
        %scan3A_43 = arith.constant 0 : i32
        %scan3A_44 = arith.constant 8 : i32
        %scan3A_45 = arith.addi %scan3A_43, %scan3A_44 : i32
        %scan3A_46 = arith.constant 1 : i32
        scf.for %scan3A_48 = %scan3A_43 to %scan3A_45 step %scan3A_46  : i32 {
          %mul3A_49 = arith.constant 2 : i32
          %mul3A_50 = arith.muli %scan3A_48, %mul3A_49 : i32
          %add3A = arith.constant 0 : i32
          %add3A_51 = arith.addi %mul3A_50, %add3A : i32
          %add3A_52 = arith.constant 1 : i32
          %add3A_53 = arith.addi %add3A_51, %add3A_52 : i32
          %lt3A_54 = arith.constant 16 : i32
          %lt3A_55 = arith.cmpi slt, %add3A_53, %lt3A_54 : i32
          %convert_element_type3A_56 = arith.extui %lt3A_55 : i1 to i32
          %cond3A_57 = arith.constant 0 : i32
          %cond3A_58 = arith.cmpi ne, %convert_element_type3A_56, %cond3A_57 : i32
          scf.if %cond3A_58 {
            %add3A_79 = arith.constant 1 : i32
            %add3A_80 = arith.addi %add3A_51, %add3A_79 : i32
            %dma_start3A_81 = arith.constant 0 : i32
            %dma_start3A_82 = tpu.memref_slice %arg9[%add3A_80, %dma_start3A_81] : memref<16x125xi32, #tpu.memory_space<vmem>> -> memref<1x125xi32, #tpu.memory_space<vmem>>
            %dma_start3A_83 = tpu.memref_squeeze %dma_start3A_82 : memref<1x125xi32, #tpu.memory_space<vmem>> -> memref<125xi32, #tpu.memory_space<vmem>>
            %dma_start3A_84 = arith.constant 0 : i32
            %dma_start3A_85 = arith.constant 0 : i32
            %dma_start3A_86 = tpu.memref_slice %arg3[%dma_start3A_84, %dma_start3A_85] : memref<10000x128xf32, #tpu.memory_space<hbm>> -> memref<10000x128xf32, #tpu.memory_space<hbm>>
            tpu.enqueue_indirect_dma source(%dma_start3A_86 : memref<10000x128xf32, #tpu.memory_space<hbm>>) target(%arg12 : memref<125x128xf32, #tpu.memory_space<vmem>>) offsets(%dma_start3A_83 : memref<125xi32, #tpu.memory_space<vmem>>) semaphore(%arg15 : memref<!tpu.dma_semaphore, #tpu.memory_space<semaphore_mem>>)
          } else {
          }
          %dma_wait3A = arith.constant 0 : i32
          %dma_wait3A_59 = tpu.memref_slice %arg9[%add3A_51, %dma_wait3A] : memref<16x125xi32, #tpu.memory_space<vmem>> -> memref<1x125xi32, #tpu.memory_space<vmem>>
          %dma_wait3A_60 = tpu.memref_squeeze %dma_wait3A_59 : memref<1x125xi32, #tpu.memory_space<vmem>> -> memref<125xi32, #tpu.memory_space<vmem>>
          %dma_wait3A_61 = arith.constant 0 : i32
          %dma_wait3A_62 = arith.constant 0 : i32
          %dma_wait3A_63 = tpu.memref_slice %arg3[%dma_wait3A_61, %dma_wait3A_62] : memref<10000x128xf32, #tpu.memory_space<hbm>> -> memref<10000x128xf32, #tpu.memory_space<hbm>>
          tpu.wait_indirect_dma semaphore(%arg14 : memref<!tpu.dma_semaphore, #tpu.memory_space<semaphore_mem>>) src(%dma_wait3A_63 : memref<10000x128xf32, #tpu.memory_space<hbm>>) dst(%arg11 : memref<125x128xf32, #tpu.memory_space<vmem>>)
          "tpu.region"() ({
            %run_scoped3A = tpu.sem_alloc : memref<!tpu.dma_semaphore, #tpu.memory_space<semaphore_mem>>
            %dma_start3A_79 = arith.constant 0 : i32
            %dma_start3A_80 = tpu.memref_slice %arg10[%add3A_51, %dma_start3A_79] : memref<16x125xi32, #tpu.memory_space<vmem>> -> memref<1x125xi32, #tpu.memory_space<vmem>>
            %dma_start3A_81 = tpu.memref_squeeze %dma_start3A_80 : memref<1x125xi32, #tpu.memory_space<vmem>> -> memref<125xi32, #tpu.memory_space<vmem>>
            %dma_start3A_82 = arith.constant 0 : i32
            %dma_start3A_83 = arith.constant 0 : i32
            %dma_start3A_84 = tpu.memref_slice %arg13[%dma_start3A_82, %dma_start3A_83] : memref<10000x128xf32, #tpu.memory_space<vmem_shared>> -> memref<10000x128xf32, #tpu.memory_space<vmem_shared>>
            tpu.enqueue_indirect_dma source(%arg11 : memref<125x128xf32, #tpu.memory_space<vmem>>) target(%dma_start3A_84 : memref<10000x128xf32, #tpu.memory_space<vmem_shared>>) offsets(%dma_start3A_81 : memref<125xi32, #tpu.memory_space<vmem>>) semaphore(%run_scoped3A : memref<!tpu.dma_semaphore, #tpu.memory_space<semaphore_mem>>) {add = true}
            %dma_wait3A_85 = arith.constant 0 : i32
            %dma_wait3A_86 = tpu.memref_slice %arg10[%add3A_51, %dma_wait3A_85] : memref<16x125xi32, #tpu.memory_space<vmem>> -> memref<1x125xi32, #tpu.memory_space<vmem>>
            %dma_wait3A_87 = tpu.memref_squeeze %dma_wait3A_86 : memref<1x125xi32, #tpu.memory_space<vmem>> -> memref<125xi32, #tpu.memory_space<vmem>>
            %dma_wait3A_88 = arith.constant 0 : i32
            %dma_wait3A_89 = arith.constant 0 : i32
            %dma_wait3A_90 = tpu.memref_slice %arg13[%dma_wait3A_88, %dma_wait3A_89] : memref<10000x128xf32, #tpu.memory_space<vmem_shared>> -> memref<10000x128xf32, #tpu.memory_space<vmem_shared>>
            tpu.wait_indirect_dma semaphore(%run_scoped3A : memref<!tpu.dma_semaphore, #tpu.memory_space<semaphore_mem>>) src(%arg11 : memref<125x128xf32, #tpu.memory_space<vmem>>) dst(%dma_wait3A_90 : memref<10000x128xf32, #tpu.memory_space<vmem_shared>>)
            tpu.yield
          }) : () -> ()
          %add3A_64 = arith.constant 1 : i32
          %add3A_65 = arith.addi %mul3A_50, %add3A_64 : i32
          %add3A_66 = arith.constant 1 : i32
          %add3A_67 = arith.addi %add3A_65, %add3A_66 : i32
          %lt3A_68 = arith.constant 16 : i32
          %lt3A_69 = arith.cmpi slt, %add3A_67, %lt3A_68 : i32
          %convert_element_type3A_70 = arith.extui %lt3A_69 : i1 to i32
          %cond3A_71 = arith.constant 0 : i32
          %cond3A_72 = arith.cmpi ne, %convert_element_type3A_70, %cond3A_71 : i32
          scf.if %cond3A_72 {
            %add3A_79 = arith.constant 1 : i32
            %add3A_80 = arith.addi %add3A_65, %add3A_79 : i32
            %dma_start3A_81 = arith.constant 0 : i32
            %dma_start3A_82 = tpu.memref_slice %arg9[%add3A_80, %dma_start3A_81] : memref<16x125xi32, #tpu.memory_space<vmem>> -> memref<1x125xi32, #tpu.memory_space<vmem>>
            %dma_start3A_83 = tpu.memref_squeeze %dma_start3A_82 : memref<1x125xi32, #tpu.memory_space<vmem>> -> memref<125xi32, #tpu.memory_space<vmem>>
            %dma_start3A_84 = arith.constant 0 : i32
            %dma_start3A_85 = arith.constant 0 : i32
            %dma_start3A_86 = tpu.memref_slice %arg3[%dma_start3A_84, %dma_start3A_85] : memref<10000x128xf32, #tpu.memory_space<hbm>> -> memref<10000x128xf32, #tpu.memory_space<hbm>>
            tpu.enqueue_indirect_dma source(%dma_start3A_86 : memref<10000x128xf32, #tpu.memory_space<hbm>>) target(%arg11 : memref<125x128xf32, #tpu.memory_space<vmem>>) offsets(%dma_start3A_83 : memref<125xi32, #tpu.memory_space<vmem>>) semaphore(%arg14 : memref<!tpu.dma_semaphore, #tpu.memory_space<semaphore_mem>>)
          } else {
          }
          %dma_wait3A_73 = arith.constant 0 : i32
          %dma_wait3A_74 = tpu.memref_slice %arg9[%add3A_65, %dma_wait3A_73] : memref<16x125xi32, #tpu.memory_space<vmem>> -> memref<1x125xi32, #tpu.memory_space<vmem>>
          %dma_wait3A_75 = tpu.memref_squeeze %dma_wait3A_74 : memref<1x125xi32, #tpu.memory_space<vmem>> -> memref<125xi32, #tpu.memory_space<vmem>>
          %dma_wait3A_76 = arith.constant 0 : i32
          %dma_wait3A_77 = arith.constant 0 : i32
          %dma_wait3A_78 = tpu.memref_slice %arg3[%dma_wait3A_76, %dma_wait3A_77] : memref<10000x128xf32, #tpu.memory_space<hbm>> -> memref<10000x128xf32, #tpu.memory_space<hbm>>
          tpu.wait_indirect_dma semaphore(%arg15 : memref<!tpu.dma_semaphore, #tpu.memory_space<semaphore_mem>>) src(%dma_wait3A_78 : memref<10000x128xf32, #tpu.memory_space<hbm>>) dst(%arg12 : memref<125x128xf32, #tpu.memory_space<vmem>>)
          "tpu.region"() ({
            %run_scoped3A = tpu.sem_alloc : memref<!tpu.dma_semaphore, #tpu.memory_space<semaphore_mem>>
            %dma_start3A_79 = arith.constant 0 : i32
            %dma_start3A_80 = tpu.memref_slice %arg10[%add3A_65, %dma_start3A_79] : memref<16x125xi32, #tpu.memory_space<vmem>> -> memref<1x125xi32, #tpu.memory_space<vmem>>
            %dma_start3A_81 = tpu.memref_squeeze %dma_start3A_80 : memref<1x125xi32, #tpu.memory_space<vmem>> -> memref<125xi32, #tpu.memory_space<vmem>>
            %dma_start3A_82 = arith.constant 0 : i32
            %dma_start3A_83 = arith.constant 0 : i32
            %dma_start3A_84 = tpu.memref_slice %arg13[%dma_start3A_82, %dma_start3A_83] : memref<10000x128xf32, #tpu.memory_space<vmem_shared>> -> memref<10000x128xf32, #tpu.memory_space<vmem_shared>>
            tpu.enqueue_indirect_dma source(%arg12 : memref<125x128xf32, #tpu.memory_space<vmem>>) target(%dma_start3A_84 : memref<10000x128xf32, #tpu.memory_space<vmem_shared>>) offsets(%dma_start3A_81 : memref<125xi32, #tpu.memory_space<vmem>>) semaphore(%run_scoped3A : memref<!tpu.dma_semaphore, #tpu.memory_space<semaphore_mem>>) {add = true}
            %dma_wait3A_85 = arith.constant 0 : i32
            %dma_wait3A_86 = tpu.memref_slice %arg10[%add3A_65, %dma_wait3A_85] : memref<16x125xi32, #tpu.memory_space<vmem>> -> memref<1x125xi32, #tpu.memory_space<vmem>>
            %dma_wait3A_87 = tpu.memref_squeeze %dma_wait3A_86 : memref<1x125xi32, #tpu.memory_space<vmem>> -> memref<125xi32, #tpu.memory_space<vmem>>
            %dma_wait3A_88 = arith.constant 0 : i32
            %dma_wait3A_89 = arith.constant 0 : i32
            %dma_wait3A_90 = tpu.memref_slice %arg13[%dma_wait3A_88, %dma_wait3A_89] : memref<10000x128xf32, #tpu.memory_space<vmem_shared>> -> memref<10000x128xf32, #tpu.memory_space<vmem_shared>>
            tpu.wait_indirect_dma semaphore(%run_scoped3A : memref<!tpu.dma_semaphore, #tpu.memory_space<semaphore_mem>>) src(%arg12 : memref<125x128xf32, #tpu.memory_space<vmem>>) dst(%dma_wait3A_90 : memref<10000x128xf32, #tpu.memory_space<vmem_shared>>)
            tpu.yield
          }) : () -> ()
        }
        %scan3A_47 = arith.constant 8 : i32
      }
      %scan3A_32 = arith.constant 5 : i32
    } else {
    }
    %barrier3A_17 = arith.constant 0 : index
    tpu.barrier barrier_id(%barrier3A_17)
    %eq3A_18 = arith.constant 0 : i32
    %eq3A_19 = arith.cmpi eq, %arg0, %eq3A_18 : i32
    %convert_element_type3A_20 = arith.extui %eq3A_19 : i1 to i32
    %cond3A_21 = arith.constant 0 : i32
    %cond3A_22 = arith.cmpi ne, %convert_element_type3A_20, %cond3A_21 : i32
    scf.if %cond3A_22 {
      %lt3A_28 = arith.constant 15 : i32
      %lt3A_29 = arith.cmpi slt, %arg1, %lt3A_28 : i32
      %convert_element_type3A_30 = arith.extui %lt3A_29 : i1 to i32
      %cond3A_31 = arith.constant 0 : i32
      %cond3A_32 = arith.cmpi ne, %convert_element_type3A_30, %cond3A_31 : i32
      scf.if %cond3A_32 {
        "tpu.region"() ({
          %run_scoped3A = tpu.sem_alloc : memref<!tpu.dma_semaphore, #tpu.memory_space<semaphore_mem>>
          %dma_start3A = arith.constant 0 : i32
          %dma_start3A_38 = tpu.memref_slice %arg7[%mul3A_0, %dma_start3A] : memref<10000x128xf32, #tpu.memory_space<hbm>> -> memref<624x128xf32, #tpu.memory_space<hbm>>
          %dma_start3A_39 = arith.constant 0 : i32
          %dma_start3A_40 = tpu.memref_slice %arg13[%mul3A_0, %dma_start3A_39] : memref<10000x128xf32, #tpu.memory_space<vmem_shared>> -> memref<624x128xf32, #tpu.memory_space<vmem_shared>>
          tpu.enqueue_dma source(%dma_start3A_40 : memref<624x128xf32, #tpu.memory_space<vmem_shared>>) target(%dma_start3A_38 : memref<624x128xf32, #tpu.memory_space<hbm>>) target_semaphore(%run_scoped3A : memref<!tpu.dma_semaphore, #tpu.memory_space<semaphore_mem>>)
          %dma_wait3A = arith.constant 0 : i32
          %dma_wait3A_41 = tpu.memref_slice %arg7[%mul3A_0, %dma_wait3A] : memref<10000x128xf32, #tpu.memory_space<hbm>> -> memref<624x128xf32, #tpu.memory_space<hbm>>
          %dma_wait3A_42 = arith.constant 0 : i32
          %dma_wait3A_43 = tpu.memref_slice %arg13[%mul3A_0, %dma_wait3A_42] : memref<10000x128xf32, #tpu.memory_space<vmem_shared>> -> memref<624x128xf32, #tpu.memory_space<vmem_shared>>
          tpu.wait_dma2 semaphore(%run_scoped3A : memref<!tpu.dma_semaphore, #tpu.memory_space<semaphore_mem>>) src(%dma_wait3A_43 : memref<624x128xf32, #tpu.memory_space<vmem_shared>>) dst(%dma_wait3A_41 : memref<624x128xf32, #tpu.memory_space<hbm>>)
          tpu.yield
        }) : () -> ()
      } else {
      }
      %eq3A_33 = arith.constant 15 : i32
      %eq3A_34 = arith.cmpi eq, %arg1, %eq3A_33 : i32
      %convert_element_type3A_35 = arith.extui %eq3A_34 : i1 to i32
      %cond3A_36 = arith.constant 0 : i32
      %cond3A_37 = arith.cmpi ne, %convert_element_type3A_35, %cond3A_36 : i32
      scf.if %cond3A_37 {
        "tpu.region"() ({
          %run_scoped3A = tpu.sem_alloc : memref<!tpu.dma_semaphore, #tpu.memory_space<semaphore_mem>>
          %dma_start3A = arith.constant 9360 : i32
          %dma_start3A_38 = arith.constant 0 : i32
          %dma_start3A_39 = tpu.memref_slice %arg7[%dma_start3A, %dma_start3A_38] : memref<10000x128xf32, #tpu.memory_space<hbm>> -> memref<640x128xf32, #tpu.memory_space<hbm>>
          %dma_start3A_40 = arith.constant 9360 : i32
          %dma_start3A_41 = arith.constant 0 : i32
          %dma_start3A_42 = tpu.memref_slice %arg13[%dma_start3A_40, %dma_start3A_41] : memref<10000x128xf32, #tpu.memory_space<vmem_shared>> -> memref<640x128xf32, #tpu.memory_space<vmem_shared>>
          tpu.enqueue_dma source(%dma_start3A_42 : memref<640x128xf32, #tpu.memory_space<vmem_shared>>) target(%dma_start3A_39 : memref<640x128xf32, #tpu.memory_space<hbm>>) target_semaphore(%run_scoped3A : memref<!tpu.dma_semaphore, #tpu.memory_space<semaphore_mem>>)
          %dma_wait3A = arith.constant 9360 : i32
          %dma_wait3A_43 = arith.constant 0 : i32
          %dma_wait3A_44 = tpu.memref_slice %arg7[%dma_wait3A, %dma_wait3A_43] : memref<10000x128xf32, #tpu.memory_space<hbm>> -> memref<640x128xf32, #tpu.memory_space<hbm>>
          %dma_wait3A_45 = arith.constant 9360 : i32
          %dma_wait3A_46 = arith.constant 0 : i32
          %dma_wait3A_47 = tpu.memref_slice %arg13[%dma_wait3A_45, %dma_wait3A_46] : memref<10000x128xf32, #tpu.memory_space<vmem_shared>> -> memref<640x128xf32, #tpu.memory_space<vmem_shared>>
          tpu.wait_dma2 semaphore(%run_scoped3A : memref<!tpu.dma_semaphore, #tpu.memory_space<semaphore_mem>>) src(%dma_wait3A_47 : memref<640x128xf32, #tpu.memory_space<vmem_shared>>) dst(%dma_wait3A_44 : memref<640x128xf32, #tpu.memory_space<hbm>>)
          tpu.yield
        }) : () -> ()
      } else {
      }
    } else {
    }
    %eq3A_23 = arith.constant 1 : i32
    %eq3A_24 = arith.cmpi eq, %arg0, %eq3A_23 : i32
    %convert_element_type3A_25 = arith.extui %eq3A_24 : i1 to i32
    %cond3A_26 = arith.constant 0 : i32
    %cond3A_27 = arith.cmpi ne, %convert_element_type3A_25, %cond3A_26 : i32
    scf.if %cond3A_27 {
      %lt3A_28 = arith.constant 15 : i32
      %lt3A_29 = arith.cmpi slt, %arg1, %lt3A_28 : i32
      %convert_element_type3A_30 = arith.extui %lt3A_29 : i1 to i32
      %cond3A_31 = arith.constant 0 : i32
      %cond3A_32 = arith.cmpi ne, %convert_element_type3A_30, %cond3A_31 : i32
      scf.if %cond3A_32 {
        "tpu.region"() ({
          %run_scoped3A = tpu.sem_alloc : memref<!tpu.dma_semaphore, #tpu.memory_space<semaphore_mem>>
          %dma_start3A = arith.constant 0 : i32
          %dma_start3A_38 = tpu.memref_slice %arg8[%mul3A_0, %dma_start3A] : memref<10000x128xf32, #tpu.memory_space<hbm>> -> memref<624x128xf32, #tpu.memory_space<hbm>>
          %dma_start3A_39 = arith.constant 0 : i32
          %dma_start3A_40 = tpu.memref_slice %arg13[%mul3A_0, %dma_start3A_39] : memref<10000x128xf32, #tpu.memory_space<vmem_shared>> -> memref<624x128xf32, #tpu.memory_space<vmem_shared>>
          tpu.enqueue_dma source(%dma_start3A_40 : memref<624x128xf32, #tpu.memory_space<vmem_shared>>) target(%dma_start3A_38 : memref<624x128xf32, #tpu.memory_space<hbm>>) target_semaphore(%run_scoped3A : memref<!tpu.dma_semaphore, #tpu.memory_space<semaphore_mem>>)
          %dma_wait3A = arith.constant 0 : i32
          %dma_wait3A_41 = tpu.memref_slice %arg8[%mul3A_0, %dma_wait3A] : memref<10000x128xf32, #tpu.memory_space<hbm>> -> memref<624x128xf32, #tpu.memory_space<hbm>>
          %dma_wait3A_42 = arith.constant 0 : i32
          %dma_wait3A_43 = tpu.memref_slice %arg13[%mul3A_0, %dma_wait3A_42] : memref<10000x128xf32, #tpu.memory_space<vmem_shared>> -> memref<624x128xf32, #tpu.memory_space<vmem_shared>>
          tpu.wait_dma2 semaphore(%run_scoped3A : memref<!tpu.dma_semaphore, #tpu.memory_space<semaphore_mem>>) src(%dma_wait3A_43 : memref<624x128xf32, #tpu.memory_space<vmem_shared>>) dst(%dma_wait3A_41 : memref<624x128xf32, #tpu.memory_space<hbm>>)
          tpu.yield
        }) : () -> ()
      } else {
      }
      %eq3A_33 = arith.constant 15 : i32
      %eq3A_34 = arith.cmpi eq, %arg1, %eq3A_33 : i32
      %convert_element_type3A_35 = arith.extui %eq3A_34 : i1 to i32
      %cond3A_36 = arith.constant 0 : i32
      %cond3A_37 = arith.cmpi ne, %convert_element_type3A_35, %cond3A_36 : i32
      scf.if %cond3A_37 {
        "tpu.region"() ({
          %run_scoped3A = tpu.sem_alloc : memref<!tpu.dma_semaphore, #tpu.memory_space<semaphore_mem>>
          %dma_start3A = arith.constant 9360 : i32
          %dma_start3A_38 = arith.constant 0 : i32
          %dma_start3A_39 = tpu.memref_slice %arg8[%dma_start3A, %dma_start3A_38] : memref<10000x128xf32, #tpu.memory_space<hbm>> -> memref<640x128xf32, #tpu.memory_space<hbm>>
          %dma_start3A_40 = arith.constant 9360 : i32
          %dma_start3A_41 = arith.constant 0 : i32
          %dma_start3A_42 = tpu.memref_slice %arg13[%dma_start3A_40, %dma_start3A_41] : memref<10000x128xf32, #tpu.memory_space<vmem_shared>> -> memref<640x128xf32, #tpu.memory_space<vmem_shared>>
          tpu.enqueue_dma source(%dma_start3A_42 : memref<640x128xf32, #tpu.memory_space<vmem_shared>>) target(%dma_start3A_39 : memref<640x128xf32, #tpu.memory_space<hbm>>) target_semaphore(%run_scoped3A : memref<!tpu.dma_semaphore, #tpu.memory_space<semaphore_mem>>)
          %dma_wait3A = arith.constant 9360 : i32
          %dma_wait3A_43 = arith.constant 0 : i32
          %dma_wait3A_44 = tpu.memref_slice %arg8[%dma_wait3A, %dma_wait3A_43] : memref<10000x128xf32, #tpu.memory_space<hbm>> -> memref<640x128xf32, #tpu.memory_space<hbm>>
          %dma_wait3A_45 = arith.constant 9360 : i32
          %dma_wait3A_46 = arith.constant 0 : i32
          %dma_wait3A_47 = tpu.memref_slice %arg13[%dma_wait3A_45, %dma_wait3A_46] : memref<10000x128xf32, #tpu.memory_space<vmem_shared>> -> memref<640x128xf32, #tpu.memory_space<vmem_shared>>
          tpu.wait_dma2 semaphore(%run_scoped3A : memref<!tpu.dma_semaphore, #tpu.memory_space<semaphore_mem>>) src(%dma_wait3A_47 : memref<640x128xf32, #tpu.memory_space<vmem_shared>>) dst(%dma_wait3A_44 : memref<640x128xf32, #tpu.memory_space<hbm>>)
          tpu.yield
        }) : () -> ()
      } else {
      }
    } else {
    }
    return
  }
}

#map = affine_map<(d0, d1) -> (0, 0)>
#map1 = affine_map<(d0, d1) -> (0, 0, 0)>
module attributes {stable_mosaic.version = 14 : i64} {
  func.func @k(%arg0: i32, %arg1: i32, %arg2: memref<10000x128xf32, #tpu.memory_space<hbm>>, %arg3: memref<10000x128xf32, #tpu.memory_space<hbm>>, %arg4: memref<16x80x125xi32, #tpu.memory_space<hbm>>, %arg5: memref<16x80x125xi32, #tpu.memory_space<hbm>>, %arg6: memref<640x128xf32, #tpu.memory_space<hbm>>, %arg7: memref<10000x128xf32, #tpu.memory_space<hbm>>, %arg8: memref<10000x128xf32, #tpu.memory_space<hbm>>, %arg9: memref<16x125xi32, #tpu.memory_space<vmem>>, %arg10: memref<16x125xi32, #tpu.memory_space<vmem>>, %arg11: memref<125x128xf32, #tpu.memory_space<vmem>>, %arg12: memref<125x128xf32, #tpu.memory_space<vmem>>, %arg13: memref<10000x128xf32, #tpu.memory_space<vmem_shared>>, %arg14: memref<!tpu.dma_semaphore, #tpu.memory_space<semaphore_mem>>, %arg15: memref<!tpu.dma_semaphore, #tpu.memory_space<semaphore_mem>>) attributes {dimension_semantics = [#tpu.dimension_semantics<core_parallel>, #tpu.dimension_semantics<subcore_parallel>], iteration_bounds = array<i64: 2, 16>, scalar_prefetch = 0 : i64, scratch_operands = 7 : i64, tpu.core_type = #tpu.core_type<sc_vector_subcore>, window_params = [{transform_indices = #map}, {transform_indices = #map}, {transform_indices = #map1}, {transform_indices = #map1}, {transform_indices = #map}, {transform_indices = #map}, {transform_indices = #map}]} {
    %mul3A = arith.constant 624 : i32
    %mul3A_0 = arith.muli %arg1, %mul3A : i32
    %lt3A = arith.constant 15 : i32
    %lt3A_1 = arith.cmpi slt, %arg1, %lt3A : i32
    %convert_element_type3A = arith.extui %lt3A_1 : i1 to i32
    %cond3A = arith.constant 0 : i32
    %cond3A_2 = arith.cmpi ne, %convert_element_type3A, %cond3A : i32
    scf.if %cond3A_2 {
      "tpu.region"() ({
        %run_scoped3A = tpu.sem_alloc : memref<!tpu.dma_semaphore, #tpu.memory_space<semaphore_mem>>
        %dma_start3A = arith.constant 0 : i32
        %dma_start3A_28 = tpu.memref_slice %arg13[%mul3A_0, %dma_start3A] : memref<10000x128xf32, #tpu.memory_space<vmem_shared>> -> memref<624x128xf32, #tpu.memory_space<vmem_shared>>
        %dma_start3A_29 = arith.constant 0 : i32
        %dma_start3A_30 = arith.constant 0 : i32
        %dma_start3A_31 = tpu.memref_slice %arg6[%dma_start3A_29, %dma_start3A_30] : memref<640x128xf32, #tpu.memory_space<hbm>> -> memref<624x128xf32, #tpu.memory_space<hbm>>
        tpu.enqueue_dma source(%dma_start3A_31 : memref<624x128xf32, #tpu.memory_space<hbm>>) target(%dma_start3A_28 : memref<624x128xf32, #tpu.memory_space<vmem_shared>>) target_semaphore(%run_scoped3A : memref<!tpu.dma_semaphore, #tpu.memory_space<semaphore_mem>>)
        %dma_wait3A = arith.constant 0 : i32
        %dma_wait3A_32 = tpu.memref_slice %arg13[%mul3A_0, %dma_wait3A] : memref<10000x128xf32, #tpu.memory_space<vmem_shared>> -> memref<624x128xf32, #tpu.memory_space<vmem_shared>>
        %dma_wait3A_33 = arith.constant 0 : i32
        %dma_wait3A_34 = arith.constant 0 : i32
        %dma_wait3A_35 = tpu.memref_slice %arg6[%dma_wait3A_33, %dma_wait3A_34] : memref<640x128xf32, #tpu.memory_space<hbm>> -> memref<624x128xf32, #tpu.memory_space<hbm>>
        tpu.wait_dma2 semaphore(%run_scoped3A : memref<!tpu.dma_semaphore, #tpu.memory_space<semaphore_mem>>) src(%dma_wait3A_35 : memref<624x128xf32, #tpu.memory_space<hbm>>) dst(%dma_wait3A_32 : memref<624x128xf32, #tpu.memory_space<vmem_shared>>)
        tpu.yield
      }) : () -> ()
    } else {
    }
    %eq3A = arith.constant 15 : i32
    %eq3A_3 = arith.cmpi eq, %arg1, %eq3A : i32
    %convert_element_type3A_4 = arith.extui %eq3A_3 : i1 to i32
    %cond3A_5 = arith.constant 0 : i32
    %cond3A_6 = arith.cmpi ne, %convert_element_type3A_4, %cond3A_5 : i32
    scf.if %cond3A_6 {
      "tpu.region"() ({
        %run_scoped3A = tpu.sem_alloc : memref<!tpu.dma_semaphore, #tpu.memory_space<semaphore_mem>>
        %dma_start3A = arith.constant 9360 : i32
        %dma_start3A_28 = arith.constant 0 : i32
        %dma_start3A_29 = tpu.memref_slice %arg13[%dma_start3A, %dma_start3A_28] : memref<10000x128xf32, #tpu.memory_space<vmem_shared>> -> memref<640x128xf32, #tpu.memory_space<vmem_shared>>
        tpu.enqueue_dma source(%arg6 : memref<640x128xf32, #tpu.memory_space<hbm>>) target(%dma_start3A_29 : memref<640x128xf32, #tpu.memory_space<vmem_shared>>) target_semaphore(%run_scoped3A : memref<!tpu.dma_semaphore, #tpu.memory_space<semaphore_mem>>)
        %dma_wait3A = arith.constant 9360 : i32
        %dma_wait3A_30 = arith.constant 0 : i32
        %dma_wait3A_31 = tpu.memref_slice %arg13[%dma_wait3A, %dma_wait3A_30] : memref<10000x128xf32, #tpu.memory_space<vmem_shared>> -> memref<640x128xf32, #tpu.memory_space<vmem_shared>>
        tpu.wait_dma2 semaphore(%run_scoped3A : memref<!tpu.dma_semaphore, #tpu.memory_space<semaphore_mem>>) src(%arg6 : memref<640x128xf32, #tpu.memory_space<hbm>>) dst(%dma_wait3A_31 : memref<640x128xf32, #tpu.memory_space<vmem_shared>>)
        tpu.yield
      }) : () -> ()
    } else {
    }
    %barrier3A = arith.constant 0 : index
    tpu.barrier barrier_id(%barrier3A)
    %eq3A_7 = arith.constant 0 : i32
    %eq3A_8 = arith.cmpi eq, %arg0, %eq3A_7 : i32
    %convert_element_type3A_9 = arith.extui %eq3A_8 : i1 to i32
    %cond3A_10 = arith.constant 0 : i32
    %cond3A_11 = arith.cmpi ne, %convert_element_type3A_9, %cond3A_10 : i32
    scf.if %cond3A_11 {
      %scan3A = arith.constant 0 : i32
      %scan3A_28 = arith.constant 0 : i32
      %scan3A_29 = arith.constant 5 : i32
      %scan3A_30 = arith.addi %scan3A_28, %scan3A_29 : i32
      %scan3A_31 = arith.constant 1 : i32
      scf.for %scan3A_33 = %scan3A_28 to %scan3A_30 step %scan3A_31  : i32 {
        %mul3A_34 = arith.constant 16 : i32
        %mul3A_35 = arith.muli %scan3A_33, %mul3A_34 : i32
        "tpu.region"() ({
          %run_scoped3A = tpu.sem_alloc : memref<!tpu.dma_semaphore, #tpu.memory_space<semaphore_mem>>
          %dma_start3A_48 = arith.constant 0 : i32
          %dma_start3A_49 = tpu.memref_slice %arg4[%arg1, %mul3A_35, %dma_start3A_48] : memref<16x80x125xi32, #tpu.memory_space<hbm>> -> memref<1x16x125xi32, #tpu.memory_space<hbm>>
          %dma_start3A_50 = tpu.memref_squeeze %dma_start3A_49 : memref<1x16x125xi32, #tpu.memory_space<hbm>> -> memref<16x125xi32, #tpu.memory_space<hbm>>
          %dma_start3A_51 = arith.constant 0 : i32
          %dma_start3A_52 = tpu.memref_slice %arg4[%arg1, %mul3A_35, %dma_start3A_51] : memref<16x80x125xi32, #tpu.memory_space<hbm>> -> memref<1x16x125xi32, #tpu.memory_space<hbm>>
          %dma_start3A_53 = tpu.memref_squeeze %dma_start3A_52 : memref<1x16x125xi32, #tpu.memory_space<hbm>> -> memref<16x125xi32, #tpu.memory_space<hbm>>
          tpu.enqueue_dma source(%dma_start3A_53 : memref<16x125xi32, #tpu.memory_space<hbm>>) target(%arg9 : memref<16x125xi32, #tpu.memory_space<vmem>>) target_semaphore(%run_scoped3A : memref<!tpu.dma_semaphore, #tpu.memory_space<semaphore_mem>>)
          %dma_wait3A = arith.constant 0 : i32
          %dma_wait3A_54 = tpu.memref_slice %arg4[%arg1, %mul3A_35, %dma_wait3A] : memref<16x80x125xi32, #tpu.memory_space<hbm>> -> memref<1x16x125xi32, #tpu.memory_space<hbm>>
          %dma_wait3A_55 = tpu.memref_squeeze %dma_wait3A_54 : memref<1x16x125xi32, #tpu.memory_space<hbm>> -> memref<16x125xi32, #tpu.memory_space<hbm>>
          %dma_wait3A_56 = arith.constant 0 : i32
          %dma_wait3A_57 = tpu.memref_slice %arg4[%arg1, %mul3A_35, %dma_wait3A_56] : memref<16x80x125xi32, #tpu.memory_space<hbm>> -> memref<1x16x125xi32, #tpu.memory_space<hbm>>
          %dma_wait3A_58 = tpu.memref_squeeze %dma_wait3A_57 : memref<1x16x125xi32, #tpu.memory_space<hbm>> -> memref<16x125xi32, #tpu.memory_space<hbm>>
          tpu.wait_dma2 semaphore(%run_scoped3A : memref<!tpu.dma_semaphore, #tpu.memory_space<semaphore_mem>>) src(%dma_wait3A_58 : memref<16x125xi32, #tpu.memory_space<hbm>>) dst(%arg9 : memref<16x125xi32, #tpu.memory_space<vmem>>)
          tpu.yield
        }) : () -> ()
        "tpu.region"() ({
          %run_scoped3A = tpu.sem_alloc : memref<!tpu.dma_semaphore, #tpu.memory_space<semaphore_mem>>
          %dma_start3A_48 = arith.constant 0 : i32
          %dma_start3A_49 = tpu.memref_slice %arg5[%arg1, %mul3A_35, %dma_start3A_48] : memref<16x80x125xi32, #tpu.memory_space<hbm>> -> memref<1x16x125xi32, #tpu.memory_space<hbm>>
          %dma_start3A_50 = tpu.memref_squeeze %dma_start3A_49 : memref<1x16x125xi32, #tpu.memory_space<hbm>> -> memref<16x125xi32, #tpu.memory_space<hbm>>
          %dma_start3A_51 = arith.constant 0 : i32
          %dma_start3A_52 = tpu.memref_slice %arg5[%arg1, %mul3A_35, %dma_start3A_51] : memref<16x80x125xi32, #tpu.memory_space<hbm>> -> memref<1x16x125xi32, #tpu.memory_space<hbm>>
          %dma_start3A_53 = tpu.memref_squeeze %dma_start3A_52 : memref<1x16x125xi32, #tpu.memory_space<hbm>> -> memref<16x125xi32, #tpu.memory_space<hbm>>
          tpu.enqueue_dma source(%dma_start3A_53 : memref<16x125xi32, #tpu.memory_space<hbm>>) target(%arg10 : memref<16x125xi32, #tpu.memory_space<vmem>>) target_semaphore(%run_scoped3A : memref<!tpu.dma_semaphore, #tpu.memory_space<semaphore_mem>>)
          %dma_wait3A = arith.constant 0 : i32
          %dma_wait3A_54 = tpu.memref_slice %arg5[%arg1, %mul3A_35, %dma_wait3A] : memref<16x80x125xi32, #tpu.memory_space<hbm>> -> memref<1x16x125xi32, #tpu.memory_space<hbm>>
          %dma_wait3A_55 = tpu.memref_squeeze %dma_wait3A_54 : memref<1x16x125xi32, #tpu.memory_space<hbm>> -> memref<16x125xi32, #tpu.memory_space<hbm>>
          %dma_wait3A_56 = arith.constant 0 : i32
          %dma_wait3A_57 = tpu.memref_slice %arg5[%arg1, %mul3A_35, %dma_wait3A_56] : memref<16x80x125xi32, #tpu.memory_space<hbm>> -> memref<1x16x125xi32, #tpu.memory_space<hbm>>
          %dma_wait3A_58 = tpu.memref_squeeze %dma_wait3A_57 : memref<1x16x125xi32, #tpu.memory_space<hbm>> -> memref<16x125xi32, #tpu.memory_space<hbm>>
          tpu.wait_dma2 semaphore(%run_scoped3A : memref<!tpu.dma_semaphore, #tpu.memory_space<semaphore_mem>>) src(%dma_wait3A_58 : memref<16x125xi32, #tpu.memory_space<hbm>>) dst(%arg10 : memref<16x125xi32, #tpu.memory_space<vmem>>)
          tpu.yield
        }) : () -> ()
        %dma_start3A = arith.constant 0 : i32
        %dma_start3A_36 = arith.constant 0 : i32
        %dma_start3A_37 = tpu.memref_slice %arg9[%dma_start3A, %dma_start3A_36] : memref<16x125xi32, #tpu.memory_space<vmem>> -> memref<1x125xi32, #tpu.memory_space<vmem>>
        %dma_start3A_38 = tpu.memref_squeeze %dma_start3A_37 : memref<1x125xi32, #tpu.memory_space<vmem>> -> memref<125xi32, #tpu.memory_space<vmem>>
        %dma_start3A_39 = arith.constant 0 : i32
        %dma_start3A_40 = arith.constant 0 : i32
        %dma_start3A_41 = tpu.memref_slice %arg2[%dma_start3A_39, %dma_start3A_40] : memref<10000x128xf32, #tpu.memory_space<hbm>> -> memref<10000x128xf32, #tpu.memory_space<hbm>>
        tpu.enqueue_indirect_dma source(%dma_start3A_41 : memref<10000x128xf32, #tpu.memory_space<hbm>>) target(%arg11 : memref<125x128xf32, #tpu.memory_space<vmem>>) offsets(%dma_start3A_38 : memref<125xi32, #tpu.memory_space<vmem>>) semaphore(%arg14 : memref<!tpu.dma_semaphore, #tpu.memory_space<semaphore_mem>>)
        %scan3A_42 = arith.constant 0 : i32
        %scan3A_43 = arith.constant 0 : i32
        %scan3A_44 = arith.constant 8 : i32
        %scan3A_45 = arith.addi %scan3A_43, %scan3A_44 : i32
        %scan3A_46 = arith.constant 1 : i32
        scf.for %scan3A_48 = %scan3A_43 to %scan3A_45 step %scan3A_46  : i32 {
          %mul3A_49 = arith.constant 2 : i32
          %mul3A_50 = arith.muli %scan3A_48, %mul3A_49 : i32
          %add3A = arith.constant 0 : i32
          %add3A_51 = arith.addi %mul3A_50, %add3A : i32
          %add3A_52 = arith.constant 1 : i32
          %add3A_53 = arith.addi %add3A_51, %add3A_52 : i32
          %lt3A_54 = arith.constant 16 : i32
          %lt3A_55 = arith.cmpi slt, %add3A_53, %lt3A_54 : i32
          %convert_element_type3A_56 = arith.extui %lt3A_55 : i1 to i32
          %cond3A_57 = arith.constant 0 : i32
          %cond3A_58 = arith.cmpi ne, %convert_element_type3A_56, %cond3A_57 : i32
          scf.if %cond3A_58 {
            %add3A_79 = arith.constant 1 : i32
            %add3A_80 = arith.addi %add3A_51, %add3A_79 : i32
            %dma_start3A_81 = arith.constant 0 : i32
            %dma_start3A_82 = tpu.memref_slice %arg9[%add3A_80, %dma_start3A_81] : memref<16x125xi32, #tpu.memory_space<vmem>> -> memref<1x125xi32, #tpu.memory_space<vmem>>
            %dma_start3A_83 = tpu.memref_squeeze %dma_start3A_82 : memref<1x125xi32, #tpu.memory_space<vmem>> -> memref<125xi32, #tpu.memory_space<vmem>>
            %dma_start3A_84 = arith.constant 0 : i32
            %dma_start3A_85 = arith.constant 0 : i32
            %dma_start3A_86 = tpu.memref_slice %arg2[%dma_start3A_84, %dma_start3A_85] : memref<10000x128xf32, #tpu.memory_space<hbm>> -> memref<10000x128xf32, #tpu.memory_space<hbm>>
            tpu.enqueue_indirect_dma source(%dma_start3A_86 : memref<10000x128xf32, #tpu.memory_space<hbm>>) target(%arg12 : memref<125x128xf32, #tpu.memory_space<vmem>>) offsets(%dma_start3A_83 : memref<125xi32, #tpu.memory_space<vmem>>) semaphore(%arg15 : memref<!tpu.dma_semaphore, #tpu.memory_space<semaphore_mem>>)
          } else {
          }
          %dma_wait3A = arith.constant 0 : i32
          %dma_wait3A_59 = tpu.memref_slice %arg9[%add3A_51, %dma_wait3A] : memref<16x125xi32, #tpu.memory_space<vmem>> -> memref<1x125xi32, #tpu.memory_space<vmem>>
          %dma_wait3A_60 = tpu.memref_squeeze %dma_wait3A_59 : memref<1x125xi32, #tpu.memory_space<vmem>> -> memref<125xi32, #tpu.memory_space<vmem>>
          %dma_wait3A_61 = arith.constant 0 : i32
          %dma_wait3A_62 = arith.constant 0 : i32
          %dma_wait3A_63 = tpu.memref_slice %arg2[%dma_wait3A_61, %dma_wait3A_62] : memref<10000x128xf32, #tpu.memory_space<hbm>> -> memref<10000x128xf32, #tpu.memory_space<hbm>>
          tpu.wait_indirect_dma semaphore(%arg14 : memref<!tpu.dma_semaphore, #tpu.memory_space<semaphore_mem>>) src(%dma_wait3A_63 : memref<10000x128xf32, #tpu.memory_space<hbm>>) dst(%arg11 : memref<125x128xf32, #tpu.memory_space<vmem>>)
          "tpu.region"() ({
            %run_scoped3A = tpu.sem_alloc : memref<!tpu.dma_semaphore, #tpu.memory_space<semaphore_mem>>
            %dma_start3A_79 = arith.constant 0 : i32
            %dma_start3A_80 = tpu.memref_slice %arg10[%add3A_51, %dma_start3A_79] : memref<16x125xi32, #tpu.memory_space<vmem>> -> memref<1x125xi32, #tpu.memory_space<vmem>>
            %dma_start3A_81 = tpu.memref_squeeze %dma_start3A_80 : memref<1x125xi32, #tpu.memory_space<vmem>> -> memref<125xi32, #tpu.memory_space<vmem>>
            %dma_start3A_82 = arith.constant 0 : i32
            %dma_start3A_83 = arith.constant 0 : i32
            %dma_start3A_84 = tpu.memref_slice %arg13[%dma_start3A_82, %dma_start3A_83] : memref<10000x128xf32, #tpu.memory_space<vmem_shared>> -> memref<10000x128xf32, #tpu.memory_space<vmem_shared>>
            tpu.enqueue_indirect_dma source(%arg11 : memref<125x128xf32, #tpu.memory_space<vmem>>) target(%dma_start3A_84 : memref<10000x128xf32, #tpu.memory_space<vmem_shared>>) offsets(%dma_start3A_81 : memref<125xi32, #tpu.memory_space<vmem>>) semaphore(%run_scoped3A : memref<!tpu.dma_semaphore, #tpu.memory_space<semaphore_mem>>) {add = true}
            %dma_wait3A_85 = arith.constant 0 : i32
            %dma_wait3A_86 = tpu.memref_slice %arg10[%add3A_51, %dma_wait3A_85] : memref<16x125xi32, #tpu.memory_space<vmem>> -> memref<1x125xi32, #tpu.memory_space<vmem>>
            %dma_wait3A_87 = tpu.memref_squeeze %dma_wait3A_86 : memref<1x125xi32, #tpu.memory_space<vmem>> -> memref<125xi32, #tpu.memory_space<vmem>>
            %dma_wait3A_88 = arith.constant 0 : i32
            %dma_wait3A_89 = arith.constant 0 : i32
            %dma_wait3A_90 = tpu.memref_slice %arg13[%dma_wait3A_88, %dma_wait3A_89] : memref<10000x128xf32, #tpu.memory_space<vmem_shared>> -> memref<10000x128xf32, #tpu.memory_space<vmem_shared>>
            tpu.wait_indirect_dma semaphore(%run_scoped3A : memref<!tpu.dma_semaphore, #tpu.memory_space<semaphore_mem>>) src(%arg11 : memref<125x128xf32, #tpu.memory_space<vmem>>) dst(%dma_wait3A_90 : memref<10000x128xf32, #tpu.memory_space<vmem_shared>>)
            tpu.yield
          }) : () -> ()
          %add3A_64 = arith.constant 1 : i32
          %add3A_65 = arith.addi %mul3A_50, %add3A_64 : i32
          %add3A_66 = arith.constant 1 : i32
          %add3A_67 = arith.addi %add3A_65, %add3A_66 : i32
          %lt3A_68 = arith.constant 16 : i32
          %lt3A_69 = arith.cmpi slt, %add3A_67, %lt3A_68 : i32
          %convert_element_type3A_70 = arith.extui %lt3A_69 : i1 to i32
          %cond3A_71 = arith.constant 0 : i32
          %cond3A_72 = arith.cmpi ne, %convert_element_type3A_70, %cond3A_71 : i32
          scf.if %cond3A_72 {
            %add3A_79 = arith.constant 1 : i32
            %add3A_80 = arith.addi %add3A_65, %add3A_79 : i32
            %dma_start3A_81 = arith.constant 0 : i32
            %dma_start3A_82 = tpu.memref_slice %arg9[%add3A_80, %dma_start3A_81] : memref<16x125xi32, #tpu.memory_space<vmem>> -> memref<1x125xi32, #tpu.memory_space<vmem>>
            %dma_start3A_83 = tpu.memref_squeeze %dma_start3A_82 : memref<1x125xi32, #tpu.memory_space<vmem>> -> memref<125xi32, #tpu.memory_space<vmem>>
            %dma_start3A_84 = arith.constant 0 : i32
            %dma_start3A_85 = arith.constant 0 : i32
            %dma_start3A_86 = tpu.memref_slice %arg2[%dma_start3A_84, %dma_start3A_85] : memref<10000x128xf32, #tpu.memory_space<hbm>> -> memref<10000x128xf32, #tpu.memory_space<hbm>>
            tpu.enqueue_indirect_dma source(%dma_start3A_86 : memref<10000x128xf32, #tpu.memory_space<hbm>>) target(%arg11 : memref<125x128xf32, #tpu.memory_space<vmem>>) offsets(%dma_start3A_83 : memref<125xi32, #tpu.memory_space<vmem>>) semaphore(%arg14 : memref<!tpu.dma_semaphore, #tpu.memory_space<semaphore_mem>>)
          } else {
          }
          %dma_wait3A_73 = arith.constant 0 : i32
          %dma_wait3A_74 = tpu.memref_slice %arg9[%add3A_65, %dma_wait3A_73] : memref<16x125xi32, #tpu.memory_space<vmem>> -> memref<1x125xi32, #tpu.memory_space<vmem>>
          %dma_wait3A_75 = tpu.memref_squeeze %dma_wait3A_74 : memref<1x125xi32, #tpu.memory_space<vmem>> -> memref<125xi32, #tpu.memory_space<vmem>>
          %dma_wait3A_76 = arith.constant 0 : i32
          %dma_wait3A_77 = arith.constant 0 : i32
          %dma_wait3A_78 = tpu.memref_slice %arg2[%dma_wait3A_76, %dma_wait3A_77] : memref<10000x128xf32, #tpu.memory_space<hbm>> -> memref<10000x128xf32, #tpu.memory_space<hbm>>
          tpu.wait_indirect_dma semaphore(%arg15 : memref<!tpu.dma_semaphore, #tpu.memory_space<semaphore_mem>>) src(%dma_wait3A_78 : memref<10000x128xf32, #tpu.memory_space<hbm>>) dst(%arg12 : memref<125x128xf32, #tpu.memory_space<vmem>>)
          "tpu.region"() ({
            %run_scoped3A = tpu.sem_alloc : memref<!tpu.dma_semaphore, #tpu.memory_space<semaphore_mem>>
            %dma_start3A_79 = arith.constant 0 : i32
            %dma_start3A_80 = tpu.memref_slice %arg10[%add3A_65, %dma_start3A_79] : memref<16x125xi32, #tpu.memory_space<vmem>> -> memref<1x125xi32, #tpu.memory_space<vmem>>
            %dma_start3A_81 = tpu.memref_squeeze %dma_start3A_80 : memref<1x125xi32, #tpu.memory_space<vmem>> -> memref<125xi32, #tpu.memory_space<vmem>>
            %dma_start3A_82 = arith.constant 0 : i32
            %dma_start3A_83 = arith.constant 0 : i32
            %dma_start3A_84 = tpu.memref_slice %arg13[%dma_start3A_82, %dma_start3A_83] : memref<10000x128xf32, #tpu.memory_space<vmem_shared>> -> memref<10000x128xf32, #tpu.memory_space<vmem_shared>>
            tpu.enqueue_indirect_dma source(%arg12 : memref<125x128xf32, #tpu.memory_space<vmem>>) target(%dma_start3A_84 : memref<10000x128xf32, #tpu.memory_space<vmem_shared>>) offsets(%dma_start3A_81 : memref<125xi32, #tpu.memory_space<vmem>>) semaphore(%run_scoped3A : memref<!tpu.dma_semaphore, #tpu.memory_space<semaphore_mem>>) {add = true}
            %dma_wait3A_85 = arith.constant 0 : i32
            %dma_wait3A_86 = tpu.memref_slice %arg10[%add3A_65, %dma_wait3A_85] : memref<16x125xi32, #tpu.memory_space<vmem>> -> memref<1x125xi32, #tpu.memory_space<vmem>>
            %dma_wait3A_87 = tpu.memref_squeeze %dma_wait3A_86 : memref<1x125xi32, #tpu.memory_space<vmem>> -> memref<125xi32, #tpu.memory_space<vmem>>
            %dma_wait3A_88 = arith.constant 0 : i32
            %dma_wait3A_89 = arith.constant 0 : i32
            %dma_wait3A_90 = tpu.memref_slice %arg13[%dma_wait3A_88, %dma_wait3A_89] : memref<10000x128xf32, #tpu.memory_space<vmem_shared>> -> memref<10000x128xf32, #tpu.memory_space<vmem_shared>>
            tpu.wait_indirect_dma semaphore(%run_scoped3A : memref<!tpu.dma_semaphore, #tpu.memory_space<semaphore_mem>>) src(%arg12 : memref<125x128xf32, #tpu.memory_space<vmem>>) dst(%dma_wait3A_90 : memref<10000x128xf32, #tpu.memory_space<vmem_shared>>)
            tpu.yield
          }) : () -> ()
        }
        %scan3A_47 = arith.constant 8 : i32
      }
      %scan3A_32 = arith.constant 5 : i32
    } else {
    }
    %eq3A_12 = arith.constant 1 : i32
    %eq3A_13 = arith.cmpi eq, %arg0, %eq3A_12 : i32
    %convert_element_type3A_14 = arith.extui %eq3A_13 : i1 to i32
    %cond3A_15 = arith.constant 0 : i32
    %cond3A_16 = arith.cmpi ne, %convert_element_type3A_14, %cond3A_15 : i32
    scf.if %cond3A_16 {
      %scan3A = arith.constant 0 : i32
      %scan3A_28 = arith.constant 0 : i32
      %scan3A_29 = arith.constant 5 : i32
      %scan3A_30 = arith.addi %scan3A_28, %scan3A_29 : i32
      %scan3A_31 = arith.constant 1 : i32
      scf.for %scan3A_33 = %scan3A_28 to %scan3A_30 step %scan3A_31  : i32 {
        %mul3A_34 = arith.constant 16 : i32
        %mul3A_35 = arith.muli %scan3A_33, %mul3A_34 : i32
        "tpu.region"() ({
          %run_scoped3A = tpu.sem_alloc : memref<!tpu.dma_semaphore, #tpu.memory_space<semaphore_mem>>
          %dma_start3A_48 = arith.constant 0 : i32
          %dma_start3A_49 = tpu.memref_slice %arg4[%arg1, %mul3A_35, %dma_start3A_48] : memref<16x80x125xi32, #tpu.memory_space<hbm>> -> memref<1x16x125xi32, #tpu.memory_space<hbm>>
          %dma_start3A_50 = tpu.memref_squeeze %dma_start3A_49 : memref<1x16x125xi32, #tpu.memory_space<hbm>> -> memref<16x125xi32, #tpu.memory_space<hbm>>
          %dma_start3A_51 = arith.constant 0 : i32
          %dma_start3A_52 = tpu.memref_slice %arg4[%arg1, %mul3A_35, %dma_start3A_51] : memref<16x80x125xi32, #tpu.memory_space<hbm>> -> memref<1x16x125xi32, #tpu.memory_space<hbm>>
          %dma_start3A_53 = tpu.memref_squeeze %dma_start3A_52 : memref<1x16x125xi32, #tpu.memory_space<hbm>> -> memref<16x125xi32, #tpu.memory_space<hbm>>
          tpu.enqueue_dma source(%dma_start3A_53 : memref<16x125xi32, #tpu.memory_space<hbm>>) target(%arg9 : memref<16x125xi32, #tpu.memory_space<vmem>>) target_semaphore(%run_scoped3A : memref<!tpu.dma_semaphore, #tpu.memory_space<semaphore_mem>>)
          %dma_wait3A = arith.constant 0 : i32
          %dma_wait3A_54 = tpu.memref_slice %arg4[%arg1, %mul3A_35, %dma_wait3A] : memref<16x80x125xi32, #tpu.memory_space<hbm>> -> memref<1x16x125xi32, #tpu.memory_space<hbm>>
          %dma_wait3A_55 = tpu.memref_squeeze %dma_wait3A_54 : memref<1x16x125xi32, #tpu.memory_space<hbm>> -> memref<16x125xi32, #tpu.memory_space<hbm>>
          %dma_wait3A_56 = arith.constant 0 : i32
          %dma_wait3A_57 = tpu.memref_slice %arg4[%arg1, %mul3A_35, %dma_wait3A_56] : memref<16x80x125xi32, #tpu.memory_space<hbm>> -> memref<1x16x125xi32, #tpu.memory_space<hbm>>
          %dma_wait3A_58 = tpu.memref_squeeze %dma_wait3A_57 : memref<1x16x125xi32, #tpu.memory_space<hbm>> -> memref<16x125xi32, #tpu.memory_space<hbm>>
          tpu.wait_dma2 semaphore(%run_scoped3A : memref<!tpu.dma_semaphore, #tpu.memory_space<semaphore_mem>>) src(%dma_wait3A_58 : memref<16x125xi32, #tpu.memory_space<hbm>>) dst(%arg9 : memref<16x125xi32, #tpu.memory_space<vmem>>)
          tpu.yield
        }) : () -> ()
        "tpu.region"() ({
          %run_scoped3A = tpu.sem_alloc : memref<!tpu.dma_semaphore, #tpu.memory_space<semaphore_mem>>
          %dma_start3A_48 = arith.constant 0 : i32
          %dma_start3A_49 = tpu.memref_slice %arg5[%arg1, %mul3A_35, %dma_start3A_48] : memref<16x80x125xi32, #tpu.memory_space<hbm>> -> memref<1x16x125xi32, #tpu.memory_space<hbm>>
          %dma_start3A_50 = tpu.memref_squeeze %dma_start3A_49 : memref<1x16x125xi32, #tpu.memory_space<hbm>> -> memref<16x125xi32, #tpu.memory_space<hbm>>
          %dma_start3A_51 = arith.constant 0 : i32
          %dma_start3A_52 = tpu.memref_slice %arg5[%arg1, %mul3A_35, %dma_start3A_51] : memref<16x80x125xi32, #tpu.memory_space<hbm>> -> memref<1x16x125xi32, #tpu.memory_space<hbm>>
          %dma_start3A_53 = tpu.memref_squeeze %dma_start3A_52 : memref<1x16x125xi32, #tpu.memory_space<hbm>> -> memref<16x125xi32, #tpu.memory_space<hbm>>
          tpu.enqueue_dma source(%dma_start3A_53 : memref<16x125xi32, #tpu.memory_space<hbm>>) target(%arg10 : memref<16x125xi32, #tpu.memory_space<vmem>>) target_semaphore(%run_scoped3A : memref<!tpu.dma_semaphore, #tpu.memory_space<semaphore_mem>>)
          %dma_wait3A = arith.constant 0 : i32
          %dma_wait3A_54 = tpu.memref_slice %arg5[%arg1, %mul3A_35, %dma_wait3A] : memref<16x80x125xi32, #tpu.memory_space<hbm>> -> memref<1x16x125xi32, #tpu.memory_space<hbm>>
          %dma_wait3A_55 = tpu.memref_squeeze %dma_wait3A_54 : memref<1x16x125xi32, #tpu.memory_space<hbm>> -> memref<16x125xi32, #tpu.memory_space<hbm>>
          %dma_wait3A_56 = arith.constant 0 : i32
          %dma_wait3A_57 = tpu.memref_slice %arg5[%arg1, %mul3A_35, %dma_wait3A_56] : memref<16x80x125xi32, #tpu.memory_space<hbm>> -> memref<1x16x125xi32, #tpu.memory_space<hbm>>
          %dma_wait3A_58 = tpu.memref_squeeze %dma_wait3A_57 : memref<1x16x125xi32, #tpu.memory_space<hbm>> -> memref<16x125xi32, #tpu.memory_space<hbm>>
          tpu.wait_dma2 semaphore(%run_scoped3A : memref<!tpu.dma_semaphore, #tpu.memory_space<semaphore_mem>>) src(%dma_wait3A_58 : memref<16x125xi32, #tpu.memory_space<hbm>>) dst(%arg10 : memref<16x125xi32, #tpu.memory_space<vmem>>)
          tpu.yield
        }) : () -> ()
        %dma_start3A = arith.constant 0 : i32
        %dma_start3A_36 = arith.constant 0 : i32
        %dma_start3A_37 = tpu.memref_slice %arg9[%dma_start3A, %dma_start3A_36] : memref<16x125xi32, #tpu.memory_space<vmem>> -> memref<1x125xi32, #tpu.memory_space<vmem>>
        %dma_start3A_38 = tpu.memref_squeeze %dma_start3A_37 : memref<1x125xi32, #tpu.memory_space<vmem>> -> memref<125xi32, #tpu.memory_space<vmem>>
        %dma_start3A_39 = arith.constant 0 : i32
        %dma_start3A_40 = arith.constant 0 : i32
        %dma_start3A_41 = tpu.memref_slice %arg3[%dma_start3A_39, %dma_start3A_40] : memref<10000x128xf32, #tpu.memory_space<hbm>> -> memref<10000x128xf32, #tpu.memory_space<hbm>>
        tpu.enqueue_indirect_dma source(%dma_start3A_41 : memref<10000x128xf32, #tpu.memory_space<hbm>>) target(%arg11 : memref<125x128xf32, #tpu.memory_space<vmem>>) offsets(%dma_start3A_38 : memref<125xi32, #tpu.memory_space<vmem>>) semaphore(%arg14 : memref<!tpu.dma_semaphore, #tpu.memory_space<semaphore_mem>>)
        %scan3A_42 = arith.constant 0 : i32
        %scan3A_43 = arith.constant 0 : i32
        %scan3A_44 = arith.constant 8 : i32
        %scan3A_45 = arith.addi %scan3A_43, %scan3A_44 : i32
        %scan3A_46 = arith.constant 1 : i32
        scf.for %scan3A_48 = %scan3A_43 to %scan3A_45 step %scan3A_46  : i32 {
          %mul3A_49 = arith.constant 2 : i32
          %mul3A_50 = arith.muli %scan3A_48, %mul3A_49 : i32
          %add3A = arith.constant 0 : i32
          %add3A_51 = arith.addi %mul3A_50, %add3A : i32
          %add3A_52 = arith.constant 1 : i32
          %add3A_53 = arith.addi %add3A_51, %add3A_52 : i32
          %lt3A_54 = arith.constant 16 : i32
          %lt3A_55 = arith.cmpi slt, %add3A_53, %lt3A_54 : i32
          %convert_element_type3A_56 = arith.extui %lt3A_55 : i1 to i32
          %cond3A_57 = arith.constant 0 : i32
          %cond3A_58 = arith.cmpi ne, %convert_element_type3A_56, %cond3A_57 : i32
          scf.if %cond3A_58 {
            %add3A_79 = arith.constant 1 : i32
            %add3A_80 = arith.addi %add3A_51, %add3A_79 : i32
            %dma_start3A_81 = arith.constant 0 : i32
            %dma_start3A_82 = tpu.memref_slice %arg9[%add3A_80, %dma_start3A_81] : memref<16x125xi32, #tpu.memory_space<vmem>> -> memref<1x125xi32, #tpu.memory_space<vmem>>
            %dma_start3A_83 = tpu.memref_squeeze %dma_start3A_82 : memref<1x125xi32, #tpu.memory_space<vmem>> -> memref<125xi32, #tpu.memory_space<vmem>>
            %dma_start3A_84 = arith.constant 0 : i32
            %dma_start3A_85 = arith.constant 0 : i32
            %dma_start3A_86 = tpu.memref_slice %arg3[%dma_start3A_84, %dma_start3A_85] : memref<10000x128xf32, #tpu.memory_space<hbm>> -> memref<10000x128xf32, #tpu.memory_space<hbm>>
            tpu.enqueue_indirect_dma source(%dma_start3A_86 : memref<10000x128xf32, #tpu.memory_space<hbm>>) target(%arg12 : memref<125x128xf32, #tpu.memory_space<vmem>>) offsets(%dma_start3A_83 : memref<125xi32, #tpu.memory_space<vmem>>) semaphore(%arg15 : memref<!tpu.dma_semaphore, #tpu.memory_space<semaphore_mem>>)
          } else {
          }
          %dma_wait3A = arith.constant 0 : i32
          %dma_wait3A_59 = tpu.memref_slice %arg9[%add3A_51, %dma_wait3A] : memref<16x125xi32, #tpu.memory_space<vmem>> -> memref<1x125xi32, #tpu.memory_space<vmem>>
          %dma_wait3A_60 = tpu.memref_squeeze %dma_wait3A_59 : memref<1x125xi32, #tpu.memory_space<vmem>> -> memref<125xi32, #tpu.memory_space<vmem>>
          %dma_wait3A_61 = arith.constant 0 : i32
          %dma_wait3A_62 = arith.constant 0 : i32
          %dma_wait3A_63 = tpu.memref_slice %arg3[%dma_wait3A_61, %dma_wait3A_62] : memref<10000x128xf32, #tpu.memory_space<hbm>> -> memref<10000x128xf32, #tpu.memory_space<hbm>>
          tpu.wait_indirect_dma semaphore(%arg14 : memref<!tpu.dma_semaphore, #tpu.memory_space<semaphore_mem>>) src(%dma_wait3A_63 : memref<10000x128xf32, #tpu.memory_space<hbm>>) dst(%arg11 : memref<125x128xf32, #tpu.memory_space<vmem>>)
          "tpu.region"() ({
            %run_scoped3A = tpu.sem_alloc : memref<!tpu.dma_semaphore, #tpu.memory_space<semaphore_mem>>
            %dma_start3A_79 = arith.constant 0 : i32
            %dma_start3A_80 = tpu.memref_slice %arg10[%add3A_51, %dma_start3A_79] : memref<16x125xi32, #tpu.memory_space<vmem>> -> memref<1x125xi32, #tpu.memory_space<vmem>>
            %dma_start3A_81 = tpu.memref_squeeze %dma_start3A_80 : memref<1x125xi32, #tpu.memory_space<vmem>> -> memref<125xi32, #tpu.memory_space<vmem>>
            %dma_start3A_82 = arith.constant 0 : i32
            %dma_start3A_83 = arith.constant 0 : i32
            %dma_start3A_84 = tpu.memref_slice %arg13[%dma_start3A_82, %dma_start3A_83] : memref<10000x128xf32, #tpu.memory_space<vmem_shared>> -> memref<10000x128xf32, #tpu.memory_space<vmem_shared>>
            tpu.enqueue_indirect_dma source(%arg11 : memref<125x128xf32, #tpu.memory_space<vmem>>) target(%dma_start3A_84 : memref<10000x128xf32, #tpu.memory_space<vmem_shared>>) offsets(%dma_start3A_81 : memref<125xi32, #tpu.memory_space<vmem>>) semaphore(%run_scoped3A : memref<!tpu.dma_semaphore, #tpu.memory_space<semaphore_mem>>) {add = true}
            %dma_wait3A_85 = arith.constant 0 : i32
            %dma_wait3A_86 = tpu.memref_slice %arg10[%add3A_51, %dma_wait3A_85] : memref<16x125xi32, #tpu.memory_space<vmem>> -> memref<1x125xi32, #tpu.memory_space<vmem>>
            %dma_wait3A_87 = tpu.memref_squeeze %dma_wait3A_86 : memref<1x125xi32, #tpu.memory_space<vmem>> -> memref<125xi32, #tpu.memory_space<vmem>>
            %dma_wait3A_88 = arith.constant 0 : i32
            %dma_wait3A_89 = arith.constant 0 : i32
            %dma_wait3A_90 = tpu.memref_slice %arg13[%dma_wait3A_88, %dma_wait3A_89] : memref<10000x128xf32, #tpu.memory_space<vmem_shared>> -> memref<10000x128xf32, #tpu.memory_space<vmem_shared>>
            tpu.wait_indirect_dma semaphore(%run_scoped3A : memref<!tpu.dma_semaphore, #tpu.memory_space<semaphore_mem>>) src(%arg11 : memref<125x128xf32, #tpu.memory_space<vmem>>) dst(%dma_wait3A_90 : memref<10000x128xf32, #tpu.memory_space<vmem_shared>>)
            tpu.yield
          }) : () -> ()
          %add3A_64 = arith.constant 1 : i32
          %add3A_65 = arith.addi %mul3A_50, %add3A_64 : i32
          %add3A_66 = arith.constant 1 : i32
          %add3A_67 = arith.addi %add3A_65, %add3A_66 : i32
          %lt3A_68 = arith.constant 16 : i32
          %lt3A_69 = arith.cmpi slt, %add3A_67, %lt3A_68 : i32
          %convert_element_type3A_70 = arith.extui %lt3A_69 : i1 to i32
          %cond3A_71 = arith.constant 0 : i32
          %cond3A_72 = arith.cmpi ne, %convert_element_type3A_70, %cond3A_71 : i32
          scf.if %cond3A_72 {
            %add3A_79 = arith.constant 1 : i32
            %add3A_80 = arith.addi %add3A_65, %add3A_79 : i32
            %dma_start3A_81 = arith.constant 0 : i32
            %dma_start3A_82 = tpu.memref_slice %arg9[%add3A_80, %dma_start3A_81] : memref<16x125xi32, #tpu.memory_space<vmem>> -> memref<1x125xi32, #tpu.memory_space<vmem>>
            %dma_start3A_83 = tpu.memref_squeeze %dma_start3A_82 : memref<1x125xi32, #tpu.memory_space<vmem>> -> memref<125xi32, #tpu.memory_space<vmem>>
            %dma_start3A_84 = arith.constant 0 : i32
            %dma_start3A_85 = arith.constant 0 : i32
            %dma_start3A_86 = tpu.memref_slice %arg3[%dma_start3A_84, %dma_start3A_85] : memref<10000x128xf32, #tpu.memory_space<hbm>> -> memref<10000x128xf32, #tpu.memory_space<hbm>>
            tpu.enqueue_indirect_dma source(%dma_start3A_86 : memref<10000x128xf32, #tpu.memory_space<hbm>>) target(%arg11 : memref<125x128xf32, #tpu.memory_space<vmem>>) offsets(%dma_start3A_83 : memref<125xi32, #tpu.memory_space<vmem>>) semaphore(%arg14 : memref<!tpu.dma_semaphore, #tpu.memory_space<semaphore_mem>>)
          } else {
          }
          %dma_wait3A_73 = arith.constant 0 : i32
          %dma_wait3A_74 = tpu.memref_slice %arg9[%add3A_65, %dma_wait3A_73] : memref<16x125xi32, #tpu.memory_space<vmem>> -> memref<1x125xi32, #tpu.memory_space<vmem>>
          %dma_wait3A_75 = tpu.memref_squeeze %dma_wait3A_74 : memref<1x125xi32, #tpu.memory_space<vmem>> -> memref<125xi32, #tpu.memory_space<vmem>>
          %dma_wait3A_76 = arith.constant 0 : i32
          %dma_wait3A_77 = arith.constant 0 : i32
          %dma_wait3A_78 = tpu.memref_slice %arg3[%dma_wait3A_76, %dma_wait3A_77] : memref<10000x128xf32, #tpu.memory_space<hbm>> -> memref<10000x128xf32, #tpu.memory_space<hbm>>
          tpu.wait_indirect_dma semaphore(%arg15 : memref<!tpu.dma_semaphore, #tpu.memory_space<semaphore_mem>>) src(%dma_wait3A_78 : memref<10000x128xf32, #tpu.memory_space<hbm>>) dst(%arg12 : memref<125x128xf32, #tpu.memory_space<vmem>>)
          "tpu.region"() ({
            %run_scoped3A = tpu.sem_alloc : memref<!tpu.dma_semaphore, #tpu.memory_space<semaphore_mem>>
            %dma_start3A_79 = arith.constant 0 : i32
            %dma_start3A_80 = tpu.memref_slice %arg10[%add3A_65, %dma_start3A_79] : memref<16x125xi32, #tpu.memory_space<vmem>> -> memref<1x125xi32, #tpu.memory_space<vmem>>
            %dma_start3A_81 = tpu.memref_squeeze %dma_start3A_80 : memref<1x125xi32, #tpu.memory_space<vmem>> -> memref<125xi32, #tpu.memory_space<vmem>>
            %dma_start3A_82 = arith.constant 0 : i32
            %dma_start3A_83 = arith.constant 0 : i32
            %dma_start3A_84 = tpu.memref_slice %arg13[%dma_start3A_82, %dma_start3A_83] : memref<10000x128xf32, #tpu.memory_space<vmem_shared>> -> memref<10000x128xf32, #tpu.memory_space<vmem_shared>>
            tpu.enqueue_indirect_dma source(%arg12 : memref<125x128xf32, #tpu.memory_space<vmem>>) target(%dma_start3A_84 : memref<10000x128xf32, #tpu.memory_space<vmem_shared>>) offsets(%dma_start3A_81 : memref<125xi32, #tpu.memory_space<vmem>>) semaphore(%run_scoped3A : memref<!tpu.dma_semaphore, #tpu.memory_space<semaphore_mem>>) {add = true}
            %dma_wait3A_85 = arith.constant 0 : i32
            %dma_wait3A_86 = tpu.memref_slice %arg10[%add3A_65, %dma_wait3A_85] : memref<16x125xi32, #tpu.memory_space<vmem>> -> memref<1x125xi32, #tpu.memory_space<vmem>>
            %dma_wait3A_87 = tpu.memref_squeeze %dma_wait3A_86 : memref<1x125xi32, #tpu.memory_space<vmem>> -> memref<125xi32, #tpu.memory_space<vmem>>
            %dma_wait3A_88 = arith.constant 0 : i32
            %dma_wait3A_89 = arith.constant 0 : i32
            %dma_wait3A_90 = tpu.memref_slice %arg13[%dma_wait3A_88, %dma_wait3A_89] : memref<10000x128xf32, #tpu.memory_space<vmem_shared>> -> memref<10000x128xf32, #tpu.memory_space<vmem_shared>>
            tpu.wait_indirect_dma semaphore(%run_scoped3A : memref<!tpu.dma_semaphore, #tpu.memory_space<semaphore_mem>>) src(%arg12 : memref<125x128xf32, #tpu.memory_space<vmem>>) dst(%dma_wait3A_90 : memref<10000x128xf32, #tpu.memory_space<vmem_shared>>)
            tpu.yield
          }) : () -> ()
        }
        %scan3A_47 = arith.constant 8 : i32
      }
      %scan3A_32 = arith.constant 5 : i32
    } else {
    }
    %barrier3A_17 = arith.constant 0 : index
    tpu.barrier barrier_id(%barrier3A_17)
    %eq3A_18 = arith.constant 0 : i32
    %eq3A_19 = arith.cmpi eq, %arg0, %eq3A_18 : i32
    %convert_element_type3A_20 = arith.extui %eq3A_19 : i1 to i32
    %cond3A_21 = arith.constant 0 : i32
    %cond3A_22 = arith.cmpi ne, %convert_element_type3A_20, %cond3A_21 : i32
    scf.if %cond3A_22 {
      %lt3A_28 = arith.constant 15 : i32
      %lt3A_29 = arith.cmpi slt, %arg1, %lt3A_28 : i32
      %convert_element_type3A_30 = arith.extui %lt3A_29 : i1 to i32
      %cond3A_31 = arith.constant 0 : i32
      %cond3A_32 = arith.cmpi ne, %convert_element_type3A_30, %cond3A_31 : i32
      scf.if %cond3A_32 {
        "tpu.region"() ({
          %run_scoped3A = tpu.sem_alloc : memref<!tpu.dma_semaphore, #tpu.memory_space<semaphore_mem>>
          %dma_start3A = arith.constant 0 : i32
          %dma_start3A_38 = tpu.memref_slice %arg7[%mul3A_0, %dma_start3A] : memref<10000x128xf32, #tpu.memory_space<hbm>> -> memref<624x128xf32, #tpu.memory_space<hbm>>
          %dma_start3A_39 = arith.constant 0 : i32
          %dma_start3A_40 = tpu.memref_slice %arg13[%mul3A_0, %dma_start3A_39] : memref<10000x128xf32, #tpu.memory_space<vmem_shared>> -> memref<624x128xf32, #tpu.memory_space<vmem_shared>>
          tpu.enqueue_dma source(%dma_start3A_40 : memref<624x128xf32, #tpu.memory_space<vmem_shared>>) target(%dma_start3A_38 : memref<624x128xf32, #tpu.memory_space<hbm>>) target_semaphore(%run_scoped3A : memref<!tpu.dma_semaphore, #tpu.memory_space<semaphore_mem>>)
          %dma_wait3A = arith.constant 0 : i32
          %dma_wait3A_41 = tpu.memref_slice %arg7[%mul3A_0, %dma_wait3A] : memref<10000x128xf32, #tpu.memory_space<hbm>> -> memref<624x128xf32, #tpu.memory_space<hbm>>
          %dma_wait3A_42 = arith.constant 0 : i32
          %dma_wait3A_43 = tpu.memref_slice %arg13[%mul3A_0, %dma_wait3A_42] : memref<10000x128xf32, #tpu.memory_space<vmem_shared>> -> memref<624x128xf32, #tpu.memory_space<vmem_shared>>
          tpu.wait_dma2 semaphore(%run_scoped3A : memref<!tpu.dma_semaphore, #tpu.memory_space<semaphore_mem>>) src(%dma_wait3A_43 : memref<624x128xf32, #tpu.memory_space<vmem_shared>>) dst(%dma_wait3A_41 : memref<624x128xf32, #tpu.memory_space<hbm>>)
          tpu.yield
        }) : () -> ()
      } else {
      }
      %eq3A_33 = arith.constant 15 : i32
      %eq3A_34 = arith.cmpi eq, %arg1, %eq3A_33 : i32
      %convert_element_type3A_35 = arith.extui %eq3A_34 : i1 to i32
      %cond3A_36 = arith.constant 0 : i32
      %cond3A_37 = arith.cmpi ne, %convert_element_type3A_35, %cond3A_36 : i32
      scf.if %cond3A_37 {
        "tpu.region"() ({
          %run_scoped3A = tpu.sem_alloc : memref<!tpu.dma_semaphore, #tpu.memory_space<semaphore_mem>>
          %dma_start3A = arith.constant 9360 : i32
          %dma_start3A_38 = arith.constant 0 : i32
          %dma_start3A_39 = tpu.memref_slice %arg7[%dma_start3A, %dma_start3A_38] : memref<10000x128xf32, #tpu.memory_space<hbm>> -> memref<640x128xf32, #tpu.memory_space<hbm>>
          %dma_start3A_40 = arith.constant 9360 : i32
          %dma_start3A_41 = arith.constant 0 : i32
          %dma_start3A_42 = tpu.memref_slice %arg13[%dma_start3A_40, %dma_start3A_41] : memref<10000x128xf32, #tpu.memory_space<vmem_shared>> -> memref<640x128xf32, #tpu.memory_space<vmem_shared>>
          tpu.enqueue_dma source(%dma_start3A_42 : memref<640x128xf32, #tpu.memory_space<vmem_shared>>) target(%dma_start3A_39 : memref<640x128xf32, #tpu.memory_space<hbm>>) target_semaphore(%run_scoped3A : memref<!tpu.dma_semaphore, #tpu.memory_space<semaphore_mem>>)
          %dma_wait3A = arith.constant 9360 : i32
          %dma_wait3A_43 = arith.constant 0 : i32
          %dma_wait3A_44 = tpu.memref_slice %arg7[%dma_wait3A, %dma_wait3A_43] : memref<10000x128xf32, #tpu.memory_space<hbm>> -> memref<640x128xf32, #tpu.memory_space<hbm>>
          %dma_wait3A_45 = arith.constant 9360 : i32
          %dma_wait3A_46 = arith.constant 0 : i32
          %dma_wait3A_47 = tpu.memref_slice %arg13[%dma_wait3A_45, %dma_wait3A_46] : memref<10000x128xf32, #tpu.memory_space<vmem_shared>> -> memref<640x128xf32, #tpu.memory_space<vmem_shared>>
          tpu.wait_dma2 semaphore(%run_scoped3A : memref<!tpu.dma_semaphore, #tpu.memory_space<semaphore_mem>>) src(%dma_wait3A_47 : memref<640x128xf32, #tpu.memory_space<vmem_shared>>) dst(%dma_wait3A_44 : memref<640x128xf32, #tpu.memory_space<hbm>>)
          tpu.yield
        }) : () -> ()
      } else {
      }
    } else {
    }
    %eq3A_23 = arith.constant 1 : i32
    %eq3A_24 = arith.cmpi eq, %arg0, %eq3A_23 : i32
    %convert_element_type3A_25 = arith.extui %eq3A_24 : i1 to i32
    %cond3A_26 = arith.constant 0 : i32
    %cond3A_27 = arith.cmpi ne, %convert_element_type3A_25, %cond3A_26 : i32
    scf.if %cond3A_27 {
      %lt3A_28 = arith.constant 15 : i32
      %lt3A_29 = arith.cmpi slt, %arg1, %lt3A_28 : i32
      %convert_element_type3A_30 = arith.extui %lt3A_29 : i1 to i32
      %cond3A_31 = arith.constant 0 : i32
      %cond3A_32 = arith.cmpi ne, %convert_element_type3A_30, %cond3A_31 : i32
      scf.if %cond3A_32 {
        "tpu.region"() ({
          %run_scoped3A = tpu.sem_alloc : memref<!tpu.dma_semaphore, #tpu.memory_space<semaphore_mem>>
          %dma_start3A = arith.constant 0 : i32
          %dma_start3A_38 = tpu.memref_slice %arg8[%mul3A_0, %dma_start3A] : memref<10000x128xf32, #tpu.memory_space<hbm>> -> memref<624x128xf32, #tpu.memory_space<hbm>>
          %dma_start3A_39 = arith.constant 0 : i32
          %dma_start3A_40 = tpu.memref_slice %arg13[%mul3A_0, %dma_start3A_39] : memref<10000x128xf32, #tpu.memory_space<vmem_shared>> -> memref<624x128xf32, #tpu.memory_space<vmem_shared>>
          tpu.enqueue_dma source(%dma_start3A_40 : memref<624x128xf32, #tpu.memory_space<vmem_shared>>) target(%dma_start3A_38 : memref<624x128xf32, #tpu.memory_space<hbm>>) target_semaphore(%run_scoped3A : memref<!tpu.dma_semaphore, #tpu.memory_space<semaphore_mem>>)
          %dma_wait3A = arith.constant 0 : i32
          %dma_wait3A_41 = tpu.memref_slice %arg8[%mul3A_0, %dma_wait3A] : memref<10000x128xf32, #tpu.memory_space<hbm>> -> memref<624x128xf32, #tpu.memory_space<hbm>>
          %dma_wait3A_42 = arith.constant 0 : i32
          %dma_wait3A_43 = tpu.memref_slice %arg13[%mul3A_0, %dma_wait3A_42] : memref<10000x128xf32, #tpu.memory_space<vmem_shared>> -> memref<624x128xf32, #tpu.memory_space<vmem_shared>>
          tpu.wait_dma2 semaphore(%run_scoped3A : memref<!tpu.dma_semaphore, #tpu.memory_space<semaphore_mem>>) src(%dma_wait3A_43 : memref<624x128xf32, #tpu.memory_space<vmem_shared>>) dst(%dma_wait3A_41 : memref<624x128xf32, #tpu.memory_space<hbm>>)
          tpu.yield
        }) : () -> ()
      } else {
      }
      %eq3A_33 = arith.constant 15 : i32
      %eq3A_34 = arith.cmpi eq, %arg1, %eq3A_33 : i32
      %convert_element_type3A_35 = arith.extui %eq3A_34 : i1 to i32
      %cond3A_36 = arith.constant 0 : i32
      %cond3A_37 = arith.cmpi ne, %convert_element_type3A_35, %cond3A_36 : i32
      scf.if %cond3A_37 {
        "tpu.region"() ({
          %run_scoped3A = tpu.sem_alloc : memref<!tpu.dma_semaphore, #tpu.memory_space<semaphore_mem>>
          %dma_start3A = arith.constant 9360 : i32
          %dma_start3A_38 = arith.constant 0 : i32
          %dma_start3A_39 = tpu.memref_slice %arg8[%dma_start3A, %dma_start3A_38] : memref<10000x128xf32, #tpu.memory_space<hbm>> -> memref<640x128xf32, #tpu.memory_space<hbm>>
          %dma_start3A_40 = arith.constant 9360 : i32
          %dma_start3A_41 = arith.constant 0 : i32
          %dma_start3A_42 = tpu.memref_slice %arg13[%dma_start3A_40, %dma_start3A_41] : memref<10000x128xf32, #tpu.memory_space<vmem_shared>> -> memref<640x128xf32, #tpu.memory_space<vmem_shared>>
          tpu.enqueue_dma source(%dma_start3A_42 : memref<640x128xf32, #tpu.memory_space<vmem_shared>>) target(%dma_start3A_39 : memref<640x128xf32, #tpu.memory_space<hbm>>) target_semaphore(%run_scoped3A : memref<!tpu.dma_semaphore, #tpu.memory_space<semaphore_mem>>)
          %dma_wait3A = arith.constant 9360 : i32
          %dma_wait3A_43 = arith.constant 0 : i32
          %dma_wait3A_44 = tpu.memref_slice %arg8[%dma_wait3A, %dma_wait3A_43] : memref<10000x128xf32, #tpu.memory_space<hbm>> -> memref<640x128xf32, #tpu.memory_space<hbm>>
          %dma_wait3A_45 = arith.constant 9360 : i32
          %dma_wait3A_46 = arith.constant 0 : i32
          %dma_wait3A_47 = tpu.memref_slice %arg13[%dma_wait3A_45, %dma_wait3A_46] : memref<10000x128xf32, #tpu.memory_space<vmem_shared>> -> memref<640x128xf32, #tpu.memory_space<vmem_shared>>
          tpu.wait_dma2 semaphore(%run_scoped3A : memref<!tpu.dma_semaphore, #tpu.memory_space<semaphore_mem>>) src(%dma_wait3A_47 : memref<640x128xf32, #tpu.memory_space<vmem_shared>>) dst(%dma_wait3A_44 : memref<640x128xf32, #tpu.memory_space<hbm>>)
          tpu.yield
        }) : () -> ()
      } else {
      }
    } else {
    }
    return
  }
}

module attributes {stable_mosaic.version = 14 : i64} {
  func.func @_mm_body(%arg0: i32, %arg1: memref<1000x256xf32, #tpu.memory_space<vmem>>, %arg2: memref<256x256xf32, #tpu.memory_space<vmem>>, %arg3: memref<1000x128xf32, #tpu.memory_space<vmem>>, %arg4: memref<1000x128xf32, #tpu.memory_space<vmem>>) attributes {dimension_semantics = [#tpu.dimension_semantics<arbitrary>], iteration_bounds = array<i64: 10>, scalar_prefetch = 0 : i64, scratch_operands = 0 : i64, tpu.core_type = #tpu.core_type<tc>, window_params = [{transform_indices = @transform_0, window_bounds = array<i64: 1000, 256>}, {pipeline_mode = #tpu.pipeline_mode<synchronous>, transform_indices = @transform_1, window_bounds = array<i64: 256, 256>}, {transform_indices = @transform_2, window_bounds = array<i64: 1000, 128>}, {transform_indices = @transform_3, window_bounds = array<i64: 1000, 128>}]} {
    %get3A = arith.constant 0 : index
    %get3A_0 = arith.constant 0 : index
    %get3A_1 = vector.load %arg1[%get3A, %get3A_0] : memref<1000x256xf32, #tpu.memory_space<vmem>>, vector<1000x256xf32>
    %get3A_2 = arith.constant 0 : index
    %get3A_3 = arith.constant 0 : index
    %get3A_4 = vector.load %arg2[%get3A_2, %get3A_3] : memref<256x256xf32, #tpu.memory_space<vmem>>, vector<256x256xf32>
    %dot_general3A = arith.constant dense<0.000000e+00> : vector<1000x256xf32>
    %dot_general3A_5 = tpu.matmul %get3A_1, %get3A_4, %dot_general3A {dimension_numbers = #tpu.dot_dimension_numbers<[1], [0], [0], [1], [0, 0, 1, 1], [], []>, transpose_lhs_hint = false} : vector<1000x256xf32>, vector<256x256xf32>, vector<1000x256xf32> -> vector<1000x256xf32>
    %slice3A = vector.extract_strided_slice %dot_general3A_5 {offsets = [0, 0], sizes = [1000, 128], strides = [1, 1]} : vector<1000x256xf32> to vector<1000x128xf32>
    %swap3A = arith.constant 0 : index
    %swap3A_6 = arith.constant 0 : index
    %swap3A_7 = vector.load %arg3[%swap3A, %swap3A_6] : memref<1000x128xf32, #tpu.memory_space<vmem>>, vector<1000x128xf32>
    tpu.vector_store %arg3[%swap3A, %swap3A_6], %slice3A {strides = array<i32>} : memref<1000x128xf32, #tpu.memory_space<vmem>>, vector<1000x128xf32>,
    %slice3A_8 = vector.extract_strided_slice %dot_general3A_5 {offsets = [0, 128], sizes = [1000, 128], strides = [1, 1]} : vector<1000x256xf32> to vector<1000x128xf32>
    %swap3A_9 = arith.constant 0 : index
    %swap3A_10 = arith.constant 0 : index
    %swap3A_11 = vector.load %arg4[%swap3A_9, %swap3A_10] : memref<1000x128xf32, #tpu.memory_space<vmem>>, vector<1000x128xf32>
    tpu.vector_store %arg4[%swap3A_9, %swap3A_10], %slice3A_8 {strides = array<i32>} : memref<1000x128xf32, #tpu.memory_space<vmem>>, vector<1000x128xf32>,
    return
  }
  func.func @transform_0(%arg0: i32) -> (i32, i32) {
    %c0_i32 = arith.constant 0 : i32
    %c0_i32_0 = arith.constant 0 : i32
    return %arg0, %c0_i32 : i32, i32
  }
  func.func @transform_1(%arg0: i32) -> (i32, i32) {
    %c0_i32 = arith.constant 0 : i32
    %c0_i32_0 = arith.constant 0 : i32
    %c0_i32_1 = arith.constant 0 : i32
    return %c0_i32, %c0_i32_0 : i32, i32
  }
  func.func @transform_2(%arg0: i32) -> (i32, i32) {
    %c0_i32 = arith.constant 0 : i32
    %c0_i32_0 = arith.constant 0 : i32
    return %arg0, %c0_i32 : i32, i32
  }
  func.func @transform_3(%arg0: i32) -> (i32, i32) {
    %c0_i32 = arith.constant 0 : i32
    %c0_i32_0 = arith.constant 0 : i32
    return %arg0, %c0_i32 : i32, i32
  }
}

module attributes {stable_mosaic.version = 14 : i64} {
  func.func @_stats_body(%arg0: i32, %arg1: memref<1000x128xf32, #tpu.memory_space<vmem>>, %arg2: memref<1000x128xf32, #tpu.memory_space<vmem>>, %arg3: memref<8x128xf32, #tpu.memory_space<vmem>>, %arg4: memref<8x128xf32, #tpu.memory_space<vmem>>, %arg5: memref<8x128xf32, #tpu.memory_space<vmem>>, %arg6: memref<8x128xf32, #tpu.memory_space<vmem>>) attributes {dimension_semantics = [#tpu.dimension_semantics<arbitrary>], iteration_bounds = array<i64: 10>, scalar_prefetch = 0 : i64, scratch_operands = 0 : i64, tpu.core_type = #tpu.core_type<tc>, window_params = [{transform_indices = @transform_0, window_bounds = array<i64: 1000, 128>}, {transform_indices = @transform_1, window_bounds = array<i64: 1000, 128>}, {pipeline_mode = #tpu.pipeline_mode<synchronous>, transform_indices = @transform_2, window_bounds = array<i64: 8, 128>}, {pipeline_mode = #tpu.pipeline_mode<synchronous>, transform_indices = @transform_3, window_bounds = array<i64: 8, 128>}, {pipeline_mode = #tpu.pipeline_mode<synchronous>, transform_indices = @transform_4, window_bounds = array<i64: 8, 128>}, {pipeline_mode = #tpu.pipeline_mode<synchronous>, transform_indices = @transform_5, window_bounds = array<i64: 8, 128>}]} {
    %eq3A = arith.constant 0 : i32
    %eq3A_0 = arith.cmpi eq, %arg0, %eq3A : i32
    %convert_element_type3A = arith.extui %eq3A_0 : i1 to i32
    %cond3A = arith.constant 0 : i32
    %cond3A_1 = arith.cmpi ne, %convert_element_type3A, %cond3A : i32
    scf.if %cond3A_1 {
      %broadcast_in_dim3A_48 = arith.constant 0.000000e+00 : f32
      %broadcast_in_dim3A_49 = vector.broadcast %broadcast_in_dim3A_48 : f32 to vector<8x128xf32>
      %swap3A_50 = arith.constant 0 : index
      %swap3A_51 = arith.constant 0 : index
      %swap3A_52 = vector.load %arg3[%swap3A_50, %swap3A_51] : memref<8x128xf32, #tpu.memory_space<vmem>>, vector<8x128xf32>
      tpu.vector_store %arg3[%swap3A_50, %swap3A_51], %broadcast_in_dim3A_49 {strides = array<i32>} : memref<8x128xf32, #tpu.memory_space<vmem>>, vector<8x128xf32>,
      %broadcast_in_dim3A_53 = arith.constant 0.000000e+00 : f32
      %broadcast_in_dim3A_54 = vector.broadcast %broadcast_in_dim3A_53 : f32 to vector<8x128xf32>
      %swap3A_55 = arith.constant 0 : index
      %swap3A_56 = arith.constant 0 : index
      %swap3A_57 = vector.load %arg4[%swap3A_55, %swap3A_56] : memref<8x128xf32, #tpu.memory_space<vmem>>, vector<8x128xf32>
      tpu.vector_store %arg4[%swap3A_55, %swap3A_56], %broadcast_in_dim3A_54 {strides = array<i32>} : memref<8x128xf32, #tpu.memory_space<vmem>>, vector<8x128xf32>,
      %broadcast_in_dim3A_58 = arith.constant 0.000000e+00 : f32
      %broadcast_in_dim3A_59 = vector.broadcast %broadcast_in_dim3A_58 : f32 to vector<8x128xf32>
      %swap3A_60 = arith.constant 0 : index
      %swap3A_61 = arith.constant 0 : index
      %swap3A_62 = vector.load %arg5[%swap3A_60, %swap3A_61] : memref<8x128xf32, #tpu.memory_space<vmem>>, vector<8x128xf32>
      tpu.vector_store %arg5[%swap3A_60, %swap3A_61], %broadcast_in_dim3A_59 {strides = array<i32>} : memref<8x128xf32, #tpu.memory_space<vmem>>, vector<8x128xf32>,
      %broadcast_in_dim3A_63 = arith.constant 0.000000e+00 : f32
      %broadcast_in_dim3A_64 = vector.broadcast %broadcast_in_dim3A_63 : f32 to vector<8x128xf32>
      %swap3A_65 = arith.constant 0 : index
      %swap3A_66 = arith.constant 0 : index
      %swap3A_67 = vector.load %arg6[%swap3A_65, %swap3A_66] : memref<8x128xf32, #tpu.memory_space<vmem>>, vector<8x128xf32>
      tpu.vector_store %arg6[%swap3A_65, %swap3A_66], %broadcast_in_dim3A_64 {strides = array<i32>} : memref<8x128xf32, #tpu.memory_space<vmem>>, vector<8x128xf32>,
    } else {
    }
    %get3A = arith.constant 0 : index
    %get3A_2 = arith.constant 0 : index
    %get3A_3 = vector.load %arg1[%get3A, %get3A_2] : memref<1000x128xf32, #tpu.memory_space<vmem>>, vector<1000x128xf32>
    %get3A_4 = arith.constant 0 : index
    %get3A_5 = arith.constant 0 : index
    %get3A_6 = vector.load %arg2[%get3A_4, %get3A_5] : memref<1000x128xf32, #tpu.memory_space<vmem>>, vector<1000x128xf32>
    %get3A_7 = arith.constant 0 : index
    %get3A_8 = arith.constant 0 : index
    %get3A_9 = vector.load %arg3[%get3A_7, %get3A_8] : memref<8x128xf32, #tpu.memory_space<vmem>>, vector<8x128xf32>
    %reduce_sum3A = arith.constant dense<0.000000e+00> : vector<128xf32>
    %reduce_sum3A_10 = vector.multi_reduction <add>, %get3A_3, %reduce_sum3A [0] : vector<1000x128xf32> to vector<128xf32>
    %broadcast_in_dim3A = vector.shape_cast %reduce_sum3A_10 : vector<128xf32> to vector<1x128xf32>
    %add3A = vector.broadcast %broadcast_in_dim3A : vector<1x128xf32> to vector<8x128xf32>
    %add3A_11 = arith.addf %get3A_9, %add3A : vector<8x128xf32>
    %swap3A = arith.constant 0 : index
    %swap3A_12 = arith.constant 0 : index
    %swap3A_13 = vector.load %arg3[%swap3A, %swap3A_12] : memref<8x128xf32, #tpu.memory_space<vmem>>, vector<8x128xf32>
    tpu.vector_store %arg3[%swap3A, %swap3A_12], %add3A_11 {strides = array<i32>} : memref<8x128xf32, #tpu.memory_space<vmem>>, vector<8x128xf32>,
    %get3A_14 = arith.constant 0 : index
    %get3A_15 = arith.constant 0 : index
    %get3A_16 = vector.load %arg4[%get3A_14, %get3A_15] : memref<8x128xf32, #tpu.memory_space<vmem>>, vector<8x128xf32>
    %mul3A = arith.mulf %get3A_3, %get3A_3 : vector<1000x128xf32>
    %reduce_sum3A_17 = arith.constant dense<0.000000e+00> : vector<128xf32>
    %reduce_sum3A_18 = vector.multi_reduction <add>, %mul3A, %reduce_sum3A_17 [0] : vector<1000x128xf32> to vector<128xf32>
    %broadcast_in_dim3A_19 = vector.shape_cast %reduce_sum3A_18 : vector<128xf32> to vector<1x128xf32>
    %add3A_20 = vector.broadcast %broadcast_in_dim3A_19 : vector<1x128xf32> to vector<8x128xf32>
    %add3A_21 = arith.addf %get3A_16, %add3A_20 : vector<8x128xf32>
    %swap3A_22 = arith.constant 0 : index
    %swap3A_23 = arith.constant 0 : index
    %swap3A_24 = vector.load %arg4[%swap3A_22, %swap3A_23] : memref<8x128xf32, #tpu.memory_space<vmem>>, vector<8x128xf32>
    tpu.vector_store %arg4[%swap3A_22, %swap3A_23], %add3A_21 {strides = array<i32>} : memref<8x128xf32, #tpu.memory_space<vmem>>, vector<8x128xf32>,
    %get3A_25 = arith.constant 0 : index
    %get3A_26 = arith.constant 0 : index
    %get3A_27 = vector.load %arg5[%get3A_25, %get3A_26] : memref<8x128xf32, #tpu.memory_space<vmem>>, vector<8x128xf32>
    %reduce_sum3A_28 = arith.constant dense<0.000000e+00> : vector<128xf32>
    %reduce_sum3A_29 = vector.multi_reduction <add>, %get3A_6, %reduce_sum3A_28 [0] : vector<1000x128xf32> to vector<128xf32>
    %broadcast_in_dim3A_30 = vector.shape_cast %reduce_sum3A_29 : vector<128xf32> to vector<1x128xf32>
    %add3A_31 = vector.broadcast %broadcast_in_dim3A_30 : vector<1x128xf32> to vector<8x128xf32>
    %add3A_32 = arith.addf %get3A_27, %add3A_31 : vector<8x128xf32>
    %swap3A_33 = arith.constant 0 : index
    %swap3A_34 = arith.constant 0 : index
    %swap3A_35 = vector.load %arg5[%swap3A_33, %swap3A_34] : memref<8x128xf32, #tpu.memory_space<vmem>>, vector<8x128xf32>
    tpu.vector_store %arg5[%swap3A_33, %swap3A_34], %add3A_32 {strides = array<i32>} : memref<8x128xf32, #tpu.memory_space<vmem>>, vector<8x128xf32>,
    %get3A_36 = arith.constant 0 : index
    %get3A_37 = arith.constant 0 : index
    %get3A_38 = vector.load %arg6[%get3A_36, %get3A_37] : memref<8x128xf32, #tpu.memory_space<vmem>>, vector<8x128xf32>
    %mul3A_39 = arith.mulf %get3A_6, %get3A_6 : vector<1000x128xf32>
    %reduce_sum3A_40 = arith.constant dense<0.000000e+00> : vector<128xf32>
    %reduce_sum3A_41 = vector.multi_reduction <add>, %mul3A_39, %reduce_sum3A_40 [0] : vector<1000x128xf32> to vector<128xf32>
    %broadcast_in_dim3A_42 = vector.shape_cast %reduce_sum3A_41 : vector<128xf32> to vector<1x128xf32>
    %add3A_43 = vector.broadcast %broadcast_in_dim3A_42 : vector<1x128xf32> to vector<8x128xf32>
    %add3A_44 = arith.addf %get3A_38, %add3A_43 : vector<8x128xf32>
    %swap3A_45 = arith.constant 0 : index
    %swap3A_46 = arith.constant 0 : index
    %swap3A_47 = vector.load %arg6[%swap3A_45, %swap3A_46] : memref<8x128xf32, #tpu.memory_space<vmem>>, vector<8x128xf32>
    tpu.vector_store %arg6[%swap3A_45, %swap3A_46], %add3A_44 {strides = array<i32>} : memref<8x128xf32, #tpu.memory_space<vmem>>, vector<8x128xf32>,
    return
  }
  func.func @transform_0(%arg0: i32) -> (i32, i32) {
    %c0_i32 = arith.constant 0 : i32
    %c0_i32_0 = arith.constant 0 : i32
    return %arg0, %c0_i32 : i32, i32
  }
  func.func @transform_1(%arg0: i32) -> (i32, i32) {
    %c0_i32 = arith.constant 0 : i32
    %c0_i32_0 = arith.constant 0 : i32
    return %arg0, %c0_i32 : i32, i32
  }
  func.func @transform_2(%arg0: i32) -> (i32, i32) {
    %c0_i32 = arith.constant 0 : i32
    %c0_i32_0 = arith.constant 0 : i32
    %c0_i32_1 = arith.constant 0 : i32
    return %c0_i32, %c0_i32_0 : i32, i32
  }
  func.func @transform_3(%arg0: i32) -> (i32, i32) {
    %c0_i32 = arith.constant 0 : i32
    %c0_i32_0 = arith.constant 0 : i32
    %c0_i32_1 = arith.constant 0 : i32
    return %c0_i32, %c0_i32_0 : i32, i32
  }
  func.func @transform_4(%arg0: i32) -> (i32, i32) {
    %c0_i32 = arith.constant 0 : i32
    %c0_i32_0 = arith.constant 0 : i32
    %c0_i32_1 = arith.constant 0 : i32
    return %c0_i32, %c0_i32_0 : i32, i32
  }
  func.func @transform_5(%arg0: i32) -> (i32, i32) {
    %c0_i32 = arith.constant 0 : i32
    %c0_i32_0 = arith.constant 0 : i32
    %c0_i32_1 = arith.constant 0 : i32
    return %c0_i32, %c0_i32_0 : i32, i32
  }
}

module attributes {stable_mosaic.version = 14 : i64} {
  func.func @_fused_body(%arg0: i32, %arg1: memref<1000x128xf32, #tpu.memory_space<vmem>>, %arg2: memref<1000x128xf32, #tpu.memory_space<vmem>>, %arg3: memref<8x128xf32, #tpu.memory_space<vmem>>, %arg4: memref<8x128xf32, #tpu.memory_space<vmem>>, %arg5: memref<8x128xf32, #tpu.memory_space<vmem>>, %arg6: memref<8x128xf32, #tpu.memory_space<vmem>>, %arg7: memref<1x256xf32, #tpu.memory_space<vmem>>, %arg8: memref<1x256xf32, #tpu.memory_space<vmem>>, %arg9: memref<256x256xf32, #tpu.memory_space<vmem>>, %arg10: memref<1000x128xf32, #tpu.memory_space<vmem>>, %arg11: memref<1000x128xf32, #tpu.memory_space<vmem>>) attributes {dimension_semantics = [#tpu.dimension_semantics<arbitrary>], iteration_bounds = array<i64: 10>, scalar_prefetch = 0 : i64, scratch_operands = 0 : i64, tpu.core_type = #tpu.core_type<tc>, window_params = [{transform_indices = @transform_0, window_bounds = array<i64: 1000, 128>}, {transform_indices = @transform_1, window_bounds = array<i64: 1000, 128>}, {pipeline_mode = #tpu.pipeline_mode<synchronous>, transform_indices = @transform_2, window_bounds = array<i64: 8, 128>}, {pipeline_mode = #tpu.pipeline_mode<synchronous>, transform_indices = @transform_3, window_bounds = array<i64: 8, 128>}, {pipeline_mode = #tpu.pipeline_mode<synchronous>, transform_indices = @transform_4, window_bounds = array<i64: 8, 128>}, {pipeline_mode = #tpu.pipeline_mode<synchronous>, transform_indices = @transform_5, window_bounds = array<i64: 8, 128>}, {pipeline_mode = #tpu.pipeline_mode<synchronous>, transform_indices = @transform_6, window_bounds = array<i64: 1, 256>}, {pipeline_mode = #tpu.pipeline_mode<synchronous>, transform_indices = @transform_7, window_bounds = array<i64: 1, 256>}, {pipeline_mode = #tpu.pipeline_mode<synchronous>, transform_indices = @transform_8, window_bounds = array<i64: 256, 256>}, {transform_indices = @transform_9, window_bounds = array<i64: 1000, 128>}, {transform_indices = @transform_10, window_bounds = array<i64: 1000, 128>}]} {
    %get3A = arith.constant 0 : index
    %get3A_0 = arith.constant 0 : index
    %get3A_1 = vector.load %arg7[%get3A, %get3A_0] : memref<1x256xf32, #tpu.memory_space<vmem>>, vector<1x128xf32>
    %get3A_2 = arith.constant 0 : index
    %get3A_3 = arith.constant 0 : index
    %get3A_4 = vector.load %arg8[%get3A_2, %get3A_3] : memref<1x256xf32, #tpu.memory_space<vmem>>, vector<1x128xf32>
    %get3A_5 = arith.constant 0 : index
    %get3A_6 = arith.constant 0 : index
    %get3A_7 = vector.load %arg3[%get3A_5, %get3A_6] : memref<8x128xf32, #tpu.memory_space<vmem>>, vector<1x128xf32>
    %mul3A = arith.constant 9.99999974E-5 : f32
    %mul3A_8 = vector.broadcast %mul3A : f32 to vector<1x128xf32>
    %mul3A_9 = arith.mulf %get3A_7, %mul3A_8 : vector<1x128xf32>
    %get3A_10 = arith.constant 0 : index
    %get3A_11 = arith.constant 0 : index
    %get3A_12 = vector.load %arg4[%get3A_10, %get3A_11] : memref<8x128xf32, #tpu.memory_space<vmem>>, vector<1x128xf32>
    %mul3A_13 = arith.constant 9.99999974E-5 : f32
    %mul3A_14 = vector.broadcast %mul3A_13 : f32 to vector<1x128xf32>
    %mul3A_15 = arith.mulf %get3A_12, %mul3A_14 : vector<1x128xf32>
    %mul3A_16 = arith.mulf %mul3A_9, %mul3A_9 : vector<1x128xf32>
    %sub3A = arith.subf %mul3A_15, %mul3A_16 : vector<1x128xf32>
    %add3A = arith.constant 9.99999974E-6 : f32
    %add3A_17 = vector.broadcast %add3A : f32 to vector<1x128xf32>
    %add3A_18 = arith.addf %sub3A, %add3A_17 : vector<1x128xf32>
    %rsqrt3A = math.rsqrt %add3A_18 : vector<1x128xf32>
    %mul3A_19 = arith.mulf %get3A_1, %rsqrt3A : vector<1x128xf32>
    %mul3A_20 = arith.mulf %mul3A_9, %mul3A_19 : vector<1x128xf32>
    %sub3A_21 = arith.subf %get3A_4, %mul3A_20 : vector<1x128xf32>
    %get3A_22 = arith.constant 0 : index
    %get3A_23 = arith.constant 128 : index
    %get3A_24 = vector.load %arg7[%get3A_22, %get3A_23] : memref<1x256xf32, #tpu.memory_space<vmem>>, vector<1x128xf32>
    %get3A_25 = arith.constant 0 : index
    %get3A_26 = arith.constant 128 : index
    %get3A_27 = vector.load %arg8[%get3A_25, %get3A_26] : memref<1x256xf32, #tpu.memory_space<vmem>>, vector<1x128xf32>
    %get3A_28 = arith.constant 0 : index
    %get3A_29 = arith.constant 0 : index
    %get3A_30 = vector.load %arg5[%get3A_28, %get3A_29] : memref<8x128xf32, #tpu.memory_space<vmem>>, vector<1x128xf32>
    %mul3A_31 = arith.constant 9.99999974E-5 : f32
    %mul3A_32 = vector.broadcast %mul3A_31 : f32 to vector<1x128xf32>
    %mul3A_33 = arith.mulf %get3A_30, %mul3A_32 : vector<1x128xf32>
    %get3A_34 = arith.constant 0 : index
    %get3A_35 = arith.constant 0 : index
    %get3A_36 = vector.load %arg6[%get3A_34, %get3A_35] : memref<8x128xf32, #tpu.memory_space<vmem>>, vector<1x128xf32>
    %mul3A_37 = arith.constant 9.99999974E-5 : f32
    %mul3A_38 = vector.broadcast %mul3A_37 : f32 to vector<1x128xf32>
    %mul3A_39 = arith.mulf %get3A_36, %mul3A_38 : vector<1x128xf32>
    %mul3A_40 = arith.mulf %mul3A_33, %mul3A_33 : vector<1x128xf32>
    %sub3A_41 = arith.subf %mul3A_39, %mul3A_40 : vector<1x128xf32>
    %add3A_42 = arith.constant 9.99999974E-6 : f32
    %add3A_43 = vector.broadcast %add3A_42 : f32 to vector<1x128xf32>
    %add3A_44 = arith.addf %sub3A_41, %add3A_43 : vector<1x128xf32>
    %rsqrt3A_45 = math.rsqrt %add3A_44 : vector<1x128xf32>
    %mul3A_46 = arith.mulf %get3A_24, %rsqrt3A_45 : vector<1x128xf32>
    %mul3A_47 = arith.mulf %mul3A_33, %mul3A_46 : vector<1x128xf32>
    %sub3A_48 = arith.subf %get3A_27, %mul3A_47 : vector<1x128xf32>
    %get3A_49 = arith.constant 0 : index
    %get3A_50 = arith.constant 0 : index
    %get3A_51 = vector.load %arg1[%get3A_49, %get3A_50] : memref<1000x128xf32, #tpu.memory_space<vmem>>, vector<1000x128xf32>
    %mul3A_52 = vector.broadcast %mul3A_19 : vector<1x128xf32> to vector<1000x128xf32>
    %mul3A_53 = arith.mulf %get3A_51, %mul3A_52 : vector<1000x128xf32>
    %add3A_54 = vector.broadcast %sub3A_21 : vector<1x128xf32> to vector<1000x128xf32>
    %add3A_55 = arith.addf %mul3A_53, %add3A_54 : vector<1000x128xf32>
    %max3A = arith.constant 0.000000e+00 : f32
    %max3A_56 = vector.broadcast %max3A : f32 to vector<1000x128xf32>
    %max3A_57 = arith.maximumf %add3A_55, %max3A_56 : vector<1000x128xf32>
    %get3A_58 = arith.constant 0 : index
    %get3A_59 = arith.constant 0 : index
    %get3A_60 = vector.load %arg2[%get3A_58, %get3A_59] : memref<1000x128xf32, #tpu.memory_space<vmem>>, vector<1000x128xf32>
    %mul3A_61 = vector.broadcast %mul3A_46 : vector<1x128xf32> to vector<1000x128xf32>
    %mul3A_62 = arith.mulf %get3A_60, %mul3A_61 : vector<1000x128xf32>
    %add3A_63 = vector.broadcast %sub3A_48 : vector<1x128xf32> to vector<1000x128xf32>
    %add3A_64 = arith.addf %mul3A_62, %add3A_63 : vector<1000x128xf32>
    %max3A_65 = arith.constant 0.000000e+00 : f32
    %max3A_66 = vector.broadcast %max3A_65 : f32 to vector<1000x128xf32>
    %max3A_67 = arith.maximumf %add3A_64, %max3A_66 : vector<1000x128xf32>
    %get3A_68 = arith.constant 0 : index
    %get3A_69 = arith.constant 0 : index
    %get3A_70 = vector.load %arg9[%get3A_68, %get3A_69] : memref<256x256xf32, #tpu.memory_space<vmem>>, vector<128x256xf32>
    %dot_general3A = arith.constant dense<0.000000e+00> : vector<1000x256xf32>
    %dot_general3A_71 = tpu.matmul %max3A_57, %get3A_70, %dot_general3A {dimension_numbers = #tpu.dot_dimension_numbers<[1], [0], [0], [1], [0, 0, 1, 1], [], []>, transpose_lhs_hint = false} : vector<1000x128xf32>, vector<128x256xf32>, vector<1000x256xf32> -> vector<1000x256xf32>
    %get3A_72 = arith.constant 128 : index
    %get3A_73 = arith.constant 0 : index
    %get3A_74 = vector.load %arg9[%get3A_72, %get3A_73] : memref<256x256xf32, #tpu.memory_space<vmem>>, vector<128x256xf32>
    %dot_general3A_75 = arith.constant dense<0.000000e+00> : vector<1000x256xf32>
    %dot_general3A_76 = tpu.matmul %max3A_67, %get3A_74, %dot_general3A_75 {dimension_numbers = #tpu.dot_dimension_numbers<[1], [0], [0], [1], [0, 0, 1, 1], [], []>, transpose_lhs_hint = false} : vector<1000x128xf32>, vector<128x256xf32>, vector<1000x256xf32> -> vector<1000x256xf32>
    %add3A_77 = arith.addf %dot_general3A_71, %dot_general3A_76 : vector<1000x256xf32>
    %slice3A = vector.extract_strided_slice %add3A_77 {offsets = [0, 0], sizes = [1000, 128], strides = [1, 1]} : vector<1000x256xf32> to vector<1000x128xf32>
    %swap3A = arith.constant 0 : index
    %swap3A_78 = arith.constant 0 : index
    %swap3A_79 = vector.load %arg10[%swap3A, %swap3A_78] : memref<1000x128xf32, #tpu.memory_space<vmem>>, vector<1000x128xf32>
    tpu.vector_store %arg10[%swap3A, %swap3A_78], %slice3A {strides = array<i32>} : memref<1000x128xf32, #tpu.memory_space<vmem>>, vector<1000x128xf32>,
    %slice3A_80 = vector.extract_strided_slice %add3A_77 {offsets = [0, 128], sizes = [1000, 128], strides = [1, 1]} : vector<1000x256xf32> to vector<1000x128xf32>
    %swap3A_81 = arith.constant 0 : index
    %swap3A_82 = arith.constant 0 : index
    %swap3A_83 = vector.load %arg11[%swap3A_81, %swap3A_82] : memref<1000x128xf32, #tpu.memory_space<vmem>>, vector<1000x128xf32>
    tpu.vector_store %arg11[%swap3A_81, %swap3A_82], %slice3A_80 {strides = array<i32>} : memref<1000x128xf32, #tpu.memory_space<vmem>>, vector<1000x128xf32>,
    return
  }
  func.func @transform_0(%arg0: i32) -> (i32, i32) {
    %c0_i32 = arith.constant 0 : i32
    %c0_i32_0 = arith.constant 0 : i32
    return %arg0, %c0_i32 : i32, i32
  }
  func.func @transform_1(%arg0: i32) -> (i32, i32) {
    %c0_i32 = arith.constant 0 : i32
    %c0_i32_0 = arith.constant 0 : i32
    return %arg0, %c0_i32 : i32, i32
  }
  func.func @transform_2(%arg0: i32) -> (i32, i32) {
    %c0_i32 = arith.constant 0 : i32
    %c0_i32_0 = arith.constant 0 : i32
    %c0_i32_1 = arith.constant 0 : i32
    return %c0_i32, %c0_i32_0 : i32, i32
  }
  func.func @transform_3(%arg0: i32) -> (i32, i32) {
    %c0_i32 = arith.constant 0 : i32
    %c0_i32_0 = arith.constant 0 : i32
    %c0_i32_1 = arith.constant 0 : i32
    return %c0_i32, %c0_i32_0 : i32, i32
  }
  func.func @transform_4(%arg0: i32) -> (i32, i32) {
    %c0_i32 = arith.constant 0 : i32
    %c0_i32_0 = arith.constant 0 : i32
    %c0_i32_1 = arith.constant 0 : i32
    return %c0_i32, %c0_i32_0 : i32, i32
  }
  func.func @transform_5(%arg0: i32) -> (i32, i32) {
    %c0_i32 = arith.constant 0 : i32
    %c0_i32_0 = arith.constant 0 : i32
    %c0_i32_1 = arith.constant 0 : i32
    return %c0_i32, %c0_i32_0 : i32, i32
  }
  func.func @transform_6(%arg0: i32) -> (i32, i32) {
    %c0_i32 = arith.constant 0 : i32
    %c0_i32_0 = arith.constant 0 : i32
    %c0_i32_1 = arith.constant 0 : i32
    return %c0_i32, %c0_i32_0 : i32, i32
  }
  func.func @transform_7(%arg0: i32) -> (i32, i32) {
    %c0_i32 = arith.constant 0 : i32
    %c0_i32_0 = arith.constant 0 : i32
    %c0_i32_1 = arith.constant 0 : i32
    return %c0_i32, %c0_i32_0 : i32, i32
  }
  func.func @transform_8(%arg0: i32) -> (i32, i32) {
    %c0_i32 = arith.constant 0 : i32
    %c0_i32_0 = arith.constant 0 : i32
    %c0_i32_1 = arith.constant 0 : i32
    return %c0_i32, %c0_i32_0 : i32, i32
  }
  func.func @transform_9(%arg0: i32) -> (i32, i32) {
    %c0_i32 = arith.constant 0 : i32
    %c0_i32_0 = arith.constant 0 : i32
    return %arg0, %c0_i32 : i32, i32
  }
  func.func @transform_10(%arg0: i32) -> (i32, i32) {
    %c0_i32 = arith.constant 0 : i32
    %c0_i32_0 = arith.constant 0 : i32
    return %arg0, %c0_i32 : i32, i32
  }
}

module attributes {stable_mosaic.version = 14 : i64} {
  func.func @_final_body(%arg0: i32, %arg1: memref<1000x128xf32, #tpu.memory_space<vmem>>, %arg2: memref<1000x128xf32, #tpu.memory_space<vmem>>, %arg3: memref<8x128xf32, #tpu.memory_space<vmem>>, %arg4: memref<8x128xf32, #tpu.memory_space<vmem>>, %arg5: memref<8x128xf32, #tpu.memory_space<vmem>>, %arg6: memref<8x128xf32, #tpu.memory_space<vmem>>, %arg7: memref<1x256xf32, #tpu.memory_space<vmem>>, %arg8: memref<1x256xf32, #tpu.memory_space<vmem>>, %arg9: memref<1000x256xf32, #tpu.memory_space<vmem>>) attributes {dimension_semantics = [#tpu.dimension_semantics<arbitrary>], iteration_bounds = array<i64: 10>, scalar_prefetch = 0 : i64, scratch_operands = 0 : i64, tpu.core_type = #tpu.core_type<tc>, window_params = [{transform_indices = @transform_0, window_bounds = array<i64: 1000, 128>}, {transform_indices = @transform_1, window_bounds = array<i64: 1000, 128>}, {pipeline_mode = #tpu.pipeline_mode<synchronous>, transform_indices = @transform_2, window_bounds = array<i64: 8, 128>}, {pipeline_mode = #tpu.pipeline_mode<synchronous>, transform_indices = @transform_3, window_bounds = array<i64: 8, 128>}, {pipeline_mode = #tpu.pipeline_mode<synchronous>, transform_indices = @transform_4, window_bounds = array<i64: 8, 128>}, {pipeline_mode = #tpu.pipeline_mode<synchronous>, transform_indices = @transform_5, window_bounds = array<i64: 8, 128>}, {pipeline_mode = #tpu.pipeline_mode<synchronous>, transform_indices = @transform_6, window_bounds = array<i64: 1, 256>}, {pipeline_mode = #tpu.pipeline_mode<synchronous>, transform_indices = @transform_7, window_bounds = array<i64: 1, 256>}, {transform_indices = @transform_8, window_bounds = array<i64: 1000, 256>}]} {
    %get3A = arith.constant 0 : index
    %get3A_0 = arith.constant 0 : index
    %get3A_1 = vector.load %arg7[%get3A, %get3A_0] : memref<1x256xf32, #tpu.memory_space<vmem>>, vector<1x128xf32>
    %get3A_2 = arith.constant 0 : index
    %get3A_3 = arith.constant 0 : index
    %get3A_4 = vector.load %arg8[%get3A_2, %get3A_3] : memref<1x256xf32, #tpu.memory_space<vmem>>, vector<1x128xf32>
    %get3A_5 = arith.constant 0 : index
    %get3A_6 = arith.constant 0 : index
    %get3A_7 = vector.load %arg3[%get3A_5, %get3A_6] : memref<8x128xf32, #tpu.memory_space<vmem>>, vector<1x128xf32>
    %mul3A = arith.constant 9.99999974E-5 : f32
    %mul3A_8 = vector.broadcast %mul3A : f32 to vector<1x128xf32>
    %mul3A_9 = arith.mulf %get3A_7, %mul3A_8 : vector<1x128xf32>
    %get3A_10 = arith.constant 0 : index
    %get3A_11 = arith.constant 0 : index
    %get3A_12 = vector.load %arg4[%get3A_10, %get3A_11] : memref<8x128xf32, #tpu.memory_space<vmem>>, vector<1x128xf32>
    %mul3A_13 = arith.constant 9.99999974E-5 : f32
    %mul3A_14 = vector.broadcast %mul3A_13 : f32 to vector<1x128xf32>
    %mul3A_15 = arith.mulf %get3A_12, %mul3A_14 : vector<1x128xf32>
    %mul3A_16 = arith.mulf %mul3A_9, %mul3A_9 : vector<1x128xf32>
    %sub3A = arith.subf %mul3A_15, %mul3A_16 : vector<1x128xf32>
    %add3A = arith.constant 9.99999974E-6 : f32
    %add3A_17 = vector.broadcast %add3A : f32 to vector<1x128xf32>
    %add3A_18 = arith.addf %sub3A, %add3A_17 : vector<1x128xf32>
    %rsqrt3A = math.rsqrt %add3A_18 : vector<1x128xf32>
    %mul3A_19 = arith.mulf %get3A_1, %rsqrt3A : vector<1x128xf32>
    %mul3A_20 = arith.mulf %mul3A_9, %mul3A_19 : vector<1x128xf32>
    %sub3A_21 = arith.subf %get3A_4, %mul3A_20 : vector<1x128xf32>
    %get3A_22 = arith.constant 0 : index
    %get3A_23 = arith.constant 128 : index
    %get3A_24 = vector.load %arg7[%get3A_22, %get3A_23] : memref<1x256xf32, #tpu.memory_space<vmem>>, vector<1x128xf32>
    %get3A_25 = arith.constant 0 : index
    %get3A_26 = arith.constant 128 : index
    %get3A_27 = vector.load %arg8[%get3A_25, %get3A_26] : memref<1x256xf32, #tpu.memory_space<vmem>>, vector<1x128xf32>
    %get3A_28 = arith.constant 0 : index
    %get3A_29 = arith.constant 0 : index
    %get3A_30 = vector.load %arg5[%get3A_28, %get3A_29] : memref<8x128xf32, #tpu.memory_space<vmem>>, vector<1x128xf32>
    %mul3A_31 = arith.constant 9.99999974E-5 : f32
    %mul3A_32 = vector.broadcast %mul3A_31 : f32 to vector<1x128xf32>
    %mul3A_33 = arith.mulf %get3A_30, %mul3A_32 : vector<1x128xf32>
    %get3A_34 = arith.constant 0 : index
    %get3A_35 = arith.constant 0 : index
    %get3A_36 = vector.load %arg6[%get3A_34, %get3A_35] : memref<8x128xf32, #tpu.memory_space<vmem>>, vector<1x128xf32>
    %mul3A_37 = arith.constant 9.99999974E-5 : f32
    %mul3A_38 = vector.broadcast %mul3A_37 : f32 to vector<1x128xf32>
    %mul3A_39 = arith.mulf %get3A_36, %mul3A_38 : vector<1x128xf32>
    %mul3A_40 = arith.mulf %mul3A_33, %mul3A_33 : vector<1x128xf32>
    %sub3A_41 = arith.subf %mul3A_39, %mul3A_40 : vector<1x128xf32>
    %add3A_42 = arith.constant 9.99999974E-6 : f32
    %add3A_43 = vector.broadcast %add3A_42 : f32 to vector<1x128xf32>
    %add3A_44 = arith.addf %sub3A_41, %add3A_43 : vector<1x128xf32>
    %rsqrt3A_45 = math.rsqrt %add3A_44 : vector<1x128xf32>
    %mul3A_46 = arith.mulf %get3A_24, %rsqrt3A_45 : vector<1x128xf32>
    %mul3A_47 = arith.mulf %mul3A_33, %mul3A_46 : vector<1x128xf32>
    %sub3A_48 = arith.subf %get3A_27, %mul3A_47 : vector<1x128xf32>
    %get3A_49 = arith.constant 0 : index
    %get3A_50 = arith.constant 0 : index
    %get3A_51 = vector.load %arg1[%get3A_49, %get3A_50] : memref<1000x128xf32, #tpu.memory_space<vmem>>, vector<1000x128xf32>
    %mul3A_52 = vector.broadcast %mul3A_19 : vector<1x128xf32> to vector<1000x128xf32>
    %mul3A_53 = arith.mulf %get3A_51, %mul3A_52 : vector<1000x128xf32>
    %add3A_54 = vector.broadcast %sub3A_21 : vector<1x128xf32> to vector<1000x128xf32>
    %add3A_55 = arith.addf %mul3A_53, %add3A_54 : vector<1000x128xf32>
    %swap3A = arith.constant 0 : index
    %swap3A_56 = arith.constant 0 : index
    %swap3A_57 = vector.load %arg9[%swap3A, %swap3A_56] : memref<1000x256xf32, #tpu.memory_space<vmem>>, vector<1000x128xf32>
    tpu.vector_store %arg9[%swap3A, %swap3A_56], %add3A_55 {strides = array<i32>} : memref<1000x256xf32, #tpu.memory_space<vmem>>, vector<1000x128xf32>,
    %get3A_58 = arith.constant 0 : index
    %get3A_59 = arith.constant 0 : index
    %get3A_60 = vector.load %arg2[%get3A_58, %get3A_59] : memref<1000x128xf32, #tpu.memory_space<vmem>>, vector<1000x128xf32>
    %mul3A_61 = vector.broadcast %mul3A_46 : vector<1x128xf32> to vector<1000x128xf32>
    %mul3A_62 = arith.mulf %get3A_60, %mul3A_61 : vector<1000x128xf32>
    %add3A_63 = vector.broadcast %sub3A_48 : vector<1x128xf32> to vector<1000x128xf32>
    %add3A_64 = arith.addf %mul3A_62, %add3A_63 : vector<1000x128xf32>
    %swap3A_65 = arith.constant 0 : index
    %swap3A_66 = arith.constant 128 : index
    %swap3A_67 = vector.load %arg9[%swap3A_65, %swap3A_66] : memref<1000x256xf32, #tpu.memory_space<vmem>>, vector<1000x128xf32>
    tpu.vector_store %arg9[%swap3A_65, %swap3A_66], %add3A_64 {strides = array<i32>} : memref<1000x256xf32, #tpu.memory_space<vmem>>, vector<1000x128xf32>,
    return
  }
  func.func @transform_0(%arg0: i32) -> (i32, i32) {
    %c0_i32 = arith.constant 0 : i32
    %c0_i32_0 = arith.constant 0 : i32
    return %arg0, %c0_i32 : i32, i32
  }
  func.func @transform_1(%arg0: i32) -> (i32, i32) {
    %c0_i32 = arith.constant 0 : i32
    %c0_i32_0 = arith.constant 0 : i32
    return %arg0, %c0_i32 : i32, i32
  }
  func.func @transform_2(%arg0: i32) -> (i32, i32) {
    %c0_i32 = arith.constant 0 : i32
    %c0_i32_0 = arith.constant 0 : i32
    %c0_i32_1 = arith.constant 0 : i32
    return %c0_i32, %c0_i32_0 : i32, i32
  }
  func.func @transform_3(%arg0: i32) -> (i32, i32) {
    %c0_i32 = arith.constant 0 : i32
    %c0_i32_0 = arith.constant 0 : i32
    %c0_i32_1 = arith.constant 0 : i32
    return %c0_i32, %c0_i32_0 : i32, i32
  }
  func.func @transform_4(%arg0: i32) -> (i32, i32) {
    %c0_i32 = arith.constant 0 : i32
    %c0_i32_0 = arith.constant 0 : i32
    %c0_i32_1 = arith.constant 0 : i32
    return %c0_i32, %c0_i32_0 : i32, i32
  }
  func.func @transform_5(%arg0: i32) -> (i32, i32) {
    %c0_i32 = arith.constant 0 : i32
    %c0_i32_0 = arith.constant 0 : i32
    %c0_i32_1 = arith.constant 0 : i32
    return %c0_i32, %c0_i32_0 : i32, i32
  }
  func.func @transform_6(%arg0: i32) -> (i32, i32) {
    %c0_i32 = arith.constant 0 : i32
    %c0_i32_0 = arith.constant 0 : i32
    %c0_i32_1 = arith.constant 0 : i32
    return %c0_i32, %c0_i32_0 : i32, i32
  }
  func.func @transform_7(%arg0: i32) -> (i32, i32) {
    %c0_i32 = arith.constant 0 : i32
    %c0_i32_0 = arith.constant 0 : i32
    %c0_i32_1 = arith.constant 0 : i32
    return %c0_i32, %c0_i32_0 : i32, i32
  }
  func.func @transform_8(%arg0: i32) -> (i32, i32) {
    %c0_i32 = arith.constant 0 : i32
    %c0_i32_0 = arith.constant 0 : i32
    return %arg0, %c0_i32 : i32, i32
  }
}

</mosaic_0001>

<sc_bundles>
// kernel: kernel.12.cloned.1.call-start
scs
__scs_entry_jumppad:
0x0: {  	(pc) =	sbr.rel $0x88, $3  }
0x1: {  	(tag) =	ssettag $0x0;
	lr =	simm.s32 $0x1  }
0x2: {  	[smem:$0x3F99] =	sst lr;
	_ =	strace $0xD0000000  }
0x3: {  	_ = 	snop  }
0x4: {  	_ = 	snop  }
0x5: {  	_ = 	snop  }
0x6: {  	_ = 	snop  }
0x7: {  	_ = 	snop  }
__scs_overlays_trampoline_lowered:
0x8: {  	[smem:$0x3FA8] =	sst s0  }
0x9: {  	[smem:$0x3FA9] =	sst s1  }
0xa: {  	[smem:$0x3FAA] =	sst s2  }
0xb: {  	[smem:$0x3FAB] =	sst s3  }
0xc: {  	[smem:$0x3FAC] =	sst s4  }
0xd: {  	[smem:$0x3FAD] =	sst s5  }
0xe: {  	[smem:$0x3FAE] =	sst s6  }
0xf: {  	[smem:$0x3FAF] =	sst s7  }
0x10: {  	[smem:$0x3FB0] =	sst s8  }
0x11: {  	[smem:$0x3FB1] =	sst s9;
	s0 =	simm.s32 @!p0 $0x0  }
0x12: {  	s1 =	sld [smem:$0x3F97];
	s0 =	simm.s32 @p0 $0x1  }
0x13: {  	[smem:$0x3FB2] =	sst s0;
	s0 =	simm.s32 @!p1 $0x0  }
0x14: {  	s2 =	sld [smem:$0x3F96];
	s0 =	simm.s32 @p1 $0x1  }
0x15: {  	[smem:$0x3FB3] =	sst s0;
	s0 =	simm.s32 @!p2 $0x0  }
0x16: {  	s3 =	sld [smem:$0x3FDB];
	s0 =	simm.s32 @p2 $0x1  }
0x17: {  	s4 =	simm.s32 $0x1BF5;
	[smem:$0x3FB5] =	sst s0  }
0x18: {  	s0 =	sld [smem:$0x3F98];
	_ =	swait.ge [sflag:s4], $0x0  }
0x19: {  	s7 =	sld [smem:$0x3F99]  }
0x1a: {  	s8 =	sadd.s32 $0xFFFFE003, lr  }
0x1b: {  	s9 =	sadd.s32 $0xFFFFFEF7, lr;
	s5 =	simm.s32 $0xFFFFFFFF;
	p2 =	slt.u32 s8, $0xFFFFF086  }
0x1c: {  	p1 =	slt.u32 s9, $0xF7A;
	s5 =	simm.s32 @!p2 $0x0  }
0x1d: {  	s5 =	simm.s32 @p1 $0x1;
	p0 =	seq.s32 s7, s2  }
0x1e: {  	s7 =	smul.u32 @!p0 $0xF7A, s2;
	p2 =	seq.s32 @!p0 s5, $0x0  }
0x1f: {  	s9 =	smul.u32 $0xF7A, s1;
	s8 =	simm.s32 @!p0 $0x1BF5;
	p2 =	por !p2, p0  }
0x20: {  	[sflag:s8] =	ssyncset.s32 @!p0 $0xFFFFF086;
	s6 =	sadd.s32 @!p0 s3, s7;
	s7 =	simm.s32 @!p0 $0x108  }
0x21: {  	s3 =	sadd.s32 s3, s9;
	s6 =	sadd.s32 @!p0 $0x88, s6;
	s7 =	simm.s32 @p2 $0x1082  }
0x22: {  	[simem:s7], [sflag:s8] =	dma.local @!p0 [hbm:s6], $0xF7A  }
0x23: {  	s9 =	sor.u32 $0xD0000000, s2;
	s6 =	simm.s32 $0x108;
	_ =	swait.ge @!p0 [sflag:s8], $0x0  }
0x24: {  	s3 =	sadd.s32 $0x88, s3;
	s6 =	simm.s32 @!p1 $0x1082;
	[sflag:s4] =	ssyncset.s32 $0xFFFFF086  }
0x25: {  	[simem:s6], [sflag:s4] =	dma.local [hbm:s3], $0xF7A  }
0x26: {  	[smem:$0x3F99] =	sst s1;
	(tag) =	ssettag s2;
	_ =	strace s9  }
0x27: {  	s1 =	sld [smem:$0x3FA9]  }
0x28: {  	s2 =	sld [smem:$0x3FAA]  }
0x29: {  	s4 =	sld [smem:$0x3FAC]  }
0x2a: {  	p0 =	seq.s32 s5, $0x0;
	s5 =	sld [smem:$0x3FAD]  }
0x2b: {  	s6 =	sld [smem:$0x3FAE]  }
0x2c: {  	s7 =	sld [smem:$0x3FAF]  }
0x2d: {  	s3 =	simm.s32 $0x108;
	s8 =	sld [smem:$0x3FB0]  }
0x2e: {  	s3 =	simm.s32 @!p0 $0x1082;
	s9 =	sld [smem:$0x3FB1]  }
0x2f: {  	lr =	sadd.s32 s0, s3;
	s0 =	sld [smem:$0x3FA8]  }
0x30: {  	s3 =	sld [smem:$0x3FAB]  }
0x31: {  	[smem:$0x3FB4] =	sst s10  }
0x32: {  	s10 =	sld [smem:$0x3FB2];
	_ =	sdelay $0x3  }
0x33: {  	p0 =	seq.s32 s10, $0x1;
	s10 =	sld [smem:$0x3FB4];
	_ =	sdelay $0x3  }
0x34: {  	[smem:$0x3FB4] =	sst s10  }
0x35: {  	s10 =	sld [smem:$0x3FB3];
	_ =	sdelay $0x3  }
0x36: {  	p1 =	seq.s32 s10, $0x1;
	s10 =	sld [smem:$0x3FB4];
	_ =	sdelay $0x3  }
0x37: {  	[smem:$0x3FB4] =	sst s10  }
0x38: {  	s10 =	sld [smem:$0x3FB5]  }
0x39: {  	_ = 	snop;
	(pc) =	sbr.ind lr, $3  }
0x3a: {  	_ = 	snop  }
0x3b: {  	_ = 	snop  }
0x3c: {  	p2 =	seq.s32 s10, $0x1;
	s10 =	sld [smem:$0x3FB4]  }
0x3d: {  	_ =	shalt  }
0x3e: {  	_ =	shalt  }
0x3f: {  	_ =	shalt  }
0x40: {  	_ =	shalt  }
0x41: {  	_ =	shalt  }
0x42: {  	_ =	shalt  }
0x43: {  	_ =	shalt  }
0x44: {  	_ =	shalt  }
0x45: {  	_ =	shalt  }
0x46: {  	_ =	shalt  }
0x47: {  	_ =	shalt  }
0x48: {  	_ =	shalt  }
0x49: {  	_ =	shalt  }
0x4a: {  	_ =	shalt  }
0x4b: {  	_ =	shalt  }
0x4c: {  	_ =	shalt  }
0x4d: {  	_ =	shalt  }
0x4e: {  	_ =	shalt  }
0x4f: {  	_ =	shalt  }
0x50: {  	_ =	shalt  }
0x51: {  	_ =	shalt  }
0x52: {  	_ =	shalt  }
0x53: {  	_ =	shalt  }
0x54: {  	_ =	shalt  }
0x55: {  	_ =	shalt  }
0x56: {  	_ =	shalt  }
0x57: {  	_ =	shalt  }
0x58: {  	_ =	shalt  }
0x59: {  	_ =	shalt  }
0x5a: {  	_ =	shalt  }
0x5b: {  	_ =	shalt  }
0x5c: {  	_ =	shalt  }
0x5d: {  	_ =	shalt  }
0x5e: {  	_ =	shalt  }
0x5f: {  	_ =	shalt  }
0x60: {  	_ =	shalt  }
0x61: {  	_ =	shalt  }
0x62: {  	_ =	shalt  }
0x63: {  	_ =	shalt  }
0x64: {  	_ =	shalt  }
0x65: {  	_ =	shalt  }
0x66: {  	_ =	shalt  }
0x67: {  	_ =	shalt  }
0x68: {  	_ =	shalt  }
0x69: {  	_ =	shalt  }
0x6a: {  	_ =	shalt  }
0x6b: {  	_ =	shalt  }
0x6c: {  	_ =	shalt  }
0x6d: {  	_ =	shalt  }
0x6e: {  	_ =	shalt  }
0x6f: {  	_ =	shalt  }
0x70: {  	_ =	shalt  }
0x71: {  	_ =	shalt  }
0x72: {  	_ =	shalt  }
0x73: {  	_ =	shalt  }
0x74: {  	_ =	shalt  }
0x75: {  	_ =	shalt  }
0x76: {  	_ =	shalt  }
0x77: {  	_ =	shalt  }
0x78: {  	_ =	shalt  }
0x79: {  	_ =	shalt  }
0x7a: {  	_ =	shalt  }
0x7b: {  	_ =	shalt  }
0x7c: {  	_ =	shalt  }
0x7d: {  	_ =	shalt  }
0x7e: {  	_ =	shalt  }
0x7f: {  	_ =	shalt  }
0x80: {  	_ =	shalt  }
0x81: {  	_ =	shalt  }
0x82: {  	_ =	shalt  }
0x83: {  	_ =	shalt  }
0x84: {  	_ =	shalt  }
0x85: {  	_ =	shalt  }
0x86: {  	_ =	shalt  }
0x87: {  	_ =	shalt  }
.Lfunc_end0:
.L_simem_size_0:
called_computation.1_lowered:
.L_overlay_start_0:
0x88: {  	s2 =	sld [smem:$0x3FD9]  }
0x89: {  	s3 =	sld [smem:$0x3FFE];
	_ =	sdelay $0x1  }
0x8a: {  	s1 =	srdreg.scid  }
0x8b: {  	s0 =	sand.u32 $0x1, s1  }
0x8c: {  	s17 =	sshll.u32 s0, $0xA;
	s2 =	sadd.s32 s3, s2  }
0x8d: {  	s2 =	sadd.s32 s2, s17  }
0x8e: {  	[smem:$0x3FC0] =	sst s2  }
0x8f: {  	_ = 	snop  }
0x90: {  	s2 =	sld [smem:$0x3FD0];
	(tm) =	ssettm $0x1  }
0x91: {  	s18 =	sld [smem:$0x3FFB];
	_ =	sdelay $0x3  }
0x92: {  	_ =	strace s18  }
0x93: {  	s3 =	sld [smem:$0x3FFC];
	_ =	sdelay $0x3  }
0x94: {  	_ =	strace s3  }
0x95: {  	s3 =	sld [smem:$0x3FFD];
	_ =	sdelay $0x3  }
0x96: {  	_ =	strace s3  }
0x97: {  	_ =	strace $0x8FFFFFFF  }
0x98: {  	s19 =	sld [smem:$0x3FDB];
	_ =	sdelay $0x1  }
0x99: {  	s4 =	simm.s32 $_scs_section_size  }
0x9a: {  	s5 =	simm.s32 $_size__tile_overlayer_lowered;
	s6 =	simm.s32 $_tile_overlayer_lowered  }
0x9b: {  	s22 =	simm.s32 $0x1BFF;
	s21 =	sshll.u32 s6, $0x1;
	s3 =	sadd.s32 s4, s19  }
0x9c: {  	s7 =	simm.s32 $0x0;
	s20 =	sshll.u32 s5, $0x1;
	s5 =	sadd.s32 s21, s3  }
0x9d: {  	[timem:s7], [sflag:s22] =	dma.local [hbm:s5], s20  }
0x9e: {  	_ =	swait.ge [sflag:s22], s20  }
0x9f: {  	s4 =	ssub.s32 $0x0, s20;
	[sflag:s22] =	ssyncset.done $0x0  }
0xa0: {  	[sflag:s22] =	ssyncadd.s32 s4;
	_ =	sdelay $0x1  }
0xa1: {  	s23 =	simm.s32 $0x1B8B  }
0xa2: {  	_ =	swait.ge [sflag:s23], $0x1  }
0xa3: {  	[sflag:s23] =	ssyncset.done $0x0  }
0xa4: {  	s25 =	simm.s32 $0x1B8E;
	s24 =	sld [smem:$0x3FFE];
	[sflag:s23] =	ssyncadd.s32 $0xFFFFFFFF  }
0xa5: {  	s26 =	simm.s32 $execute0_lowered;
	[smem:$0x3FD2] =	sst s25  }
0xa6: {  	s5 =	sshll.u32 s26, $0x1;
	_ =	strace $0x80000049;
	[dreg:$0x1] =	wrdreg $0xFFFFFFFF  }
0xa7: {  	s28 =	simm.s32 $_size_execute0_lowered;
	s3 =	sadd.s32 s3, s5;
	[dreg:$0x0] =	wrdreg $0x0  }
0xa8: {  	s5 =	sshll.u32 s28, $0x1;
	[dreg:$0x2] =	wrdreg s3  }
0xa9: {  	[dreg:$0x3] =	wrdreg s5  }
0xaa: {  	[dreg:$0x4] =	wrdreg $0xC0  }
0xab: {  	_ =	task [dreg:s7], $0x5FFFF  }
0xac: {  	[dreg:$0x1] =	wrdreg $0xFFFFFFFF  }
0xad: {  	[dreg:$0x0] =	wrdreg $0x60  }
0xae: {  	[dreg:$0x2] =	wrdreg s2  }
0xaf: {  	[dreg:$0x3] =	wrdreg s24  }
0xb0: {  	[dreg:$0x4] =	wrdreg $0x90000  }
0xb1: {  	[dreg:$0x5] =	wrdreg $0x9  }
0xb2: {  	_ =	task.clear_ibuf [dreg:s7], $0x6FFFF;
	_ =	strace $0x90000049  }
0xb3: {  	s29 =	simm.s32 $0x9;
	_ =	strace $0x8000004B  }
0xb4: {  	_ =	swait.ge [sflag:s29], $0x1  }
0xb5: {  	[sflag:s29] =	ssyncadd.s32 $0xFFFFFFFF  }
0xb6: {  	_ =	strace $0x9000004B  }
0xb7: {  	_ =	sfence  }
0xb8: {  	s30 =	sld [smem:$0x0];
	_ =	sdelay $0x2  }
0xb9: {  	s31 =	sshll.u32 s1, $0xD;
	s1 =	sshrl.u32 s1, $0x2  }
0xba: {  	s3 =	sand.u32 $0x4000, s31;
	s1 =	sadd.s32 s1, s30  }
0xbb: {  	s0 =	sor.u32 s3, s0;
	s1 =	sshll.u32 s1, $0x11  }
0xbc: {  	s0 =	sor.u32 s1, s0  }
0xbd: {  	s0 =	sadd.s32 $0x8F2B, s0  }
0xbe: {  	[sflag:s0] =	ssyncadd.remote.s32 $0x1  }
0xbf: {  	_ =	sfence.sel $0xFFFF  }
0xc0: {  	[dreg:$0x0] =	wrdreg $0xFFFFFFFF;
	(pc) =	sbr.abs _section_cstart, $3  }
0xc1: {  	[dreg:$0x1] =	wrdreg $0xFFFFFFFF  }
0xc2: {  	_ =	task.clear_ibuf [dreg:s7], $0x2FFFF;
	_ =	strace $0x9FFFFFFF  }
0xc3: {  	(tm) =	ssettm $0x7FFFFFFF  }
tec
execute0_lowered:
.L_overlay_start_1:
0x0: {  	(tag) =	ssettag $0x1  }
0x1: {  	s1 =	rddreg [dreg:$0x0]  }
0x2: {  	s0 =	rddreg [dreg:$0x1]  }
0x3: {  	s3 =	rddreg [dreg:$0x2];
	s4 =	simm.s32 $0x0;
	s11 =	stileid.u32  }
0x4: {  	s7 =	srdreg.scid;
	s17 =	simm.s32 $0x3;
	s18 =	simm.s32 $0x800  }
0x5: {  	s19 =	simm.s32 $0x7D;
	s20 =	simm.s32 $0x1000;
	s22 =	simm.s32 $0x5000  }
0x6: {  	s23 =	simm.s32 $0x1;
	s25 =	simm.s32 $0x2;
	s2 =	smul.u32 $0x500, s11  }
0x7: {  	[smem:$0x7FF] =	sst s4;
	s6 =	smul.u32 $0x2700, s11;
	s5 =	sadd.s32 $0xCE00, s0  }
0x8: {  	s7 =	sand.u32 $0x1, s7;
	s8 =	smul.u32 $0x4E000, s11;
	s9 =	sadd.s32 $0x34000, s0  }
0x9: {  	s30 =	sadd.s32 $0x82300, s0;
	_ =	strace $0x8000004A;
	[dreg:$0x4] =	wrdreg s9  }
0xa: {  	p0 =	seq.s32 s11, $0xF;
	s29 =	ssub.s32 $0x2, s7;
	[dreg:$0x6] =	wrdreg s30  }
0xb: {  	p1 =	sne.s32 s7, $0x0;
	s2 =	sadd.s32 s2, s0;
	s6 =	sadd.s32 s6, s0  }
0xc: {  	s10 =	sshrl.u32 s29, $0x1;
	s8 =	sshrl.u32 s8, $0x2;
	s0 =	sadd.s32 $0x5B100, s0  }
0xd: {  	s9 =	ssub.s32 s29, s10;
	s12 =	sadd.s32 $0x5DA00, s6;
	[dreg:$0x8] =	wrdreg s0  }
0xe: {  	s10 =	sadd.s32 $0x124800, s3;
	s6 =	sadd.s32 $0x36800, s6;
	[dreg:$0x5] =	wrdreg s12  }
.Ltmp0:
0xf: {  	[dreg:$0x7] =	wrdreg s6;
	s31 =	smax.u32 s9, $0x1;
	(pc) =	sbr.rel .LBB2_1-.Ltmp0, $4  }
0x10: {  	s0 =	sshll.u32 @!p0 s11, $0x6;
	s11 =	sshrl.u32 @p0 s10, $0x3;
	[dreg:$0x9] =	wrdreg s31  }
0x11: {  	s8 =	sadd.s32 s8, s3;
	s14 =	sor.u32 @!p0 $0x1C03, s0;
	[dreg:$0xa] =	wrdreg s11  }
0x12: {  	s13 =	sadd.s32 $0x7E00, s2;
	s15 =	sshrl.u32 @!p0 s8, $0x3;
	[dreg:$0xb] =	wrdreg s14  }
0x13: {  	s12 =	sadd.s32 $0x2E00, s2;
	s0 =	simm.s32 $0x0;
	[dreg:$0xc] =	wrdreg s15  }
.LBB2_7:
0x14: {  	s6 =	sadd.s32 s10, s13;
	[sflag:s17] =	ssyncadd.s32 $0xFFFFC180  }
0x15: {  	[tilespmem:s4], [sflag:$0x3] =	stream.linear.gather [hbm4b:s6+s4], $0x800, $0x38;
	[tilespmem:$0x1C880] =	vst v63  }
0x16: {  	_ =	swait.ge [sflag:s17], $0x800  }
0x17: {  	[sflag:s17] =	ssyncset.done $0x0  }
0x18: {  	s11 =	sadd.s32 s10, s12;
	[sflag:s17] =	ssyncadd.s32 $0xFFFFF800  }
0x19: {  	[tilespmem:s18], [sflag:$0x3] =	stream.linear.gather [hbm4b:s11+s4], $0x800, $0x38;
	[tilespmem:$0x1C880] =	vst v63  }
0x1a: {  	_ =	swait.ge [sflag:s17], $0x800  }
0x1b: {  	[sflag:s17] =	ssyncset.done $0x0  }
0x1c: {  	[sflag:s17] =	ssyncadd.s32 $0xFFFFF800  }
0x1d: {  	[tilespmem:s20], [sflag:$0x1] =	stream.indirect.gather [hbm4b:s5+s19], $0x80, s4, s19, $0xb8;
	[tilespmem:$0x1C880] =	vst v63  }
0x1e: {  	_ = 	snop  }
0x1f: {  	[tilespmem:s22], [sflag:$0x2] =	stream.indirect.gather [hbm4b:s5+s19], $0x80, s14, s19, $0xb8;
	[tilespmem:$0x1C880] =	vst v63  }
0x20: {  	_ =	swait.ge [sflag:s23], $0x3E80  }
0x21: {  	[sflag:s23] =	ssyncset.done $0x0  }
0x22: {  	[sflag:s23] =	ssyncadd.s32 $0xFFFFC180  }
0x23: {  	[spmem:s3] =	stream.indirect.scatter.add.f32 [tilespmem:s20], [sflag:$0x3], $0x80, s18, s19, $0xb8;
	[tilespmem:$0x1C880] =	vst v63  }
0x24: {  	_ =	swait.ge [sflag:s17], $0x3E80  }
0x25: {  	[sflag:s17] =	ssyncset.done $0x0  }
0x26: {  	[sflag:s17] =	ssyncadd.s32 $0xFFFFC180  }
0x27: {  	[tilespmem:s20], [sflag:$0x1] =	stream.indirect.gather [hbm4b:s5+s19], $0x80, s15, s19, $0xb8;
	[tilespmem:$0x1C880] =	vst v63  }
0x28: {  	_ =	swait.ge [sflag:s25], $0x3E80  }
0x29: {  	[sflag:s25] =	ssyncset.done $0x0  }
0x2a: {  	[sflag:s25] =	ssyncadd.s32 $0xFFFFC180  }
0x2b: {  	[spmem:s3] =	stream.indirect.scatter.add.f32 [tilespmem:s22], [sflag:$0x3], $0x80, s16, s19, $0xb8;
	[tilespmem:$0x1C880] =	vst v63  }
0x2c: {  	_ =	swait.ge [sflag:s17], $0x3E80  }
0x2d: {  	[sflag:s17] =	ssyncset.done $0x0  }
0x2e: {  	[sflag:s17] =	ssyncadd.s32 $0xFFFFC180  }
0x2f: {  	[tilespmem:s22], [sflag:$0x2] =	stream.indirect.gather [hbm4b:s5+s19], $0x80, s21, s19, $0xb8;
	[tilespmem:$0x1C880] =	vst v63  }
0x30: {  	_ =	swait.ge [sflag:s23], $0x3E80  }
0x31: {  	[sflag:s23] =	ssyncset.done $0x0  }
0x32: {  	[sflag:s23] =	ssyncadd.s32 $0xFFFFC180  }
0x33: {  	[spmem:s3] =	stream.indirect.scatter.add.f32 [tilespmem:s20], [sflag:$0x3], $0x80, s24, s19, $0xb8;
	[tilespmem:$0x1C880] =	vst v63  }
0x34: {  	_ =	swait.ge [sflag:s17], $0x3E80  }
0x35: {  	[sflag:s17] =	ssyncset.done $0x0  }
0x36: {  	[sflag:s17] =	ssyncadd.s32 $0xFFFFC180  }
0x37: {  	[tilespmem:s20], [sflag:$0x1] =	stream.indirect.gather [hbm4b:s5+s19], $0x80, s26, s19, $0xb8;
	[tilespmem:$0x1C880] =	vst v63  }
0x38: {  	_ =	swait.ge [sflag:s25], $0x3E80  }
0x39: {  	[sflag:s25] =	ssyncset.done $0x0  }
0x3a: {  	[sflag:s25] =	ssyncadd.s32 $0xFFFFC180  }
0x3b: {  	[spmem:s3] =	stream.indirect.scatter.add.f32 [tilespmem:s22], [sflag:$0x3], $0x80, s28, s19, $0xb8;
	[tilespmem:$0x1C880] =	vst v63  }
0x3c: {  	_ =	swait.ge [sflag:s17], $0x3E80  }
0x3d: {  	[sflag:s17] =	ssyncset.done $0x0  }
0x3e: {  	[sflag:s17] =	ssyncadd.s32 $0xFFFFC180  }
0x3f: {  	[tilespmem:s22], [sflag:$0x2] =	stream.indirect.gather [hbm4b:s5+s19], $0x80, s29, s19, $0xb8;
	[tilespmem:$0x1C880] =	vst v63  }
0x40: {  	_ =	swait.ge [sflag:s23], $0x3E80  }
0x41: {  	[sflag:s23] =	ssyncset.done $0x0  }
0x42: {  	[sflag:s23] =	ssyncadd.s32 $0xFFFFC180  }
0x43: {  	[spmem:s3] =	stream.indirect.scatter.add.f32 [tilespmem:s20], [sflag:$0x3], $0x80, s30, s19, $0xb8;
	[tilespmem:$0x1C880] =	vst v63  }
0x44: {  	_ =	swait.ge [sflag:s17], $0x3E80  }
0x45: {  	[sflag:s17] =	ssyncset.done $0x0  }
0x46: {  	[sflag:s17] =	ssyncadd.s32 $0xFFFFC180  }
0x47: {  	[tilespmem:s20], [sflag:$0x1] =	stream.indirect.gather [hbm4b:s5+s19], $0x80, s31, s19, $0xb8;
	[tilespmem:$0x1C880] =	vst v63  }
0x48: {  	_ =	swait.ge [sflag:s25], $0x3E80  }
0x49: {  	[sflag:s25] =	ssyncset.done $0x0  }
0x4a: {  	[sflag:s25] =	ssyncadd.s32 $0xFFFFC180  }
0x4b: {  	[spmem:s3] =	stream.indirect.scatter.add.f32 [tilespmem:s22], [sflag:$0x3], $0x80, s0, s19, $0xb8;
	[tilespmem:$0x1C880] =	vst v63  }
0x4c: {  	_ =	swait.ge [sflag:s17], $0x3E80  }
0x4d: {  	[sflag:s17] =	ssyncset.done $0x0  }
0x4e: {  	[sflag:s17] =	ssyncadd.s32 $0xFFFFC180  }
0x4f: {  	[tilespmem:s22], [sflag:$0x2] =	stream.indirect.gather [hbm4b:s5+s19], $0x80, s2, s19, $0xb8;
	[tilespmem:$0x1C880] =	vst v63  }
0x50: {  	_ =	swait.ge [sflag:s23], $0x3E80  }
0x51: {  	[sflag:s23] =	ssyncset.done $0x0  }
0x52: {  	[sflag:s23] =	ssyncadd.s32 $0xFFFFC180  }
0x53: {  	[spmem:s3] =	stream.indirect.scatter.add.f32 [tilespmem:s20], [sflag:$0x3], $0x80, s7, s19, $0xb8;
	[tilespmem:$0x1C880] =	vst v63  }
0x54: {  	_ =	swait.ge [sflag:s17], $0x3E80  }
0x55: {  	[sflag:s17] =	ssyncset.done $0x0  }
0x56: {  	[sflag:s17] =	ssyncadd.s32 $0xFFFFC180  }
0x57: {  	[tilespmem:s20], [sflag:$0x1] =	stream.indirect.gather [hbm4b:s5+s19], $0x80, s8, s19, $0xb8;
	[tilespmem:$0x1C880] =	vst v63  }
0x58: {  	_ =	swait.ge [sflag:s25], $0x3E80  }
0x59: {  	[sflag:s25] =	ssyncset.done $0x0  }
0x5a: {  	[sflag:s25] =	ssyncadd.s32 $0xFFFFC180  }
0x5b: {  	[spmem:s3] =	stream.indirect.scatter.add.f32 [tilespmem:s22], [sflag:$0x3], $0x80, s9, s19, $0xb8;
	[tilespmem:$0x1C880] =	vst v63  }
0x5c: {  	_ =	swait.ge [sflag:s17], $0x3E80  }
0x5d: {  	[sflag:s17] =	ssyncset.done $0x0  }
0x5e: {  	s7 =	simm.s32 $0x480;
	[sflag:s17] =	ssyncadd.s32 $0xFFFFC180  }
0x5f: {  	[tilespmem:s22], [sflag:$0x2] =	stream.indirect.gather [hbm4b:s5+s19], $0x80, s7, s19, $0xb8;
	[tilespmem:$0x1C880] =	vst v63  }
0x60: {  	_ =	swait.ge [sflag:s23], $0x3E80  }
0x61: {  	[sflag:s23] =	ssyncset.done $0x0  }
0x62: {  	s8 =	simm.s32 $0xC00;
	[sflag:s23] =	ssyncadd.s32 $0xFFFFC180  }
0x63: {  	[spmem:s3] =	stream.indirect.scatter.add.f32 [tilespmem:s20], [sflag:$0x3], $0x80, s8, s19, $0xb8;
	[tilespmem:$0x1C880] =	vst v63  }
0x64: {  	_ =	swait.ge [sflag:s17], $0x3E80  }
0x65: {  	[sflag:s17] =	ssyncset.done $0x0  }
0x66: {  	s9 =	simm.s32 $0x500;
	[sflag:s17] =	ssyncadd.s32 $0xFFFFC180  }
0x67: {  	[tilespmem:s20], [sflag:$0x1] =	stream.indirect.gather [hbm4b:s5+s19], $0x80, s9, s19, $0xb8;
	[tilespmem:$0x1C880] =	vst v63  }
0x68: {  	_ =	swait.ge [sflag:s25], $0x3E80  }
0x69: {  	[sflag:s25] =	ssyncset.done $0x0  }
0x6a: {  	s10 =	simm.s32 $0xC80;
	[sflag:s25] =	ssyncadd.s32 $0xFFFFC180  }
0x6b: {  	[spmem:s3] =	stream.indirect.scatter.add.f32 [tilespmem:s22], [sflag:$0x3], $0x80, s10, s19, $0xb8;
	[tilespmem:$0x1C880] =	vst v63  }
0x6c: {  	_ =	swait.ge [sflag:s17], $0x3E80  }
0x6d: {  	[sflag:s17] =	ssyncset.done $0x0  }
0x6e: {  	s11 =	simm.s32 $0x580;
	[sflag:s17] =	ssyncadd.s32 $0xFFFFC180  }
0x6f: {  	[tilespmem:s22], [sflag:$0x2] =	stream.indirect.gather [hbm4b:s5+s19], $0x80, s11, s19, $0xb8;
	[tilespmem:$0x1C880] =	vst v63  }
0x70: {  	_ =	swait.ge [sflag:s23], $0x3E80  }
0x71: {  	[sflag:s23] =	ssyncset.done $0x0  }
0x72: {  	s14 =	simm.s32 $0xD00;
	[sflag:s23] =	ssyncadd.s32 $0xFFFFC180  }
0x73: {  	[spmem:s3] =	stream.indirect.scatter.add.f32 [tilespmem:s20], [sflag:$0x3], $0x80, s14, s19, $0xb8;
	[tilespmem:$0x1C880] =	vst v63  }
0x74: {  	_ =	swait.ge [sflag:s17], $0x3E80  }
0x75: {  	[sflag:s17] =	ssyncset.done $0x0  }
0x76: {  	s15 =	simm.s32 $0x600;
	[sflag:s17] =	ssyncadd.s32 $0xFFFFC180  }
0x77: {  	[tilespmem:s20], [sflag:$0x1] =	stream.indirect.gather [hbm4b:s5+s19], $0x80, s15, s19, $0xb8;
	[tilespmem:$0x1C880] =	vst v63  }
0x78: {  	_ =	swait.ge [sflag:s25], $0x3E80  }
0x79: {  	[sflag:s25] =	ssyncset.done $0x0  }
0x7a: {  	s16 =	simm.s32 $0xD80;
	[sflag:s25] =	ssyncadd.s32 $0xFFFFC180  }
0x7b: {  	[spmem:s3] =	stream.indirect.scatter.add.f32 [tilespmem:s22], [sflag:$0x3], $0x80, s16, s19, $0xb8;
	[tilespmem:$0x1C880] =	vst v63  }
0x7c: {  	_ =	swait.ge [sflag:s17], $0x3E80  }
0x7d: {  	[sflag:s17] =	ssyncset.done $0x0  }
0x7e: {  	s21 =	simm.s32 $0x680;
	[sflag:s17] =	ssyncadd.s32 $0xFFFFC180  }
0x7f: {  	[tilespmem:s22], [sflag:$0x2] =	stream.indirect.gather [hbm4b:s5+s19], $0x80, s21, s19, $0xb8;
	[tilespmem:$0x1C880] =	vst v63  }
0x80: {  	_ =	swait.ge [sflag:s23], $0x3E80  }
0x81: {  	[sflag:s23] =	ssyncset.done $0x0  }
0x82: {  	s24 =	simm.s32 $0xE00;
	[sflag:s23] =	ssyncadd.s32 $0xFFFFC180  }
0x83: {  	[spmem:s3] =	stream.indirect.scatter.add.f32 [tilespmem:s20], [sflag:$0x3], $0x80, s24, s19, $0xb8;
	[tilespmem:$0x1C880] =	vst v63  }
0x84: {  	_ =	swait.ge [sflag:s17], $0x3E80  }
0x85: {  	[sflag:s17] =	ssyncset.done $0x0  }
0x86: {  	s26 =	simm.s32 $0x700;
	[sflag:s17] =	ssyncadd.s32 $0xFFFFC180  }
0x87: {  	[tilespmem:s20], [sflag:$0x1] =	stream.indirect.gather [hbm4b:s5+s19], $0x80, s26, s19, $0xb8;
	[tilespmem:$0x1C880] =	vst v63  }
0x88: {  	_ =	swait.ge [sflag:s25], $0x3E80  }
0x89: {  	[sflag:s25] =	ssyncset.done $0x0  }
0x8a: {  	s28 =	simm.s32 $0xE80;
	[sflag:s25] =	ssyncadd.s32 $0xFFFFC180  }
0x8b: {  	[spmem:s3] =	stream.indirect.scatter.add.f32 [tilespmem:s22], [sflag:$0x3], $0x80, s28, s19, $0xb8;
	[tilespmem:$0x1C880] =	vst v63  }
0x8c: {  	_ =	swait.ge [sflag:s17], $0x3E80  }
0x8d: {  	[sflag:s17] =	ssyncset.done $0x0  }
0x8e: {  	s29 =	simm.s32 $0x780;
	[sflag:s17] =	ssyncadd.s32 $0xFFFFC180  }
0x8f: {  	[tilespmem:s22], [sflag:$0x2] =	stream.indirect.gather [hbm4b:s5+s19], $0x80, s29, s19, $0xb8;
	[tilespmem:$0x1C880] =	vst v63  }
0x90: {  	_ =	swait.ge [sflag:s23], $0x3E80  }
0x91: {  	[sflag:s23] =	ssyncset.done $0x0  }
0x92: {  	s30 =	simm.s32 $0xF00;
	[sflag:s23] =	ssyncadd.s32 $0xFFFFC180  }
0x93: {  	[spmem:s3] =	stream.indirect.scatter.add.f32 [tilespmem:s20], [sflag:$0x3], $0x80, s30, s19, $0xb8;
	[tilespmem:$0x1C880] =	vst v63  }
0x94: {  	_ =	swait.ge [sflag:s17], $0x3E80  }
0x95: {  	[sflag:s17] =	ssyncset.done $0x0  }
0x96: {  	[sflag:s17] =	ssyncadd.s32 $0xFFFFC180  }
0x97: {  	_ =	swait.ge [sflag:s25], $0x3E80  }
0x98: {  	[sflag:s25] =	ssyncset.done $0x0  }
0x99: {  	s31 =	simm.s32 $0xF80;
	[sflag:s25] =	ssyncadd.s32 $0xFFFFC180  }
0x9a: {  	[spmem:s3] =	stream.indirect.scatter.add.f32 [tilespmem:s22], [sflag:$0x3], $0x80, s31, s19, $0xb8;
	[tilespmem:$0x1C880] =	vst v63  }
0x9b: {  	_ =	swait.ge [sflag:s17], $0x3E80  }
0x9c: {  	[sflag:s17] =	ssyncset.done $0x0  }
0x9d: {  	[sflag:s17] =	ssyncadd.s32 $0xFFFFC180  }
0x9e: {  	[bflag:$0x0] =	sbarrier.arrive $0xFFFF  }
0x9f: {  	s10 =	rddreg [dreg:$0x6]  }
0xa0: {  	s6 =	simm.s32 @p0 $0x1FC3;
	s11 =	rddreg [dreg:$0xa]  }
0xa1: {  	[hbm:s10], [sflag:s6] =	dma.local @p0 [spmem:s11], $0x2800  }
0xa2: {  	s6 =	simm.s32 @p0 $0x3  }
0xa3: {  	_ =	swait.ge @p0 [sflag:s6], $0x2800  }
0xa4: {  	s14 =	rddreg [dreg:$0xb]  }
0xa5: {  	[sflag:s6] =	ssyncset.done @p0 $0x0;
	s15 =	rddreg [dreg:$0xc]  }
0xa6: {  	[sflag:s6] =	ssyncadd.s32 @p0 $0xFFFFD800;
	s6 =	rddreg [dreg:$0x5]  }
0xa7: {  	[hbm:s6], [sflag:s14] =	dma.local @!p0 [spmem:s15], $0x2700  }
0xa8: {  	s6 =	simm.s32 @!p0 $0x3  }
0xa9: {  	_ =	swait.ge @!p0 [sflag:s6], $0x2700  }
0xaa: {  	[sflag:s6] =	ssyncset.done @!p0 $0x0  }
0xab: {  	s0 =	rddreg [dreg:$0xd];
	[sflag:s6] =	ssyncadd.s32 @!p0 $0xFFFFD900  }
.LBB2_8:
0xac: {  	s0 =	sadd.s32 $0x1, s0;
	s6 =	rddreg [dreg:$0x9]  }
0xad: {  	p2 =	sne.s32 s0, s6  }
.Ltmp1:
0xae: {  	_ = 	snop;
	(pc) =	sbr.rel @!p2 .LBB2_9-.Ltmp1, $1  }
0xaf: {  	_ =	sdelay $0x3  }
.LBB2_1:
0xb0: {  	[dreg:$0xd] =	wrdreg s0  }
0xb1: {  	s6 =	simm.s32 @p0 $0x1FC3;
	s10 =	rddreg [dreg:$0x4]  }
0xb2: {  	[spmem:s11], [sflag:s6] =	dma.local @p0 [hbm:s10], $0x2800  }
0xb3: {  	s6 =	simm.s32 @p0 $0x3  }
0xb4: {  	_ =	swait.ge @p0 [sflag:s6], $0x2800  }
0xb5: {  	[sflag:s6] =	ssyncset.done @p0 $0x0  }
0xb6: {  	[sflag:s6] =	ssyncadd.s32 @p0 $0xFFFFD800;
	s6 =	simm.s32 @!p0 $0x3  }
0xb7: {  	[spmem:s15], [sflag:s14] =	dma.local @!p0 [hbm:s10], $0x2700  }
.Ltmp2:
0xb8: {  	_ =	swait.ge @!p0 [sflag:s6], $0x2700;
	(pc) =	sbr.rel @p1 .LBB2_5-.Ltmp2, $4  }
0xb9: {  	[sflag:s6] =	ssyncset.done @!p0 $0x0  }
0xba: {  	[sflag:s6] =	ssyncadd.s32 @!p0 $0xFFFFD900  }
0xbb: {  	[bflag:$0x0] =	sbarrier.arrive $0xFFFF  }
0xbc: {  	s6 =	sadd.s32 $0x0, s13  }
0xbd: {  	[tilespmem:s4], [sflag:$0x3] =	stream.linear.gather [hbm4b:s6+s4], $0x800, $0x38;
	[tilespmem:$0x1C880] =	vst v63  }
0xbe: {  	_ =	swait.ge [sflag:s17], $0x800  }
0xbf: {  	[sflag:s17] =	ssyncset.done $0x0  }
0xc0: {  	s8 =	sadd.s32 $0x0, s12;
	[sflag:s17] =	ssyncadd.s32 $0xFFFFF800  }
0xc1: {  	[tilespmem:s18], [sflag:$0x3] =	stream.linear.gather [hbm4b:s8+s4], $0x800, $0x38;
	[tilespmem:$0x1C880] =	vst v63  }
0xc2: {  	_ =	swait.ge [sflag:s17], $0x800  }
0xc3: {  	[sflag:s17] =	ssyncset.done $0x0  }
0xc4: {  	[sflag:s17] =	ssyncadd.s32 $0xFFFFF800  }
0xc5: {  	[tilespmem:s20], [sflag:$0x1] =	stream.indirect.gather [hbm4b:s1+s19], $0x80, s4, s19, $0xb8;
	[tilespmem:$0x1C880] =	vst v63  }
0xc6: {  	s9 =	simm.s32 $0x80  }
0xc7: {  	[tilespmem:s22], [sflag:$0x2] =	stream.indirect.gather [hbm4b:s1+s19], $0x80, s9, s19, $0xb8;
	[tilespmem:$0x1C880] =	vst v63  }
0xc8: {  	_ =	swait.ge [sflag:s23], $0x3E80  }
0xc9: {  	[sflag:s23] =	ssyncset.done $0x0  }
0xca: {  	[sflag:s23] =	ssyncadd.s32 $0xFFFFC180  }
0xcb: {  	[spmem:s3] =	stream.indirect.scatter.add.f32 [tilespmem:s20], [sflag:$0x3], $0x80, s18, s19, $0xb8;
	[tilespmem:$0x1C880] =	vst v63  }
0xcc: {  	_ =	swait.ge [sflag:s17], $0x3E80  }
0xcd: {  	[sflag:s17] =	ssyncset.done $0x0  }
0xce: {  	s10 =	simm.s32 $0x100;
	[sflag:s17] =	ssyncadd.s32 $0xFFFFC180  }
0xcf: {  	[tilespmem:s20], [sflag:$0x1] =	stream.indirect.gather [hbm4b:s1+s19], $0x80, s10, s19, $0xb8;
	[tilespmem:$0x1C880] =	vst v63  }
0xd0: {  	_ =	swait.ge [sflag:s25], $0x3E80  }
0xd1: {  	[sflag:s25] =	ssyncset.done $0x0  }
0xd2: {  	s16 =	simm.s32 $0x880;
	[sflag:s25] =	ssyncadd.s32 $0xFFFFC180  }
0xd3: {  	[spmem:s3] =	stream.indirect.scatter.add.f32 [tilespmem:s22], [sflag:$0x3], $0x80, s16, s19, $0xb8;
	[tilespmem:$0x1C880] =	vst v63  }
0xd4: {  	_ =	swait.ge [sflag:s17], $0x3E80  }
0xd5: {  	[sflag:s17] =	ssyncset.done $0x0  }
0xd6: {  	s21 =	simm.s32 $0x180;
	[sflag:s17] =	ssyncadd.s32 $0xFFFFC180  }
0xd7: {  	[tilespmem:s22], [sflag:$0x2] =	stream.indirect.gather [hbm4b:s1+s19], $0x80, s21, s19, $0xb8;
	[tilespmem:$0x1C880] =	vst v63  }
0xd8: {  	_ =	swait.ge [sflag:s23], $0x3E80  }
0xd9: {  	[sflag:s23] =	ssyncset.done $0x0  }
0xda: {  	s24 =	simm.s32 $0x900;
	[sflag:s23] =	ssyncadd.s32 $0xFFFFC180  }
0xdb: {  	[spmem:s3] =	stream.indirect.scatter.add.f32 [tilespmem:s20], [sflag:$0x3], $0x80, s24, s19, $0xb8;
	[tilespmem:$0x1C880] =	vst v63  }
0xdc: {  	_ =	swait.ge [sflag:s17], $0x3E80  }
0xdd: {  	[sflag:s17] =	ssyncset.done $0x0  }
0xde: {  	s26 =	simm.s32 $0x200;
	[sflag:s17] =	ssyncadd.s32 $0xFFFFC180  }
0xdf: {  	[tilespmem:s20], [sflag:$0x1] =	stream.indirect.gather [hbm4b:s1+s19], $0x80, s26, s19, $0xb8;
	[tilespmem:$0x1C880] =	vst v63  }
0xe0: {  	_ =	swait.ge [sflag:s25], $0x3E80  }
0xe1: {  	[sflag:s25] =	ssyncset.done $0x0  }
0xe2: {  	s28 =	simm.s32 $0x980;
	[sflag:s25] =	ssyncadd.s32 $0xFFFFC180  }
0xe3: {  	[spmem:s3] =	stream.indirect.scatter.add.f32 [tilespmem:s22], [sflag:$0x3], $0x80, s28, s19, $0xb8;
	[tilespmem:$0x1C880] =	vst v63  }
0xe4: {  	_ =	swait.ge [sflag:s17], $0x3E80  }
0xe5: {  	[sflag:s17] =	ssyncset.done $0x0  }
0xe6: {  	s29 =	simm.s32 $0x280;
	[sflag:s17] =	ssyncadd.s32 $0xFFFFC180  }
0xe7: {  	[tilespmem:s22], [sflag:$0x2] =	stream.indirect.gather [hbm4b:s1+s19], $0x80, s29, s19, $0xb8;
	[tilespmem:$0x1C880] =	vst v63  }
0xe8: {  	_ =	swait.ge [sflag:s23], $0x3E80  }
0xe9: {  	[sflag:s23] =	ssyncset.done $0x0  }
0xea: {  	s30 =	simm.s32 $0xA00;
	[sflag:s23] =	ssyncadd.s32 $0xFFFFC180  }
0xeb: {  	[spmem:s3] =	stream.indirect.scatter.add.f32 [tilespmem:s20], [sflag:$0x3], $0x80, s30, s19, $0xb8;
	[tilespmem:$0x1C880] =	vst v63  }
0xec: {  	_ =	swait.ge [sflag:s17], $0x3E80  }
0xed: {  	[sflag:s17] =	ssyncset.done $0x0  }
0xee: {  	s31 =	simm.s32 $0x300;
	[sflag:s17] =	ssyncadd.s32 $0xFFFFC180  }
0xef: {  	[tilespmem:s20], [sflag:$0x1] =	stream.indirect.gather [hbm4b:s1+s19], $0x80, s31, s19, $0xb8;
	[tilespmem:$0x1C880] =	vst v63  }
0xf0: {  	_ =	swait.ge [sflag:s25], $0x3E80  }
0xf1: {  	[sflag:s25] =	ssyncset.done $0x0  }
0xf2: {  	s0 =	simm.s32 $0xA80;
	[sflag:s25] =	ssyncadd.s32 $0xFFFFC180  }
0xf3: {  	[spmem:s3] =	stream.indirect.scatter.add.f32 [tilespmem:s22], [sflag:$0x3], $0x80, s0, s19, $0xb8;
	[tilespmem:$0x1C880] =	vst v63  }
0xf4: {  	_ =	swait.ge [sflag:s17], $0x3E80  }
0xf5: {  	[sflag:s17] =	ssyncset.done $0x0  }
0xf6: {  	s2 =	simm.s32 $0x380;
	[sflag:s17] =	ssyncadd.s32 $0xFFFFC180  }
0xf7: {  	[tilespmem:s22], [sflag:$0x2] =	stream.indirect.gather [hbm4b:s1+s19], $0x80, s2, s19, $0xb8;
	[tilespmem:$0x1C880] =	vst v63  }
0xf8: {  	_ =	swait.ge [sflag:s23], $0x3E80  }
0xf9: {  	[sflag:s23] =	ssyncset.done $0x0  }
0xfa: {  	s7 =	simm.s32 $0xB00;
	[sflag:s23] =	ssyncadd.s32 $0xFFFFC180  }
0xfb: {  	[spmem:s3] =	stream.indirect.scatter.add.f32 [tilespmem:s20], [sflag:$0x3], $0x80, s7, s19, $0xb8;
	[tilespmem:$0x1C880] =	vst v63  }
0xfc: {  	_ =	swait.ge [sflag:s17], $0x3E80  }
0xfd: {  	[sflag:s17] =	ssyncset.done $0x0  }
0xfe: {  	s8 =	simm.s32 $0x400;
	[sflag:s17] =	ssyncadd.s32 $0xFFFFC180  }
0xff: {  	[tilespmem:s20], [sflag:$0x1] =	stream.indirect.gather [hbm4b:s1+s19], $0x80, s8, s19, $0xb8;
	[tilespmem:$0x1C880] =	vst v63  }
0x100: {  	_ =	swait.ge [sflag:s25], $0x3E80  }
0x101: {  	[sflag:s25] =	ssyncset.done $0x0  }
0x102: {  	s9 =	simm.s32 $0xB80;
	[sflag:s25] =	ssyncadd.s32 $0xFFFFC180  }
0x103: {  	[spmem:s3] =	stream.indirect.scatter.add.f32 [tilespmem:s22], [sflag:$0x3], $0x80, s9, s19, $0xb8;
	[tilespmem:$0x1C880] =	vst v63  }
0x104: {  	_ =	swait.ge [sflag:s17], $0x3E80  }
0x105: {  	[sflag:s17] =	ssyncset.done $0x0  }
0x106: {  	s11 =	simm.s32 $0x480;
	[sflag:s17] =	ssyncadd.s32 $0xFFFFC180  }
0x107: {  	[tilespmem:s22], [sflag:$0x2] =	stream.indirect.gather [hbm4b:s1+s19], $0x80, s11, s19, $0xb8;
	[tilespmem:$0x1C880] =	vst v63  }
0x108: {  	_ =	swait.ge [sflag:s23], $0x3E80  }
0x109: {  	[sflag:s23] =	ssyncset.done $0x0  }
0x10a: {  	s14 =	simm.s32 $0xC00;
	[sflag:s23] =	ssyncadd.s32 $0xFFFFC180  }
0x10b: {  	[spmem:s3] =	stream.indirect.scatter.add.f32 [tilespmem:s20], [sflag:$0x3], $0x80, s14, s19, $0xb8;
	[tilespmem:$0x1C880] =	vst v63  }
0x10c: {  	_ =	swait.ge [sflag:s17], $0x3E80  }
0x10d: {  	[sflag:s17] =	ssyncset.done $0x0  }
0x10e: {  	s15 =	simm.s32 $0x500;
	[sflag:s17] =	ssyncadd.s32 $0xFFFFC180  }
0x10f: {  	[tilespmem:s20], [sflag:$0x1] =	stream.indirect.gather [hbm4b:s1+s19], $0x80, s15, s19, $0xb8;
	[tilespmem:$0x1C880] =	vst v63  }
0x110: {  	_ =	swait.ge [sflag:s25], $0x3E80  }
0x111: {  	[sflag:s25] =	ssyncset.done $0x0  }
0x112: {  	s10 =	simm.s32 $0xC80;
	[sflag:s25] =	ssyncadd.s32 $0xFFFFC180  }
0x113: {  	[spmem:s3] =	stream.indirect.scatter.add.f32 [tilespmem:s22], [sflag:$0x3], $0x80, s10, s19, $0xb8;
	[tilespmem:$0x1C880] =	vst v63  }
0x114: {  	_ =	swait.ge [sflag:s17], $0x3E80  }
0x115: {  	[sflag:s17] =	ssyncset.done $0x0  }
0x116: {  	s11 =	simm.s32 $0x580;
	[sflag:s17] =	ssyncadd.s32 $0xFFFFC180  }
0x117: {  	[tilespmem:s22], [sflag:$0x2] =	stream.indirect.gather [hbm4b:s1+s19], $0x80, s11, s19, $0xb8;
	[tilespmem:$0x1C880] =	vst v63  }
0x118: {  	_ =	swait.ge [sflag:s23], $0x3E80  }
0x119: {  	[sflag:s23] =	ssyncset.done $0x0  }
0x11a: {  	s14 =	simm.s32 $0xD00;
	[sflag:s23] =	ssyncadd.s32 $0xFFFFC180  }
0x11b: {  	[spmem:s3] =	stream.indirect.scatter.add.f32 [tilespmem:s20], [sflag:$0x3], $0x80, s14, s19, $0xb8;
	[tilespmem:$0x1C880] =	vst v63  }
0x11c: {  	_ =	swait.ge [sflag:s17], $0x3E80  }
0x11d: {  	[sflag:s17] =	ssyncset.done $0x0  }
0x11e: {  	s15 =	simm.s32 $0x600;
	[sflag:s17] =	ssyncadd.s32 $0xFFFFC180  }
0x11f: {  	[tilespmem:s20], [sflag:$0x1] =	stream.indirect.gather [hbm4b:s1+s19], $0x80, s15, s19, $0xb8;
	[tilespmem:$0x1C880] =	vst v63  }
0x120: {  	_ =	swait.ge [sflag:s25], $0x3E80  }
0x121: {  	[sflag:s25] =	ssyncset.done $0x0  }
0x122: {  	s10 =	simm.s32 $0xD80;
	[sflag:s25] =	ssyncadd.s32 $0xFFFFC180  }
0x123: {  	[spmem:s3] =	stream.indirect.scatter.add.f32 [tilespmem:s22], [sflag:$0x3], $0x80, s10, s19, $0xb8;
	[tilespmem:$0x1C880] =	vst v63  }
0x124: {  	_ =	swait.ge [sflag:s17], $0x3E80  }
0x125: {  	[sflag:s17] =	ssyncset.done $0x0  }
0x126: {  	s11 =	simm.s32 $0x680;
	[sflag:s17] =	ssyncadd.s32 $0xFFFFC180  }
0x127: {  	[tilespmem:s22], [sflag:$0x2] =	stream.indirect.gather [hbm4b:s1+s19], $0x80, s11, s19, $0xb8;
	[tilespmem:$0x1C880] =	vst v63  }
0x128: {  	_ =	swait.ge [sflag:s23], $0x3E80  }
0x129: {  	[sflag:s23] =	ssyncset.done $0x0  }
0x12a: {  	s14 =	simm.s32 $0xE00;
	[sflag:s23] =	ssyncadd.s32 $0xFFFFC180  }
0x12b: {  	[spmem:s3] =	stream.indirect.scatter.add.f32 [tilespmem:s20], [sflag:$0x3], $0x80, s14, s19, $0xb8;
	[tilespmem:$0x1C880] =	vst v63  }
0x12c: {  	_ =	swait.ge [sflag:s17], $0x3E80  }
0x12d: {  	[sflag:s17] =	ssyncset.done $0x0  }
0x12e: {  	s15 =	simm.s32 $0x700;
	[sflag:s17] =	ssyncadd.s32 $0xFFFFC180  }
0x12f: {  	[tilespmem:s20], [sflag:$0x1] =	stream.indirect.gather [hbm4b:s1+s19], $0x80, s15, s19, $0xb8;
	[tilespmem:$0x1C880] =	vst v63  }
0x130: {  	_ =	swait.ge [sflag:s25], $0x3E80  }
0x131: {  	[sflag:s25] =	ssyncset.done $0x0  }
0x132: {  	s10 =	simm.s32 $0xE80;
	[sflag:s25] =	ssyncadd.s32 $0xFFFFC180  }
0x133: {  	[spmem:s3] =	stream.indirect.scatter.add.f32 [tilespmem:s22], [sflag:$0x3], $0x80, s10, s19, $0xb8;
	[tilespmem:$0x1C880] =	vst v63  }
0x134: {  	_ =	swait.ge [sflag:s17], $0x3E80  }
0x135: {  	[sflag:s17] =	ssyncset.done $0x0  }
0x136: {  	s11 =	simm.s32 $0x780;
	[sflag:s17] =	ssyncadd.s32 $0xFFFFC180  }
0x137: {  	[tilespmem:s22], [sflag:$0x2] =	stream.indirect.gather [hbm4b:s1+s19], $0x80, s11, s19, $0xb8;
	[tilespmem:$0x1C880] =	vst v63  }
0x138: {  	_ =	swait.ge [sflag:s23], $0x3E80  }
0x139: {  	[sflag:s23] =	ssyncset.done $0x0  }
0x13a: {  	s14 =	simm.s32 $0xF00;
	[sflag:s23] =	ssyncadd.s32 $0xFFFFC180  }
0x13b: {  	[spmem:s3] =	stream.indirect.scatter.add.f32 [tilespmem:s20], [sflag:$0x3], $0x80, s14, s19, $0xb8;
	[tilespmem:$0x1C880] =	vst v63  }
0x13c: {  	_ =	swait.ge [sflag:s17], $0x3E80  }
0x13d: {  	[sflag:s17] =	ssyncset.done $0x0  }
0x13e: {  	[sflag:s17] =	ssyncadd.s32 $0xFFFFC180  }
0x13f: {  	_ =	swait.ge [sflag:s25], $0x3E80  }
0x140: {  	[sflag:s25] =	ssyncset.done $0x0  }
0x141: {  	s15 =	simm.s32 $0xF80;
	[sflag:s25] =	ssyncadd.s32 $0xFFFFC180  }
0x142: {  	[spmem:s3] =	stream.indirect.scatter.add.f32 [tilespmem:s22], [sflag:$0x3], $0x80, s15, s19, $0xb8;
	[tilespmem:$0x1C880] =	vst v63  }
0x143: {  	_ =	swait.ge [sflag:s17], $0x3E80  }
0x144: {  	s10 =	simm.s32 $0x100;
	s11 =	simm.s32 $0x200;
	[sflag:s17] =	ssyncset.done $0x0  }
.LBB2_3:
0x145: {  	s14 =	sadd.s32 s10, s13  }
0x146: {  	[sflag:s17] =	ssyncadd.s32 $0xFFFFC180;
	s15 =	smov.u32 s11;
	s6 =	sadd.s32 $0x100, s11  }
0x147: {  	[tilespmem:s4], [sflag:$0x3] =	stream.linear.gather [hbm4b:s14+s4], $0x800, $0x38;
	[tilespmem:$0x1C880] =	vst v63  }
0x148: {  	s14 =	simm.s32 $0x80  }
0x149: {  	p2 =	sne.s32 s11, $0x400;
	_ =	swait.ge [sflag:s17], $0x800  }
0x14a: {  	s11 =	sadd.s32 s10, s12;
	[sflag:s17] =	ssyncset.done $0x0  }
0x14b: {  	s10 =	smov.u32 s15;
	s15 =	simm.s32 $0x100;
	[sflag:s17] =	ssyncadd.s32 $0xFFFFF800  }
0x14c: {  	[tilespmem:s18], [sflag:$0x3] =	stream.linear.gather [hbm4b:s11+s4], $0x800, $0x38;
	[tilespmem:$0x1C880] =	vst v63  }
0x14d: {  	_ =	swait.ge [sflag:s17], $0x800  }
0x14e: {  	[sflag:s17] =	ssyncset.done $0x0  }
0x14f: {  	[sflag:s17] =	ssyncadd.s32 $0xFFFFF800  }
0x150: {  	[tilespmem:s20], [sflag:$0x1] =	stream.indirect.gather [hbm4b:s1+s19], $0x80, s4, s19, $0xb8;
	[tilespmem:$0x1C880] =	vst v63  }
0x151: {  	_ = 	snop  }
0x152: {  	[tilespmem:s22], [sflag:$0x2] =	stream.indirect.gather [hbm4b:s1+s19], $0x80, s14, s19, $0xb8;
	[tilespmem:$0x1C880] =	vst v63  }
0x153: {  	_ =	swait.ge [sflag:s23], $0x3E80  }
0x154: {  	[sflag:s23] =	ssyncset.done $0x0  }
0x155: {  	[sflag:s23] =	ssyncadd.s32 $0xFFFFC180  }
0x156: {  	[spmem:s3] =	stream.indirect.scatter.add.f32 [tilespmem:s20], [sflag:$0x3], $0x80, s18, s19, $0xb8;
	[tilespmem:$0x1C880] =	vst v63  }
0x157: {  	_ =	swait.ge [sflag:s17], $0x3E80  }
0x158: {  	[sflag:s17] =	ssyncset.done $0x0  }
0x159: {  	[sflag:s17] =	ssyncadd.s32 $0xFFFFC180  }
0x15a: {  	[tilespmem:s20], [sflag:$0x1] =	stream.indirect.gather [hbm4b:s1+s19], $0x80, s15, s19, $0xb8;
	[tilespmem:$0x1C880] =	vst v63  }
0x15b: {  	_ =	swait.ge [sflag:s25], $0x3E80  }
0x15c: {  	[sflag:s25] =	ssyncset.done $0x0  }
0x15d: {  	[sflag:s25] =	ssyncadd.s32 $0xFFFFC180  }
0x15e: {  	[spmem:s3] =	stream.indirect.scatter.add.f32 [tilespmem:s22], [sflag:$0x3], $0x80, s16, s19, $0xb8;
	[tilespmem:$0x1C880] =	vst v63  }
0x15f: {  	_ =	swait.ge [sflag:s17], $0x3E80  }
0x160: {  	[sflag:s17] =	ssyncset.done $0x0  }
0x161: {  	[sflag:s17] =	ssyncadd.s32 $0xFFFFC180  }
0x162: {  	[tilespmem:s22], [sflag:$0x2] =	stream.indirect.gather [hbm4b:s1+s19], $0x80, s21, s19, $0xb8;
	[tilespmem:$0x1C880] =	vst v63  }
0x163: {  	_ =	swait.ge [sflag:s23], $0x3E80  }
0x164: {  	[sflag:s23] =	ssyncset.done $0x0  }
0x165: {  	[sflag:s23] =	ssyncadd.s32 $0xFFFFC180  }
0x166: {  	[spmem:s3] =	stream.indirect.scatter.add.f32 [tilespmem:s20], [sflag:$0x3], $0x80, s24, s19, $0xb8;
	[tilespmem:$0x1C880] =	vst v63  }
0x167: {  	_ =	swait.ge [sflag:s17], $0x3E80  }
0x168: {  	[sflag:s17] =	ssyncset.done $0x0  }
0x169: {  	[sflag:s17] =	ssyncadd.s32 $0xFFFFC180  }
0x16a: {  	[tilespmem:s20], [sflag:$0x1] =	stream.indirect.gather [hbm4b:s1+s19], $0x80, s26, s19, $0xb8;
	[tilespmem:$0x1C880] =	vst v63  }
0x16b: {  	_ =	swait.ge [sflag:s25], $0x3E80  }
0x16c: {  	[sflag:s25] =	ssyncset.done $0x0  }
0x16d: {  	[sflag:s25] =	ssyncadd.s32 $0xFFFFC180  }
0x16e: {  	[spmem:s3] =	stream.indirect.scatter.add.f32 [tilespmem:s22], [sflag:$0x3], $0x80, s28, s19, $0xb8;
	[tilespmem:$0x1C880] =	vst v63  }
0x16f: {  	_ =	swait.ge [sflag:s17], $0x3E80  }
0x170: {  	[sflag:s17] =	ssyncset.done $0x0  }
0x171: {  	[sflag:s17] =	ssyncadd.s32 $0xFFFFC180  }
0x172: {  	[tilespmem:s22], [sflag:$0x2] =	stream.indirect.gather [hbm4b:s1+s19], $0x80, s29, s19, $0xb8;
	[tilespmem:$0x1C880] =	vst v63  }
0x173: {  	_ =	swait.ge [sflag:s23], $0x3E80  }
0x174: {  	[sflag:s23] =	ssyncset.done $0x0  }
0x175: {  	[sflag:s23] =	ssyncadd.s32 $0xFFFFC180  }
0x176: {  	[spmem:s3] =	stream.indirect.scatter.add.f32 [tilespmem:s20], [sflag:$0x3], $0x80, s30, s19, $0xb8;
	[tilespmem:$0x1C880] =	vst v63  }
0x177: {  	_ =	swait.ge [sflag:s17], $0x3E80  }
0x178: {  	[sflag:s17] =	ssyncset.done $0x0  }
0x179: {  	[sflag:s17] =	ssyncadd.s32 $0xFFFFC180  }
0x17a: {  	[tilespmem:s20], [sflag:$0x1] =	stream.indirect.gather [hbm4b:s1+s19], $0x80, s31, s19, $0xb8;
	[tilespmem:$0x1C880] =	vst v63  }
0x17b: {  	_ =	swait.ge [sflag:s25], $0x3E80  }
0x17c: {  	[sflag:s25] =	ssyncset.done $0x0  }
0x17d: {  	[sflag:s25] =	ssyncadd.s32 $0xFFFFC180  }
0x17e: {  	[spmem:s3] =	stream.indirect.scatter.add.f32 [tilespmem:s22], [sflag:$0x3], $0x80, s0, s19, $0xb8;
	[tilespmem:$0x1C880] =	vst v63  }
0x17f: {  	_ =	swait.ge [sflag:s17], $0x3E80  }
0x180: {  	[sflag:s17] =	ssyncset.done $0x0  }
0x181: {  	[sflag:s17] =	ssyncadd.s32 $0xFFFFC180  }
0x182: {  	[tilespmem:s22], [sflag:$0x2] =	stream.indirect.gather [hbm4b:s1+s19], $0x80, s2, s19, $0xb8;
	[tilespmem:$0x1C880] =	vst v63  }
0x183: {  	_ =	swait.ge [sflag:s23], $0x3E80  }
0x184: {  	[sflag:s23] =	ssyncset.done $0x0  }
0x185: {  	[sflag:s23] =	ssyncadd.s32 $0xFFFFC180  }
0x186: {  	[spmem:s3] =	stream.indirect.scatter.add.f32 [tilespmem:s20], [sflag:$0x3], $0x80, s7, s19, $0xb8;
	[tilespmem:$0x1C880] =	vst v63  }
0x187: {  	_ =	swait.ge [sflag:s17], $0x3E80  }
0x188: {  	[sflag:s17] =	ssyncset.done $0x0  }
0x189: {  	[sflag:s17] =	ssyncadd.s32 $0xFFFFC180  }
0x18a: {  	[tilespmem:s20], [sflag:$0x1] =	stream.indirect.gather [hbm4b:s1+s19], $0x80, s8, s19, $0xb8;
	[tilespmem:$0x1C880] =	vst v63  }
0x18b: {  	_ =	swait.ge [sflag:s25], $0x3E80  }
0x18c: {  	[sflag:s25] =	ssyncset.done $0x0  }
0x18d: {  	[sflag:s25] =	ssyncadd.s32 $0xFFFFC180  }
0x18e: {  	[spmem:s3] =	stream.indirect.scatter.add.f32 [tilespmem:s22], [sflag:$0x3], $0x80, s9, s19, $0xb8;
	[tilespmem:$0x1C880] =	vst v63  }
0x18f: {  	_ =	swait.ge [sflag:s17], $0x3E80  }
0x190: {  	[sflag:s17] =	ssyncset.done $0x0  }
0x191: {  	s11 =	simm.s32 $0x480;
	[sflag:s17] =	ssyncadd.s32 $0xFFFFC180  }
0x192: {  	[tilespmem:s22], [sflag:$0x2] =	stream.indirect.gather [hbm4b:s1+s19], $0x80, s11, s19, $0xb8;
	[tilespmem:$0x1C880] =	vst v63  }
0x193: {  	_ =	swait.ge [sflag:s23], $0x3E80  }
0x194: {  	[sflag:s23] =	ssyncset.done $0x0  }
0x195: {  	s11 =	simm.s32 $0xC00;
	[sflag:s23] =	ssyncadd.s32 $0xFFFFC180  }
0x196: {  	[spmem:s3] =	stream.indirect.scatter.add.f32 [tilespmem:s20], [sflag:$0x3], $0x80, s11, s19, $0xb8;
	[tilespmem:$0x1C880] =	vst v63  }
0x197: {  	_ =	swait.ge [sflag:s17], $0x3E80  }
0x198: {  	[sflag:s17] =	ssyncset.done $0x0  }
0x199: {  	s11 =	simm.s32 $0x500;
	[sflag:s17] =	ssyncadd.s32 $0xFFFFC180  }
0x19a: {  	[tilespmem:s20], [sflag:$0x1] =	stream.indirect.gather [hbm4b:s1+s19], $0x80, s11, s19, $0xb8;
	[tilespmem:$0x1C880] =	vst v63  }
0x19b: {  	_ =	swait.ge [sflag:s25], $0x3E80  }
0x19c: {  	[sflag:s25] =	ssyncset.done $0x0  }
0x19d: {  	s11 =	simm.s32 $0xC80;
	[sflag:s25] =	ssyncadd.s32 $0xFFFFC180  }
0x19e: {  	[spmem:s3] =	stream.indirect.scatter.add.f32 [tilespmem:s22], [sflag:$0x3], $0x80, s11, s19, $0xb8;
	[tilespmem:$0x1C880] =	vst v63  }
0x19f: {  	_ =	swait.ge [sflag:s17], $0x3E80  }
0x1a0: {  	[sflag:s17] =	ssyncset.done $0x0  }
0x1a1: {  	s11 =	simm.s32 $0x580;
	[sflag:s17] =	ssyncadd.s32 $0xFFFFC180  }
0x1a2: {  	[tilespmem:s22], [sflag:$0x2] =	stream.indirect.gather [hbm4b:s1+s19], $0x80, s11, s19, $0xb8;
	[tilespmem:$0x1C880] =	vst v63  }
0x1a3: {  	_ =	swait.ge [sflag:s23], $0x3E80  }
0x1a4: {  	[sflag:s23] =	ssyncset.done $0x0  }
0x1a5: {  	s11 =	simm.s32 $0xD00;
	[sflag:s23] =	ssyncadd.s32 $0xFFFFC180  }
0x1a6: {  	[spmem:s3] =	stream.indirect.scatter.add.f32 [tilespmem:s20], [sflag:$0x3], $0x80, s11, s19, $0xb8;
	[tilespmem:$0x1C880] =	vst v63  }
0x1a7: {  	_ =	swait.ge [sflag:s17], $0x3E80  }
0x1a8: {  	[sflag:s17] =	ssyncset.done $0x0  }
0x1a9: {  	s11 =	simm.s32 $0x600;
	[sflag:s17] =	ssyncadd.s32 $0xFFFFC180  }
0x1aa: {  	[tilespmem:s20], [sflag:$0x1] =	stream.indirect.gather [hbm4b:s1+s19], $0x80, s11, s19, $0xb8;
	[tilespmem:$0x1C880] =	vst v63  }
0x1ab: {  	_ =	swait.ge [sflag:s25], $0x3E80  }
0x1ac: {  	[sflag:s25] =	ssyncset.done $0x0  }
0x1ad: {  	s11 =	simm.s32 $0xD80;
	[sflag:s25] =	ssyncadd.s32 $0xFFFFC180  }
0x1ae: {  	[spmem:s3] =	stream.indirect.scatter.add.f32 [tilespmem:s22], [sflag:$0x3], $0x80, s11, s19, $0xb8;
	[tilespmem:$0x1C880] =	vst v63  }
0x1af: {  	_ =	swait.ge [sflag:s17], $0x3E80  }
0x1b0: {  	[sflag:s17] =	ssyncset.done $0x0  }
0x1b1: {  	s11 =	simm.s32 $0x680;
	[sflag:s17] =	ssyncadd.s32 $0xFFFFC180  }
0x1b2: {  	[tilespmem:s22], [sflag:$0x2] =	stream.indirect.gather [hbm4b:s1+s19], $0x80, s11, s19, $0xb8;
	[tilespmem:$0x1C880] =	vst v63  }
0x1b3: {  	_ =	swait.ge [sflag:s23], $0x3E80  }
0x1b4: {  	[sflag:s23] =	ssyncset.done $0x0  }
0x1b5: {  	s11 =	simm.s32 $0xE00;
	[sflag:s23] =	ssyncadd.s32 $0xFFFFC180  }
0x1b6: {  	[spmem:s3] =	stream.indirect.scatter.add.f32 [tilespmem:s20], [sflag:$0x3], $0x80, s11, s19, $0xb8;
	[tilespmem:$0x1C880] =	vst v63  }
0x1b7: {  	_ =	swait.ge [sflag:s17], $0x3E80  }
0x1b8: {  	[sflag:s17] =	ssyncset.done $0x0  }
0x1b9: {  	s11 =	simm.s32 $0x700;
	[sflag:s17] =	ssyncadd.s32 $0xFFFFC180  }
0x1ba: {  	[tilespmem:s20], [sflag:$0x1] =	stream.indirect.gather [hbm4b:s1+s19], $0x80, s11, s19, $0xb8;
	[tilespmem:$0x1C880] =	vst v63  }
0x1bb: {  	_ =	swait.ge [sflag:s25], $0x3E80  }
0x1bc: {  	[sflag:s25] =	ssyncset.done $0x0  }
0x1bd: {  	s11 =	simm.s32 $0xE80;
	[sflag:s25] =	ssyncadd.s32 $0xFFFFC180  }
0x1be: {  	[spmem:s3] =	stream.indirect.scatter.add.f32 [tilespmem:s22], [sflag:$0x3], $0x80, s11, s19, $0xb8;
	[tilespmem:$0x1C880] =	vst v63  }
0x1bf: {  	_ =	swait.ge [sflag:s17], $0x3E80  }
0x1c0: {  	[sflag:s17] =	ssyncset.done $0x0  }
0x1c1: {  	s11 =	simm.s32 $0x780;
	[sflag:s17] =	ssyncadd.s32 $0xFFFFC180  }
0x1c2: {  	[tilespmem:s22], [sflag:$0x2] =	stream.indirect.gather [hbm4b:s1+s19], $0x80, s11, s19, $0xb8;
	[tilespmem:$0x1C880] =	vst v63  }
0x1c3: {  	_ =	swait.ge [sflag:s23], $0x3E80  }
0x1c4: {  	[sflag:s23] =	ssyncset.done $0x0  }
0x1c5: {  	s11 =	simm.s32 $0xF00;
	[sflag:s23] =	ssyncadd.s32 $0xFFFFC180  }
0x1c6: {  	[spmem:s3] =	stream.indirect.scatter.add.f32 [tilespmem:s20], [sflag:$0x3], $0x80, s11, s19, $0xb8;
	[tilespmem:$0x1C880] =	vst v63  }
0x1c7: {  	_ =	swait.ge [sflag:s17], $0x3E80  }
0x1c8: {  	[sflag:s17] =	ssyncset.done $0x0  }
0x1c9: {  	[sflag:s17] =	ssyncadd.s32 $0xFFFFC180  }
0x1ca: {  	_ =	swait.ge [sflag:s25], $0x3E80  }
.Ltmp3:
0x1cb: {  	[sflag:s25] =	ssyncset.done $0x0;
	(pc) =	sbr.rel @p2 .LBB2_3-.Ltmp3, $4  }
0x1cc: {  	s11 =	simm.s32 $0xF80;
	[sflag:s25] =	ssyncadd.s32 $0xFFFFC180  }
0x1cd: {  	[spmem:s3] =	stream.indirect.scatter.add.f32 [tilespmem:s22], [sflag:$0x3], $0x80, s11, s19, $0xb8;
	[tilespmem:$0x1C880] =	vst v63  }
0x1ce: {  	_ =	swait.ge [sflag:s17], $0x3E80  }
0x1cf: {  	s11 =	smov.u32 s6;
	[sflag:s17] =	ssyncset.done $0x0  }
0x1d0: {  	s6 =	sadd.s32 s10, s13;
	[sflag:s17] =	ssyncadd.s32 $0xFFFFC180  }
0x1d1: {  	[tilespmem:s4], [sflag:$0x3] =	stream.linear.gather [hbm4b:s6+s4], $0x800, $0x38;
	[tilespmem:$0x1C880] =	vst v63  }
0x1d2: {  	_ =	swait.ge [sflag:s17], $0x800  }
0x1d3: {  	[sflag:s17] =	ssyncset.done $0x0  }
0x1d4: {  	s11 =	sadd.s32 s10, s12;
	[sflag:s17] =	ssyncadd.s32 $0xFFFFF800  }
0x1d5: {  	[tilespmem:s18], [sflag:$0x3] =	stream.linear.gather [hbm4b:s11+s4], $0x800, $0x38;
	[tilespmem:$0x1C880] =	vst v63  }
0x1d6: {  	_ =	swait.ge [sflag:s17], $0x800  }
0x1d7: {  	[sflag:s17] =	ssyncset.done $0x0  }
0x1d8: {  	[sflag:s17] =	ssyncadd.s32 $0xFFFFF800  }
0x1d9: {  	[tilespmem:s20], [sflag:$0x1] =	stream.indirect.gather [hbm4b:s1+s19], $0x80, s4, s19, $0xb8;
	[tilespmem:$0x1C880] =	vst v63  }
0x1da: {  	_ = 	snop  }
0x1db: {  	[tilespmem:s22], [sflag:$0x2] =	stream.indirect.gather [hbm4b:s1+s19], $0x80, s14, s19, $0xb8;
	[tilespmem:$0x1C880] =	vst v63  }
0x1dc: {  	_ =	swait.ge [sflag:s23], $0x3E80  }
0x1dd: {  	[sflag:s23] =	ssyncset.done $0x0  }
0x1de: {  	[sflag:s23] =	ssyncadd.s32 $0xFFFFC180  }
0x1df: {  	[spmem:s3] =	stream.indirect.scatter.add.f32 [tilespmem:s20], [sflag:$0x3], $0x80, s18, s19, $0xb8;
	[tilespmem:$0x1C880] =	vst v63  }
0x1e0: {  	_ =	swait.ge [sflag:s17], $0x3E80  }
0x1e1: {  	[sflag:s17] =	ssyncset.done $0x0  }
0x1e2: {  	[sflag:s17] =	ssyncadd.s32 $0xFFFFC180  }
0x1e3: {  	[tilespmem:s20], [sflag:$0x1] =	stream.indirect.gather [hbm4b:s1+s19], $0x80, s15, s19, $0xb8;
	[tilespmem:$0x1C880] =	vst v63  }
0x1e4: {  	_ =	swait.ge [sflag:s25], $0x3E80  }
0x1e5: {  	[sflag:s25] =	ssyncset.done $0x0  }
0x1e6: {  	[sflag:s25] =	ssyncadd.s32 $0xFFFFC180  }
0x1e7: {  	[spmem:s3] =	stream.indirect.scatter.add.f32 [tilespmem:s22], [sflag:$0x3], $0x80, s16, s19, $0xb8;
	[tilespmem:$0x1C880] =	vst v63  }
0x1e8: {  	_ =	swait.ge [sflag:s17], $0x3E80  }
0x1e9: {  	[sflag:s17] =	ssyncset.done $0x0  }
0x1ea: {  	[sflag:s17] =	ssyncadd.s32 $0xFFFFC180  }
0x1eb: {  	[tilespmem:s22], [sflag:$0x2] =	stream.indirect.gather [hbm4b:s1+s19], $0x80, s21, s19, $0xb8;
	[tilespmem:$0x1C880] =	vst v63  }
0x1ec: {  	_ =	swait.ge [sflag:s23], $0x3E80  }
0x1ed: {  	[sflag:s23] =	ssyncset.done $0x0  }
0x1ee: {  	[sflag:s23] =	ssyncadd.s32 $0xFFFFC180  }
0x1ef: {  	[spmem:s3] =	stream.indirect.scatter.add.f32 [tilespmem:s20], [sflag:$0x3], $0x80, s24, s19, $0xb8;
	[tilespmem:$0x1C880] =	vst v63  }
0x1f0: {  	_ =	swait.ge [sflag:s17], $0x3E80  }
0x1f1: {  	[sflag:s17] =	ssyncset.done $0x0  }
0x1f2: {  	[sflag:s17] =	ssyncadd.s32 $0xFFFFC180  }
0x1f3: {  	[tilespmem:s20], [sflag:$0x1] =	stream.indirect.gather [hbm4b:s1+s19], $0x80, s26, s19, $0xb8;
	[tilespmem:$0x1C880] =	vst v63  }
0x1f4: {  	_ =	swait.ge [sflag:s25], $0x3E80  }
0x1f5: {  	[sflag:s25] =	ssyncset.done $0x0  }
0x1f6: {  	[sflag:s25] =	ssyncadd.s32 $0xFFFFC180  }
0x1f7: {  	[spmem:s3] =	stream.indirect.scatter.add.f32 [tilespmem:s22], [sflag:$0x3], $0x80, s28, s19, $0xb8;
	[tilespmem:$0x1C880] =	vst v63  }
0x1f8: {  	_ =	swait.ge [sflag:s17], $0x3E80  }
0x1f9: {  	[sflag:s17] =	ssyncset.done $0x0  }
0x1fa: {  	[sflag:s17] =	ssyncadd.s32 $0xFFFFC180  }
0x1fb: {  	[tilespmem:s22], [sflag:$0x2] =	stream.indirect.gather [hbm4b:s1+s19], $0x80, s29, s19, $0xb8;
	[tilespmem:$0x1C880] =	vst v63  }
0x1fc: {  	_ =	swait.ge [sflag:s23], $0x3E80  }
0x1fd: {  	[sflag:s23] =	ssyncset.done $0x0  }
0x1fe: {  	[sflag:s23] =	ssyncadd.s32 $0xFFFFC180  }
0x1ff: {  	[spmem:s3] =	stream.indirect.scatter.add.f32 [tilespmem:s20], [sflag:$0x3], $0x80, s30, s19, $0xb8;
	[tilespmem:$0x1C880] =	vst v63  }
0x200: {  	_ =	swait.ge [sflag:s17], $0x3E80  }
0x201: {  	[sflag:s17] =	ssyncset.done $0x0  }
0x202: {  	[sflag:s17] =	ssyncadd.s32 $0xFFFFC180  }
0x203: {  	[tilespmem:s20], [sflag:$0x1] =	stream.indirect.gather [hbm4b:s1+s19], $0x80, s31, s19, $0xb8;
	[tilespmem:$0x1C880] =	vst v63  }
0x204: {  	_ =	swait.ge [sflag:s25], $0x3E80  }
0x205: {  	[sflag:s25] =	ssyncset.done $0x0  }
0x206: {  	[sflag:s25] =	ssyncadd.s32 $0xFFFFC180  }
0x207: {  	[spmem:s3] =	stream.indirect.scatter.add.f32 [tilespmem:s22], [sflag:$0x3], $0x80, s0, s19, $0xb8;
	[tilespmem:$0x1C880] =	vst v63  }
0x208: {  	_ =	swait.ge [sflag:s17], $0x3E80  }
0x209: {  	[sflag:s17] =	ssyncset.done $0x0  }
0x20a: {  	[sflag:s17] =	ssyncadd.s32 $0xFFFFC180  }
0x20b: {  	[tilespmem:s22], [sflag:$0x2] =	stream.indirect.gather [hbm4b:s1+s19], $0x80, s2, s19, $0xb8;
	[tilespmem:$0x1C880] =	vst v63  }
0x20c: {  	_ =	swait.ge [sflag:s23], $0x3E80  }
0x20d: {  	[sflag:s23] =	ssyncset.done $0x0  }
0x20e: {  	[sflag:s23] =	ssyncadd.s32 $0xFFFFC180  }
0x20f: {  	[spmem:s3] =	stream.indirect.scatter.add.f32 [tilespmem:s20], [sflag:$0x3], $0x80, s7, s19, $0xb8;
	[tilespmem:$0x1C880] =	vst v63  }
0x210: {  	_ =	swait.ge [sflag:s17], $0x3E80  }
0x211: {  	[sflag:s17] =	ssyncset.done $0x0  }
0x212: {  	[sflag:s17] =	ssyncadd.s32 $0xFFFFC180  }
0x213: {  	[tilespmem:s20], [sflag:$0x1] =	stream.indirect.gather [hbm4b:s1+s19], $0x80, s8, s19, $0xb8;
	[tilespmem:$0x1C880] =	vst v63  }
0x214: {  	_ =	swait.ge [sflag:s25], $0x3E80  }
0x215: {  	[sflag:s25] =	ssyncset.done $0x0  }
0x216: {  	[sflag:s25] =	ssyncadd.s32 $0xFFFFC180  }
0x217: {  	[spmem:s3] =	stream.indirect.scatter.add.f32 [tilespmem:s22], [sflag:$0x3], $0x80, s9, s19, $0xb8;
	[tilespmem:$0x1C880] =	vst v63  }
0x218: {  	_ =	swait.ge [sflag:s17], $0x3E80  }
0x219: {  	[sflag:s17] =	ssyncset.done $0x0  }
0x21a: {  	s7 =	simm.s32 $0x480;
	[sflag:s17] =	ssyncadd.s32 $0xFFFFC180  }
0x21b: {  	[tilespmem:s22], [sflag:$0x2] =	stream.indirect.gather [hbm4b:s1+s19], $0x80, s7, s19, $0xb8;
	[tilespmem:$0x1C880] =	vst v63  }
0x21c: {  	_ =	swait.ge [sflag:s23], $0x3E80  }
0x21d: {  	[sflag:s23] =	ssyncset.done $0x0  }
0x21e: {  	s8 =	simm.s32 $0xC00;
	[sflag:s23] =	ssyncadd.s32 $0xFFFFC180  }
0x21f: {  	[spmem:s3] =	stream.indirect.scatter.add.f32 [tilespmem:s20], [sflag:$0x3], $0x80, s8, s19, $0xb8;
	[tilespmem:$0x1C880] =	vst v63  }
0x220: {  	_ =	swait.ge [sflag:s17], $0x3E80  }
0x221: {  	[sflag:s17] =	ssyncset.done $0x0  }
0x222: {  	s9 =	simm.s32 $0x500;
	[sflag:s17] =	ssyncadd.s32 $0xFFFFC180  }
0x223: {  	[tilespmem:s20], [sflag:$0x1] =	stream.indirect.gather [hbm4b:s1+s19], $0x80, s9, s19, $0xb8;
	[tilespmem:$0x1C880] =	vst v63  }
0x224: {  	_ =	swait.ge [sflag:s25], $0x3E80  }
0x225: {  	[sflag:s25] =	ssyncset.done $0x0  }
0x226: {  	s10 =	simm.s32 $0xC80;
	[sflag:s25] =	ssyncadd.s32 $0xFFFFC180  }
0x227: {  	[spmem:s3] =	stream.indirect.scatter.add.f32 [tilespmem:s22], [sflag:$0x3], $0x80, s10, s19, $0xb8;
	[tilespmem:$0x1C880] =	vst v63  }
0x228: {  	_ =	swait.ge [sflag:s17], $0x3E80  }
0x229: {  	[sflag:s17] =	ssyncset.done $0x0  }
0x22a: {  	s11 =	simm.s32 $0x580;
	[sflag:s17] =	ssyncadd.s32 $0xFFFFC180  }
0x22b: {  	[tilespmem:s22], [sflag:$0x2] =	stream.indirect.gather [hbm4b:s1+s19], $0x80, s11, s19, $0xb8;
	[tilespmem:$0x1C880] =	vst v63  }
0x22c: {  	_ =	swait.ge [sflag:s23], $0x3E80  }
0x22d: {  	[sflag:s23] =	ssyncset.done $0x0  }
0x22e: {  	s14 =	simm.s32 $0xD00;
	[sflag:s23] =	ssyncadd.s32 $0xFFFFC180  }
0x22f: {  	[spmem:s3] =	stream.indirect.scatter.add.f32 [tilespmem:s20], [sflag:$0x3], $0x80, s14, s19, $0xb8;
	[tilespmem:$0x1C880] =	vst v63  }
0x230: {  	_ =	swait.ge [sflag:s17], $0x3E80  }
0x231: {  	[sflag:s17] =	ssyncset.done $0x0  }
0x232: {  	s15 =	simm.s32 $0x600;
	[sflag:s17] =	ssyncadd.s32 $0xFFFFC180  }
0x233: {  	[tilespmem:s20], [sflag:$0x1] =	stream.indirect.gather [hbm4b:s1+s19], $0x80, s15, s19, $0xb8;
	[tilespmem:$0x1C880] =	vst v63  }
0x234: {  	_ =	swait.ge [sflag:s25], $0x3E80  }
0x235: {  	[sflag:s25] =	ssyncset.done $0x0  }
0x236: {  	s16 =	simm.s32 $0xD80;
	[sflag:s25] =	ssyncadd.s32 $0xFFFFC180  }
0x237: {  	[spmem:s3] =	stream.indirect.scatter.add.f32 [tilespmem:s22], [sflag:$0x3], $0x80, s16, s19, $0xb8;
	[tilespmem:$0x1C880] =	vst v63  }
0x238: {  	_ =	swait.ge [sflag:s17], $0x3E80  }
0x239: {  	[sflag:s17] =	ssyncset.done $0x0  }
0x23a: {  	s21 =	simm.s32 $0x680;
	[sflag:s17] =	ssyncadd.s32 $0xFFFFC180  }
0x23b: {  	[tilespmem:s22], [sflag:$0x2] =	stream.indirect.gather [hbm4b:s1+s19], $0x80, s21, s19, $0xb8;
	[tilespmem:$0x1C880] =	vst v63  }
0x23c: {  	_ =	swait.ge [sflag:s23], $0x3E80  }
0x23d: {  	[sflag:s23] =	ssyncset.done $0x0  }
0x23e: {  	s24 =	simm.s32 $0xE00;
	[sflag:s23] =	ssyncadd.s32 $0xFFFFC180  }
0x23f: {  	[spmem:s3] =	stream.indirect.scatter.add.f32 [tilespmem:s20], [sflag:$0x3], $0x80, s24, s19, $0xb8;
	[tilespmem:$0x1C880] =	vst v63  }
0x240: {  	_ =	swait.ge [sflag:s17], $0x3E80  }
0x241: {  	[sflag:s17] =	ssyncset.done $0x0  }
0x242: {  	s26 =	simm.s32 $0x700;
	[sflag:s17] =	ssyncadd.s32 $0xFFFFC180  }
0x243: {  	[tilespmem:s20], [sflag:$0x1] =	stream.indirect.gather [hbm4b:s1+s19], $0x80, s26, s19, $0xb8;
	[tilespmem:$0x1C880] =	vst v63  }
0x244: {  	_ =	swait.ge [sflag:s25], $0x3E80  }
0x245: {  	[sflag:s25] =	ssyncset.done $0x0  }
0x246: {  	s28 =	simm.s32 $0xE80;
	[sflag:s25] =	ssyncadd.s32 $0xFFFFC180  }
0x247: {  	[spmem:s3] =	stream.indirect.scatter.add.f32 [tilespmem:s22], [sflag:$0x3], $0x80, s28, s19, $0xb8;
	[tilespmem:$0x1C880] =	vst v63  }
0x248: {  	_ =	swait.ge [sflag:s17], $0x3E80  }
0x249: {  	[sflag:s17] =	ssyncset.done $0x0  }
0x24a: {  	s29 =	simm.s32 $0x780;
	[sflag:s17] =	ssyncadd.s32 $0xFFFFC180  }
0x24b: {  	[tilespmem:s22], [sflag:$0x2] =	stream.indirect.gather [hbm4b:s1+s19], $0x80, s29, s19, $0xb8;
	[tilespmem:$0x1C880] =	vst v63  }
0x24c: {  	_ =	swait.ge [sflag:s23], $0x3E80  }
0x24d: {  	[sflag:s23] =	ssyncset.done $0x0  }
0x24e: {  	s30 =	simm.s32 $0xF00;
	[sflag:s23] =	ssyncadd.s32 $0xFFFFC180  }
0x24f: {  	[spmem:s3] =	stream.indirect.scatter.add.f32 [tilespmem:s20], [sflag:$0x3], $0x80, s30, s19, $0xb8;
	[tilespmem:$0x1C880] =	vst v63  }
0x250: {  	_ =	swait.ge [sflag:s17], $0x3E80  }
0x251: {  	[sflag:s17] =	ssyncset.done $0x0  }
0x252: {  	[sflag:s17] =	ssyncadd.s32 $0xFFFFC180  }
0x253: {  	_ =	swait.ge [sflag:s25], $0x3E80  }
0x254: {  	[sflag:s25] =	ssyncset.done $0x0  }
0x255: {  	s31 =	simm.s32 $0xF80;
	[sflag:s25] =	ssyncadd.s32 $0xFFFFC180  }
0x256: {  	[spmem:s3] =	stream.indirect.scatter.add.f32 [tilespmem:s22], [sflag:$0x3], $0x80, s31, s19, $0xb8;
	[tilespmem:$0x1C880] =	vst v63  }
0x257: {  	_ =	swait.ge [sflag:s17], $0x3E80  }
0x258: {  	[sflag:s17] =	ssyncset.done $0x0  }
0x259: {  	[sflag:s17] =	ssyncadd.s32 $0xFFFFC180  }
0x25a: {  	[bflag:$0x0] =	sbarrier.arrive $0xFFFF  }
0x25b: {  	s10 =	rddreg [dreg:$0x8]  }
0x25c: {  	s6 =	simm.s32 @p0 $0x1FC3;
	s11 =	rddreg [dreg:$0xa]  }
0x25d: {  	[hbm:s10], [sflag:s6] =	dma.local @p0 [spmem:s11], $0x2800  }
0x25e: {  	s6 =	simm.s32 @p0 $0x3  }
0x25f: {  	_ =	swait.ge @p0 [sflag:s6], $0x2800  }
0x260: {  	s14 =	rddreg [dreg:$0xb]  }
0x261: {  	[sflag:s6] =	ssyncset.done @p0 $0x0;
	s15 =	rddreg [dreg:$0xc]  }
0x262: {  	[sflag:s6] =	ssyncadd.s32 @p0 $0xFFFFD800;
	s6 =	rddreg [dreg:$0x7]  }
0x263: {  	[hbm:s6], [sflag:s14] =	dma.local @!p0 [spmem:s15], $0x2700  }
.Ltmp4:
0x264: {  	_ = 	snop;
	(pc) =	sbr.rel .LBB2_8-.Ltmp4, $4  }
0x265: {  	s6 =	simm.s32 @!p0 $0x3  }
0x266: {  	_ =	swait.ge @!p0 [sflag:s6], $0x2700  }
0x267: {  	[sflag:s6] =	ssyncset.done @!p0 $0x0  }
0x268: {  	s0 =	rddreg [dreg:$0xd];
	[sflag:s6] =	ssyncadd.s32 @!p0 $0xFFFFD900  }
.LBB2_5:
0x269: {  	[tilespmem:s4], [sflag:$0x3] =	stream.linear.gather [hbm4b:s6+s4], $0x800, $0x38;
	[tilespmem:$0x1C880] =	vst v63  }
0x26a: {  	_ =	swait.ge [sflag:s17], $0x800  }
0x26b: {  	[sflag:s17] =	ssyncset.done $0x0  }
0x26c: {  	s8 =	sadd.s32 $0x0, s12;
	[sflag:s17] =	ssyncadd.s32 $0xFFFFF800  }
0x26d: {  	[tilespmem:s18], [sflag:$0x3] =	stream.linear.gather [hbm4b:s8+s4], $0x800, $0x38;
	[tilespmem:$0x1C880] =	vst v63  }
0x26e: {  	_ =	swait.ge [sflag:s17], $0x800  }
0x26f: {  	[sflag:s17] =	ssyncset.done $0x0  }
0x270: {  	[sflag:s17] =	ssyncadd.s32 $0xFFFFF800  }
0x271: {  	[tilespmem:s20], [sflag:$0x1] =	stream.indirect.gather [hbm4b:s5+s19], $0x80, s4, s19, $0xb8;
	[tilespmem:$0x1C880] =	vst v63  }
0x272: {  	s9 =	simm.s32 $0x80  }
0x273: {  	[tilespmem:s22], [sflag:$0x2] =	stream.indirect.gather [hbm4b:s5+s19], $0x80, s9, s19, $0xb8;
	[tilespmem:$0x1C880] =	vst v63  }
0x274: {  	_ =	swait.ge [sflag:s23], $0x3E80  }
0x275: {  	[sflag:s23] =	ssyncset.done $0x0  }
0x276: {  	[sflag:s23] =	ssyncadd.s32 $0xFFFFC180  }
0x277: {  	[spmem:s3] =	stream.indirect.scatter.add.f32 [tilespmem:s20], [sflag:$0x3], $0x80, s18, s19, $0xb8;
	[tilespmem:$0x1C880] =	vst v63  }
0x278: {  	_ =	swait.ge [sflag:s17], $0x3E80  }
0x279: {  	[sflag:s17] =	ssyncset.done $0x0  }
0x27a: {  	s10 =	simm.s32 $0x100;
	[sflag:s17] =	ssyncadd.s32 $0xFFFFC180  }
0x27b: {  	[tilespmem:s20], [sflag:$0x1] =	stream.indirect.gather [hbm4b:s5+s19], $0x80, s10, s19, $0xb8;
	[tilespmem:$0x1C880] =	vst v63  }
0x27c: {  	_ =	swait.ge [sflag:s25], $0x3E80  }
0x27d: {  	[sflag:s25] =	ssyncset.done $0x0  }
0x27e: {  	s16 =	simm.s32 $0x880;
	[sflag:s25] =	ssyncadd.s32 $0xFFFFC180  }
0x27f: {  	[spmem:s3] =	stream.indirect.scatter.add.f32 [tilespmem:s22], [sflag:$0x3], $0x80, s16, s19, $0xb8;
	[tilespmem:$0x1C880] =	vst v63  }
0x280: {  	_ =	swait.ge [sflag:s17], $0x3E80  }
0x281: {  	[sflag:s17] =	ssyncset.done $0x0  }
0x282: {  	s21 =	simm.s32 $0x180;
	[sflag:s17] =	ssyncadd.s32 $0xFFFFC180  }
0x283: {  	[tilespmem:s22], [sflag:$0x2] =	stream.indirect.gather [hbm4b:s5+s19], $0x80, s21, s19, $0xb8;
	[tilespmem:$0x1C880] =	vst v63  }
0x284: {  	_ =	swait.ge [sflag:s23], $0x3E80  }
0x285: {  	[sflag:s23] =	ssyncset.done $0x0  }
0x286: {  	s24 =	simm.s32 $0x900;
	[sflag:s23] =	ssyncadd.s32 $0xFFFFC180  }
0x287: {  	[spmem:s3] =	stream.indirect.scatter.add.f32 [tilespmem:s20], [sflag:$0x3], $0x80, s24, s19, $0xb8;
	[tilespmem:$0x1C880] =	vst v63  }
0x288: {  	_ =	swait.ge [sflag:s17], $0x3E80  }
0x289: {  	[sflag:s17] =	ssyncset.done $0x0  }
0x28a: {  	s26 =	simm.s32 $0x200;
	[sflag:s17] =	ssyncadd.s32 $0xFFFFC180  }
0x28b: {  	[tilespmem:s20], [sflag:$0x1] =	stream.indirect.gather [hbm4b:s5+s19], $0x80, s26, s19, $0xb8;
	[tilespmem:$0x1C880] =	vst v63  }
0x28c: {  	_ =	swait.ge [sflag:s25], $0x3E80  }
0x28d: {  	[sflag:s25] =	ssyncset.done $0x0  }
0x28e: {  	s28 =	simm.s32 $0x980;
	[sflag:s25] =	ssyncadd.s32 $0xFFFFC180  }
0x28f: {  	[spmem:s3] =	stream.indirect.scatter.add.f32 [tilespmem:s22], [sflag:$0x3], $0x80, s28, s19, $0xb8;
	[tilespmem:$0x1C880] =	vst v63  }
0x290: {  	_ =	swait.ge [sflag:s17], $0x3E80  }
0x291: {  	[sflag:s17] =	ssyncset.done $0x0  }
0x292: {  	s29 =	simm.s32 $0x280;
	[sflag:s17] =	ssyncadd.s32 $0xFFFFC180  }
0x293: {  	[tilespmem:s22], [sflag:$0x2] =	stream.indirect.gather [hbm4b:s5+s19], $0x80, s29, s19, $0xb8;
	[tilespmem:$0x1C880] =	vst v63  }
0x294: {  	_ =	swait.ge [sflag:s23], $0x3E80  }
0x295: {  	[sflag:s23] =	ssyncset.done $0x0  }
0x296: {  	s30 =	simm.s32 $0xA00;
	[sflag:s23] =	ssyncadd.s32 $0xFFFFC180  }
0x297: {  	[spmem:s3] =	stream.indirect.scatter.add.f32 [tilespmem:s20], [sflag:$0x3], $0x80, s30, s19, $0xb8;
	[tilespmem:$0x1C880] =	vst v63  }
0x298: {  	_ =	swait.ge [sflag:s17], $0x3E80  }
0x299: {  	[sflag:s17] =	ssyncset.done $0x0  }
0x29a: {  	s31 =	simm.s32 $0x300;
	[sflag:s17] =	ssyncadd.s32 $0xFFFFC180  }
0x29b: {  	[tilespmem:s20], [sflag:$0x1] =	stream.indirect.gather [hbm4b:s5+s19], $0x80, s31, s19, $0xb8;
	[tilespmem:$0x1C880] =	vst v63  }
0x29c: {  	_ =	swait.ge [sflag:s25], $0x3E80  }
0x29d: {  	[sflag:s25] =	ssyncset.done $0x0  }
0x29e: {  	s0 =	simm.s32 $0xA80;
	[sflag:s25] =	ssyncadd.s32 $0xFFFFC180  }
0x29f: {  	[spmem:s3] =	stream.indirect.scatter.add.f32 [tilespmem:s22], [sflag:$0x3], $0x80, s0, s19, $0xb8;
	[tilespmem:$0x1C880] =	vst v63  }
0x2a0: {  	_ =	swait.ge [sflag:s17], $0x3E80  }
0x2a1: {  	[sflag:s17] =	ssyncset.done $0x0  }
0x2a2: {  	s2 =	simm.s32 $0x380;
	[sflag:s17] =	ssyncadd.s32 $0xFFFFC180  }
0x2a3: {  	[tilespmem:s22], [sflag:$0x2] =	stream.indirect.gather [hbm4b:s5+s19], $0x80, s2, s19, $0xb8;
	[tilespmem:$0x1C880] =	vst v63  }
0x2a4: {  	_ =	swait.ge [sflag:s23], $0x3E80  }
0x2a5: {  	[sflag:s23] =	ssyncset.done $0x0  }
0x2a6: {  	s7 =	simm.s32 $0xB00;
	[sflag:s23] =	ssyncadd.s32 $0xFFFFC180  }
0x2a7: {  	[spmem:s3] =	stream.indirect.scatter.add.f32 [tilespmem:s20], [sflag:$0x3], $0x80, s7, s19, $0xb8;
	[tilespmem:$0x1C880] =	vst v63  }
0x2a8: {  	_ =	swait.ge [sflag:s17], $0x3E80  }
0x2a9: {  	[sflag:s17] =	ssyncset.done $0x0  }
0x2aa: {  	s8 =	simm.s32 $0x400;
	[sflag:s17] =	ssyncadd.s32 $0xFFFFC180  }
0x2ab: {  	[tilespmem:s20], [sflag:$0x1] =	stream.indirect.gather [hbm4b:s5+s19], $0x80, s8, s19, $0xb8;
	[tilespmem:$0x1C880] =	vst v63  }
0x2ac: {  	_ =	swait.ge [sflag:s25], $0x3E80  }
0x2ad: {  	[sflag:s25] =	ssyncset.done $0x0  }
0x2ae: {  	s9 =	simm.s32 $0xB80;
	[sflag:s25] =	ssyncadd.s32 $0xFFFFC180  }
0x2af: {  	[spmem:s3] =	stream.indirect.scatter.add.f32 [tilespmem:s22], [sflag:$0x3], $0x80, s9, s19, $0xb8;
	[tilespmem:$0x1C880] =	vst v63  }
0x2b0: {  	_ =	swait.ge [sflag:s17], $0x3E80  }
0x2b1: {  	[sflag:s17] =	ssyncset.done $0x0  }
0x2b2: {  	s11 =	simm.s32 $0x480;
	[sflag:s17] =	ssyncadd.s32 $0xFFFFC180  }
0x2b3: {  	[tilespmem:s22], [sflag:$0x2] =	stream.indirect.gather [hbm4b:s5+s19], $0x80, s11, s19, $0xb8;
	[tilespmem:$0x1C880] =	vst v63  }
0x2b4: {  	_ =	swait.ge [sflag:s23], $0x3E80  }
0x2b5: {  	[sflag:s23] =	ssyncset.done $0x0  }
0x2b6: {  	s14 =	simm.s32 $0xC00;
	[sflag:s23] =	ssyncadd.s32 $0xFFFFC180  }
0x2b7: {  	[spmem:s3] =	stream.indirect.scatter.add.f32 [tilespmem:s20], [sflag:$0x3], $0x80, s14, s19, $0xb8;
	[tilespmem:$0x1C880] =	vst v63  }
0x2b8: {  	_ =	swait.ge [sflag:s17], $0x3E80  }
0x2b9: {  	[sflag:s17] =	ssyncset.done $0x0  }
0x2ba: {  	s15 =	simm.s32 $0x500;
	[sflag:s17] =	ssyncadd.s32 $0xFFFFC180  }
0x2bb: {  	[tilespmem:s20], [sflag:$0x1] =	stream.indirect.gather [hbm4b:s5+s19], $0x80, s15, s19, $0xb8;
	[tilespmem:$0x1C880] =	vst v63  }
0x2bc: {  	_ =	swait.ge [sflag:s25], $0x3E80  }
0x2bd: {  	[sflag:s25] =	ssyncset.done $0x0  }
0x2be: {  	s10 =	simm.s32 $0xC80;
	[sflag:s25] =	ssyncadd.s32 $0xFFFFC180  }
0x2bf: {  	[spmem:s3] =	stream.indirect.scatter.add.f32 [tilespmem:s22], [sflag:$0x3], $0x80, s10, s19, $0xb8;
	[tilespmem:$0x1C880] =	vst v63  }
0x2c0: {  	_ =	swait.ge [sflag:s17], $0x3E80  }
0x2c1: {  	[sflag:s17] =	ssyncset.done $0x0  }
0x2c2: {  	s11 =	simm.s32 $0x580;
	[sflag:s17] =	ssyncadd.s32 $0xFFFFC180  }
0x2c3: {  	[tilespmem:s22], [sflag:$0x2] =	stream.indirect.gather [hbm4b:s5+s19], $0x80, s11, s19, $0xb8;
	[tilespmem:$0x1C880] =	vst v63  }
0x2c4: {  	_ =	swait.ge [sflag:s23], $0x3E80  }
0x2c5: {  	[sflag:s23] =	ssyncset.done $0x0  }
0x2c6: {  	s14 =	simm.s32 $0xD00;
	[sflag:s23] =	ssyncadd.s32 $0xFFFFC180  }
0x2c7: {  	[spmem:s3] =	stream.indirect.scatter.add.f32 [tilespmem:s20], [sflag:$0x3], $0x80, s14, s19, $0xb8;
	[tilespmem:$0x1C880] =	vst v63  }
0x2c8: {  	_ =	swait.ge [sflag:s17], $0x3E80  }
0x2c9: {  	[sflag:s17] =	ssyncset.done $0x0  }
0x2ca: {  	s15 =	simm.s32 $0x600;
	[sflag:s17] =	ssyncadd.s32 $0xFFFFC180  }
0x2cb: {  	[tilespmem:s20], [sflag:$0x1] =	stream.indirect.gather [hbm4b:s5+s19], $0x80, s15, s19, $0xb8;
	[tilespmem:$0x1C880] =	vst v63  }
0x2cc: {  	_ =	swait.ge [sflag:s25], $0x3E80  }
0x2cd: {  	[sflag:s25] =	ssyncset.done $0x0  }
0x2ce: {  	s10 =	simm.s32 $0xD80;
	[sflag:s25] =	ssyncadd.s32 $0xFFFFC180  }
0x2cf: {  	[spmem:s3] =	stream.indirect.scatter.add.f32 [tilespmem:s22], [sflag:$0x3], $0x80, s10, s19, $0xb8;
	[tilespmem:$0x1C880] =	vst v63  }
0x2d0: {  	_ =	swait.ge [sflag:s17], $0x3E80  }
0x2d1: {  	[sflag:s17] =	ssyncset.done $0x0  }
0x2d2: {  	s11 =	simm.s32 $0x680;
	[sflag:s17] =	ssyncadd.s32 $0xFFFFC180  }
0x2d3: {  	[tilespmem:s22], [sflag:$0x2] =	stream.indirect.gather [hbm4b:s5+s19], $0x80, s11, s19, $0xb8;
	[tilespmem:$0x1C880] =	vst v63  }
0x2d4: {  	_ =	swait.ge [sflag:s23], $0x3E80  }
0x2d5: {  	[sflag:s23] =	ssyncset.done $0x0  }
0x2d6: {  	s14 =	simm.s32 $0xE00;
	[sflag:s23] =	ssyncadd.s32 $0xFFFFC180  }
0x2d7: {  	[spmem:s3] =	stream.indirect.scatter.add.f32 [tilespmem:s20], [sflag:$0x3], $0x80, s14, s19, $0xb8;
	[tilespmem:$0x1C880] =	vst v63  }
0x2d8: {  	_ =	swait.ge [sflag:s17], $0x3E80  }
0x2d9: {  	[sflag:s17] =	ssyncset.done $0x0  }
0x2da: {  	s15 =	simm.s32 $0x700;
	[sflag:s17] =	ssyncadd.s32 $0xFFFFC180  }
0x2db: {  	[tilespmem:s20], [sflag:$0x1] =	stream.indirect.gather [hbm4b:s5+s19], $0x80, s15, s19, $0xb8;
	[tilespmem:$0x1C880] =	vst v63  }
0x2dc: {  	_ =	swait.ge [sflag:s25], $0x3E80  }
0x2dd: {  	[sflag:s25] =	ssyncset.done $0x0  }
0x2de: {  	s10 =	simm.s32 $0xE80;
	[sflag:s25] =	ssyncadd.s32 $0xFFFFC180  }
0x2df: {  	[spmem:s3] =	stream.indirect.scatter.add.f32 [tilespmem:s22], [sflag:$0x3], $0x80, s10, s19, $0xb8;
	[tilespmem:$0x1C880] =	vst v63  }
0x2e0: {  	_ =	swait.ge [sflag:s17], $0x3E80  }
0x2e1: {  	[sflag:s17] =	ssyncset.done $0x0  }
0x2e2: {  	s11 =	simm.s32 $0x780;
	[sflag:s17] =	ssyncadd.s32 $0xFFFFC180  }
0x2e3: {  	[tilespmem:s22], [sflag:$0x2] =	stream.indirect.gather [hbm4b:s5+s19], $0x80, s11, s19, $0xb8;
	[tilespmem:$0x1C880] =	vst v63  }
0x2e4: {  	_ =	swait.ge [sflag:s23], $0x3E80  }
0x2e5: {  	[sflag:s23] =	ssyncset.done $0x0  }
0x2e6: {  	s14 =	simm.s32 $0xF00;
	[sflag:s23] =	ssyncadd.s32 $0xFFFFC180  }
0x2e7: {  	[spmem:s3] =	stream.indirect.scatter.add.f32 [tilespmem:s20], [sflag:$0x3], $0x80, s14, s19, $0xb8;
	[tilespmem:$0x1C880] =	vst v63  }
0x2e8: {  	_ =	swait.ge [sflag:s17], $0x3E80  }
0x2e9: {  	[sflag:s17] =	ssyncset.done $0x0  }
0x2ea: {  	[sflag:s17] =	ssyncadd.s32 $0xFFFFC180  }
0x2eb: {  	_ =	swait.ge [sflag:s25], $0x3E80  }
0x2ec: {  	[sflag:s25] =	ssyncset.done $0x0  }
0x2ed: {  	s15 =	simm.s32 $0xF80;
	[sflag:s25] =	ssyncadd.s32 $0xFFFFC180  }
0x2ee: {  	[spmem:s3] =	stream.indirect.scatter.add.f32 [tilespmem:s22], [sflag:$0x3], $0x80, s15, s19, $0xb8;
	[tilespmem:$0x1C880] =	vst v63  }
0x2ef: {  	_ =	swait.ge [sflag:s17], $0x3E80  }
0x2f0: {  	s6 =	simm.s32 $0x200;
	s10 =	simm.s32 $0x100;
	[sflag:s17] =	ssyncset.done $0x0  }
.LBB2_6:
0x2f1: {  	s14 =	sadd.s32 s10, s13  }
0x2f2: {  	[sflag:s17] =	ssyncadd.s32 $0xFFFFC180;
	s15 =	smov.u32 s6;
	s11 =	sadd.s32 $0x100, s6  }
0x2f3: {  	[tilespmem:s4], [sflag:$0x3] =	stream.linear.gather [hbm4b:s14+s4], $0x800, $0x38;
	[tilespmem:$0x1C880] =	vst v63  }
0x2f4: {  	s14 =	simm.s32 $0x80  }
0x2f5: {  	p2 =	sne.s32 s6, $0x400;
	_ =	swait.ge [sflag:s17], $0x800  }
0x2f6: {  	s6 =	sadd.s32 s10, s12;
	[sflag:s17] =	ssyncset.done $0x0  }
0x2f7: {  	s10 =	smov.u32 s15;
	s15 =	simm.s32 $0x100;
	[sflag:s17] =	ssyncadd.s32 $0xFFFFF800  }
0x2f8: {  	[tilespmem:s18], [sflag:$0x3] =	stream.linear.gather [hbm4b:s6+s4], $0x800, $0x38;
	[tilespmem:$0x1C880] =	vst v63  }
0x2f9: {  	_ =	swait.ge [sflag:s17], $0x800  }
0x2fa: {  	[sflag:s17] =	ssyncset.done $0x0  }
0x2fb: {  	[sflag:s17] =	ssyncadd.s32 $0xFFFFF800  }
0x2fc: {  	[tilespmem:s20], [sflag:$0x1] =	stream.indirect.gather [hbm4b:s5+s19], $0x80, s4, s19, $0xb8;
	[tilespmem:$0x1C880] =	vst v63  }
0x2fd: {  	_ = 	snop  }
0x2fe: {  	[tilespmem:s22], [sflag:$0x2] =	stream.indirect.gather [hbm4b:s5+s19], $0x80, s14, s19, $0xb8;
	[tilespmem:$0x1C880] =	vst v63  }
0x2ff: {  	_ =	swait.ge [sflag:s23], $0x3E80  }
0x300: {  	[sflag:s23] =	ssyncset.done $0x0  }
0x301: {  	[sflag:s23] =	ssyncadd.s32 $0xFFFFC180  }
0x302: {  	[spmem:s3] =	stream.indirect.scatter.add.f32 [tilespmem:s20], [sflag:$0x3], $0x80, s18, s19, $0xb8;
	[tilespmem:$0x1C880] =	vst v63  }
0x303: {  	_ =	swait.ge [sflag:s17], $0x3E80  }
0x304: {  	[sflag:s17] =	ssyncset.done $0x0  }
0x305: {  	[sflag:s17] =	ssyncadd.s32 $0xFFFFC180  }
0x306: {  	[tilespmem:s20], [sflag:$0x1] =	stream.indirect.gather [hbm4b:s5+s19], $0x80, s15, s19, $0xb8;
	[tilespmem:$0x1C880] =	vst v63  }
0x307: {  	_ =	swait.ge [sflag:s25], $0x3E80  }
0x308: {  	[sflag:s25] =	ssyncset.done $0x0  }
0x309: {  	[sflag:s25] =	ssyncadd.s32 $0xFFFFC180  }
0x30a: {  	[spmem:s3] =	stream.indirect.scatter.add.f32 [tilespmem:s22], [sflag:$0x3], $0x80, s16, s19, $0xb8;
	[tilespmem:$0x1C880] =	vst v63  }
0x30b: {  	_ =	swait.ge [sflag:s17], $0x3E80  }
0x30c: {  	[sflag:s17] =	ssyncset.done $0x0  }
0x30d: {  	[sflag:s17] =	ssyncadd.s32 $0xFFFFC180  }
0x30e: {  	[tilespmem:s22], [sflag:$0x2] =	stream.indirect.gather [hbm4b:s5+s19], $0x80, s21, s19, $0xb8;
	[tilespmem:$0x1C880] =	vst v63  }
0x30f: {  	_ =	swait.ge [sflag:s23], $0x3E80  }
0x310: {  	[sflag:s23] =	ssyncset.done $0x0  }
0x311: {  	[sflag:s23] =	ssyncadd.s32 $0xFFFFC180  }
0x312: {  	[spmem:s3] =	stream.indirect.scatter.add.f32 [tilespmem:s20], [sflag:$0x3], $0x80, s24, s19, $0xb8;
	[tilespmem:$0x1C880] =	vst v63  }
0x313: {  	_ =	swait.ge [sflag:s17], $0x3E80  }
0x314: {  	[sflag:s17] =	ssyncset.done $0x0  }
0x315: {  	[sflag:s17] =	ssyncadd.s32 $0xFFFFC180  }
0x316: {  	[tilespmem:s20], [sflag:$0x1] =	stream.indirect.gather [hbm4b:s5+s19], $0x80, s26, s19, $0xb8;
	[tilespmem:$0x1C880] =	vst v63  }
0x317: {  	_ =	swait.ge [sflag:s25], $0x3E80  }
0x318: {  	[sflag:s25] =	ssyncset.done $0x0  }
0x319: {  	[sflag:s25] =	ssyncadd.s32 $0xFFFFC180  }
0x31a: {  	[spmem:s3] =	stream.indirect.scatter.add.f32 [tilespmem:s22], [sflag:$0x3], $0x80, s28, s19, $0xb8;
	[tilespmem:$0x1C880] =	vst v63  }
0x31b: {  	_ =	swait.ge [sflag:s17], $0x3E80  }
0x31c: {  	[sflag:s17] =	ssyncset.done $0x0  }
0x31d: {  	[sflag:s17] =	ssyncadd.s32 $0xFFFFC180  }
0x31e: {  	[tilespmem:s22], [sflag:$0x2] =	stream.indirect.gather [hbm4b:s5+s19], $0x80, s29, s19, $0xb8;
	[tilespmem:$0x1C880] =	vst v63  }
0x31f: {  	_ =	swait.ge [sflag:s23], $0x3E80  }
0x320: {  	[sflag:s23] =	ssyncset.done $0x0  }
0x321: {  	[sflag:s23] =	ssyncadd.s32 $0xFFFFC180  }
0x322: {  	[spmem:s3] =	stream.indirect.scatter.add.f32 [tilespmem:s20], [sflag:$0x3], $0x80, s30, s19, $0xb8;
	[tilespmem:$0x1C880] =	vst v63  }
0x323: {  	_ =	swait.ge [sflag:s17], $0x3E80  }
0x324: {  	[sflag:s17] =	ssyncset.done $0x0  }
0x325: {  	[sflag:s17] =	ssyncadd.s32 $0xFFFFC180  }
0x326: {  	[tilespmem:s20], [sflag:$0x1] =	stream.indirect.gather [hbm4b:s5+s19], $0x80, s31, s19, $0xb8;
	[tilespmem:$0x1C880] =	vst v63  }
0x327: {  	_ =	swait.ge [sflag:s25], $0x3E80  }
0x328: {  	[sflag:s25] =	ssyncset.done $0x0  }
0x329: {  	[sflag:s25] =	ssyncadd.s32 $0xFFFFC180  }
0x32a: {  	[spmem:s3] =	stream.indirect.scatter.add.f32 [tilespmem:s22], [sflag:$0x3], $0x80, s0, s19, $0xb8;
	[tilespmem:$0x1C880] =	vst v63  }
0x32b: {  	_ =	swait.ge [sflag:s17], $0x3E80  }
0x32c: {  	[sflag:s17] =	ssyncset.done $0x0  }
0x32d: {  	[sflag:s17] =	ssyncadd.s32 $0xFFFFC180  }
0x32e: {  	[tilespmem:s22], [sflag:$0x2] =	stream.indirect.gather [hbm4b:s5+s19], $0x80, s2, s19, $0xb8;
	[tilespmem:$0x1C880] =	vst v63  }
0x32f: {  	_ =	swait.ge [sflag:s23], $0x3E80  }
0x330: {  	[sflag:s23] =	ssyncset.done $0x0  }
0x331: {  	[sflag:s23] =	ssyncadd.s32 $0xFFFFC180  }
0x332: {  	[spmem:s3] =	stream.indirect.scatter.add.f32 [tilespmem:s20], [sflag:$0x3], $0x80, s7, s19, $0xb8;
	[tilespmem:$0x1C880] =	vst v63  }
0x333: {  	_ =	swait.ge [sflag:s17], $0x3E80  }
0x334: {  	[sflag:s17] =	ssyncset.done $0x0  }
0x335: {  	[sflag:s17] =	ssyncadd.s32 $0xFFFFC180  }
0x336: {  	[tilespmem:s20], [sflag:$0x1] =	stream.indirect.gather [hbm4b:s5+s19], $0x80, s8, s19, $0xb8;
	[tilespmem:$0x1C880] =	vst v63  }
0x337: {  	_ =	swait.ge [sflag:s25], $0x3E80  }
0x338: {  	[sflag:s25] =	ssyncset.done $0x0  }
0x339: {  	[sflag:s25] =	ssyncadd.s32 $0xFFFFC180  }
0x33a: {  	[spmem:s3] =	stream.indirect.scatter.add.f32 [tilespmem:s22], [sflag:$0x3], $0x80, s9, s19, $0xb8;
	[tilespmem:$0x1C880] =	vst v63  }
0x33b: {  	_ =	swait.ge [sflag:s17], $0x3E80  }
0x33c: {  	[sflag:s17] =	ssyncset.done $0x0  }
0x33d: {  	s6 =	simm.s32 $0x480;
	[sflag:s17] =	ssyncadd.s32 $0xFFFFC180  }
0x33e: {  	[tilespmem:s22], [sflag:$0x2] =	stream.indirect.gather [hbm4b:s5+s19], $0x80, s6, s19, $0xb8;
	[tilespmem:$0x1C880] =	vst v63  }
0x33f: {  	_ =	swait.ge [sflag:s23], $0x3E80  }
0x340: {  	[sflag:s23] =	ssyncset.done $0x0  }
0x341: {  	s6 =	simm.s32 $0xC00;
	[sflag:s23] =	ssyncadd.s32 $0xFFFFC180  }
0x342: {  	[spmem:s3] =	stream.indirect.scatter.add.f32 [tilespmem:s20], [sflag:$0x3], $0x80, s6, s19, $0xb8;
	[tilespmem:$0x1C880] =	vst v63  }
0x343: {  	_ =	swait.ge [sflag:s17], $0x3E80  }
0x344: {  	[sflag:s17] =	ssyncset.done $0x0  }
0x345: {  	s6 =	simm.s32 $0x500;
	[sflag:s17] =	ssyncadd.s32 $0xFFFFC180  }
0x346: {  	[tilespmem:s20], [sflag:$0x1] =	stream.indirect.gather [hbm4b:s5+s19], $0x80, s6, s19, $0xb8;
	[tilespmem:$0x1C880] =	vst v63  }
0x347: {  	_ =	swait.ge [sflag:s25], $0x3E80  }
0x348: {  	[sflag:s25] =	ssyncset.done $0x0  }
0x349: {  	s6 =	simm.s32 $0xC80;
	[sflag:s25] =	ssyncadd.s32 $0xFFFFC180  }
0x34a: {  	[spmem:s3] =	stream.indirect.scatter.add.f32 [tilespmem:s22], [sflag:$0x3], $0x80, s6, s19, $0xb8;
	[tilespmem:$0x1C880] =	vst v63  }
0x34b: {  	_ =	swait.ge [sflag:s17], $0x3E80  }
0x34c: {  	[sflag:s17] =	ssyncset.done $0x0  }
0x34d: {  	s6 =	simm.s32 $0x580;
	[sflag:s17] =	ssyncadd.s32 $0xFFFFC180  }
0x34e: {  	[tilespmem:s22], [sflag:$0x2] =	stream.indirect.gather [hbm4b:s5+s19], $0x80, s6, s19, $0xb8;
	[tilespmem:$0x1C880] =	vst v63  }
0x34f: {  	_ =	swait.ge [sflag:s23], $0x3E80  }
0x350: {  	[sflag:s23] =	ssyncset.done $0x0  }
0x351: {  	s6 =	simm.s32 $0xD00;
	[sflag:s23] =	ssyncadd.s32 $0xFFFFC180  }
0x352: {  	[spmem:s3] =	stream.indirect.scatter.add.f32 [tilespmem:s20], [sflag:$0x3], $0x80, s6, s19, $0xb8;
	[tilespmem:$0x1C880] =	vst v63  }
0x353: {  	_ =	swait.ge [sflag:s17], $0x3E80  }
0x354: {  	[sflag:s17] =	ssyncset.done $0x0  }
0x355: {  	s6 =	simm.s32 $0x600;
	[sflag:s17] =	ssyncadd.s32 $0xFFFFC180  }
0x356: {  	[tilespmem:s20], [sflag:$0x1] =	stream.indirect.gather [hbm4b:s5+s19], $0x80, s6, s19, $0xb8;
	[tilespmem:$0x1C880] =	vst v63  }
0x357: {  	_ =	swait.ge [sflag:s25], $0x3E80  }
0x358: {  	[sflag:s25] =	ssyncset.done $0x0  }
0x359: {  	s6 =	simm.s32 $0xD80;
	[sflag:s25] =	ssyncadd.s32 $0xFFFFC180  }
0x35a: {  	[spmem:s3] =	stream.indirect.scatter.add.f32 [tilespmem:s22], [sflag:$0x3], $0x80, s6, s19, $0xb8;
	[tilespmem:$0x1C880] =	vst v63  }
0x35b: {  	_ =	swait.ge [sflag:s17], $0x3E80  }
0x35c: {  	[sflag:s17] =	ssyncset.done $0x0  }
0x35d: {  	s6 =	simm.s32 $0x680;
	[sflag:s17] =	ssyncadd.s32 $0xFFFFC180  }
0x35e: {  	[tilespmem:s22], [sflag:$0x2] =	stream.indirect.gather [hbm4b:s5+s19], $0x80, s6, s19, $0xb8;
	[tilespmem:$0x1C880] =	vst v63  }
0x35f: {  	_ =	swait.ge [sflag:s23], $0x3E80  }
0x360: {  	[sflag:s23] =	ssyncset.done $0x0  }
0x361: {  	s6 =	simm.s32 $0xE00;
	[sflag:s23] =	ssyncadd.s32 $0xFFFFC180  }
0x362: {  	[spmem:s3] =	stream.indirect.scatter.add.f32 [tilespmem:s20], [sflag:$0x3], $0x80, s6, s19, $0xb8;
	[tilespmem:$0x1C880] =	vst v63  }
0x363: {  	_ =	swait.ge [sflag:s17], $0x3E80  }
0x364: {  	[sflag:s17] =	ssyncset.done $0x0  }
0x365: {  	s6 =	simm.s32 $0x700;
	[sflag:s17] =	ssyncadd.s32 $0xFFFFC180  }
0x366: {  	[tilespmem:s20], [sflag:$0x1] =	stream.indirect.gather [hbm4b:s5+s19], $0x80, s6, s19, $0xb8;
	[tilespmem:$0x1C880] =	vst v63  }
0x367: {  	_ =	swait.ge [sflag:s25], $0x3E80  }
0x368: {  	[sflag:s25] =	ssyncset.done $0x0  }
0x369: {  	s6 =	simm.s32 $0xE80;
	[sflag:s25] =	ssyncadd.s32 $0xFFFFC180  }
0x36a: {  	[spmem:s3] =	stream.indirect.scatter.add.f32 [tilespmem:s22], [sflag:$0x3], $0x80, s6, s19, $0xb8;
	[tilespmem:$0x1C880] =	vst v63  }
0x36b: {  	_ =	swait.ge [sflag:s17], $0x3E80  }
0x36c: {  	[sflag:s17] =	ssyncset.done $0x0  }
0x36d: {  	s6 =	simm.s32 $0x780;
	[sflag:s17] =	ssyncadd.s32 $0xFFFFC180  }
0x36e: {  	[tilespmem:s22], [sflag:$0x2] =	stream.indirect.gather [hbm4b:s5+s19], $0x80, s6, s19, $0xb8;
	[tilespmem:$0x1C880] =	vst v63  }
0x36f: {  	_ =	swait.ge [sflag:s23], $0x3E80  }
0x370: {  	[sflag:s23] =	ssyncset.done $0x0  }
0x371: {  	s6 =	simm.s32 $0xF00;
	[sflag:s23] =	ssyncadd.s32 $0xFFFFC180  }
0x372: {  	[spmem:s3] =	stream.indirect.scatter.add.f32 [tilespmem:s20], [sflag:$0x3], $0x80, s6, s19, $0xb8;
	[tilespmem:$0x1C880] =	vst v63  }
0x373: {  	_ =	swait.ge [sflag:s17], $0x3E80  }
0x374: {  	[sflag:s17] =	ssyncset.done $0x0  }
0x375: {  	[sflag:s17] =	ssyncadd.s32 $0xFFFFC180  }
0x376: {  	_ =	swait.ge [sflag:s25], $0x3E80  }
.Ltmp5:
0x377: {  	[sflag:s25] =	ssyncset.done $0x0;
	(pc) =	sbr.rel @p2 .LBB2_6-.Ltmp5, $4  }
0x378: {  	s6 =	simm.s32 $0xF80;
	[sflag:s25] =	ssyncadd.s32 $0xFFFFC180  }
0x379: {  	[spmem:s3] =	stream.indirect.scatter.add.f32 [tilespmem:s22], [sflag:$0x3], $0x80, s6, s19, $0xb8;
	[tilespmem:$0x1C880] =	vst v63  }
0x37a: {  	_ =	swait.ge [sflag:s17], $0x3E80  }
0x37b: {  	s6 =	smov.u32 s11;
	[sflag:s17] =	ssyncset.done $0x0  }
.Ltmp6:
0x37c: {  	_ = 	snop;
	(pc) =	sbr.rel .LBB2_7-.Ltmp6, $1  }
0x37d: {  	_ =	sdelay $0x3  }
.LBB2_9:
0x37e: {  	_ =	sfence.sel $0x180000  }
0x37f: {  	[bflag:$0x0] =	sbarrier.arrive $0xFFFF  }
0x380: {  	_ =	strace $0x9000004A  }
0x381: {  	s0 =	stileid.u32;
	[bflag:$0x2] =	sbarrier.arrive $0xFFFF  }
0x382: {  	p0 =	sne.s32 s0, $0x0;
	s0 =	rddreg [dreg:$0x3]  }
0x383: {  	s0 =	sadd.s32 @!p0 $0x100000, s0  }
0x384: {  	[sflag:s0] =	ssyncadd.tile.s32 @!p0 $0x1;
	_ =	shalt  }
.Lfunc_end2:
_tile_overlayer_lowered:
.L_overlay_start_2:
0x385: {  	(tag) =	ssettag $0x2  }
0x386: {  	s0 =	rddreg [dreg:$0x0];
	s2 =	stileid.u32  }
0x387: {  	s1 =	rddreg [dreg:$0x1];
	p0 =	sne.s32 s2, $0x0  }
0x388: {  	s3 =	rddreg [dreg:$0x2];
	[bflag:$0x3] =	sbarrier.arrive $0xFFFF;
	s2 =	simm.s32 @!p0 $0x1C03  }
0x389: {  	[timem:s3], [sflag:s2] =	dma.local @!p0 [hbm:s0], s1  }
0x38a: {  	s0 =	simm.s32 @!p0 $0x3  }
0x38b: {  	_ =	swait.ge @!p0 [sflag:s0], s1  }
0x38c: {  	s1 =	ssub.s32 @!p0 $0x0, s1;
	[sflag:s0] =	ssyncset.done @!p0 $0x0  }
0x38d: {  	[sflag:s0] =	ssyncadd.s32 @!p0 s1  }
0x38e: {  	[bflag:$0x3] =	sbarrier.arrive $0xFFFF  }
0x38f: {  	_ =	shalt  }

// kernel: kernel.9.cloned.1.call-start
scs
__scs_entry_jumppad:
0x0: {  	(pc) =	sbr.rel $0x88, $3  }
0x1: {  	(tag) =	ssettag $0x0;
	lr =	simm.s32 $0x1  }
0x2: {  	[smem:$0x3F99] =	sst lr;
	_ =	strace $0xD0000000  }
0x3: {  	_ = 	snop  }
0x4: {  	_ = 	snop  }
0x5: {  	_ = 	snop  }
0x6: {  	_ = 	snop  }
0x7: {  	_ = 	snop  }
__scs_overlays_trampoline_lowered:
0x8: {  	[smem:$0x3FA8] =	sst s0  }
0x9: {  	[smem:$0x3FA9] =	sst s1  }
0xa: {  	[smem:$0x3FAA] =	sst s2  }
0xb: {  	[smem:$0x3FAB] =	sst s3  }
0xc: {  	[smem:$0x3FAC] =	sst s4  }
0xd: {  	[smem:$0x3FAD] =	sst s5  }
0xe: {  	[smem:$0x3FAE] =	sst s6  }
0xf: {  	[smem:$0x3FAF] =	sst s7  }
0x10: {  	[smem:$0x3FB0] =	sst s8  }
0x11: {  	[smem:$0x3FB1] =	sst s9;
	s0 =	simm.s32 @!p0 $0x0  }
0x12: {  	s1 =	sld [smem:$0x3F97];
	s0 =	simm.s32 @p0 $0x1  }
0x13: {  	[smem:$0x3FB2] =	sst s0;
	s0 =	simm.s32 @!p1 $0x0  }
0x14: {  	s2 =	sld [smem:$0x3F96];
	s0 =	simm.s32 @p1 $0x1  }
0x15: {  	[smem:$0x3FB3] =	sst s0;
	s0 =	simm.s32 @!p2 $0x0  }
0x16: {  	s3 =	sld [smem:$0x3FDB];
	s0 =	simm.s32 @p2 $0x1  }
0x17: {  	s4 =	simm.s32 $0x1BF5;
	[smem:$0x3FB5] =	sst s0  }
0x18: {  	s0 =	sld [smem:$0x3F98];
	_ =	swait.ge [sflag:s4], $0x0  }
0x19: {  	s7 =	sld [smem:$0x3F99]  }
0x1a: {  	s8 =	sadd.s32 $0xFFFFE003, lr  }
0x1b: {  	s9 =	sadd.s32 $0xFFFFFEF7, lr;
	s5 =	simm.s32 $0xFFFFFFFF;
	p2 =	slt.u32 s8, $0xFFFFF086  }
0x1c: {  	p1 =	slt.u32 s9, $0xF7A;
	s5 =	simm.s32 @!p2 $0x0  }
0x1d: {  	s5 =	simm.s32 @p1 $0x1;
	p0 =	seq.s32 s7, s2  }
0x1e: {  	s7 =	smul.u32 @!p0 $0xF7A, s2;
	p2 =	seq.s32 @!p0 s5, $0x0  }
0x1f: {  	s9 =	smul.u32 $0xF7A, s1;
	s8 =	simm.s32 @!p0 $0x1BF5;
	p2 =	por !p2, p0  }
0x20: {  	[sflag:s8] =	ssyncset.s32 @!p0 $0xFFFFF086;
	s6 =	sadd.s32 @!p0 s3, s7;
	s7 =	simm.s32 @!p0 $0x108  }
0x21: {  	s3 =	sadd.s32 s3, s9;
	s6 =	sadd.s32 @!p0 $0x88, s6;
	s7 =	simm.s32 @p2 $0x1082  }
0x22: {  	[simem:s7], [sflag:s8] =	dma.local @!p0 [hbm:s6], $0xF7A  }
0x23: {  	s9 =	sor.u32 $0xD0000000, s2;
	s6 =	simm.s32 $0x108;
	_ =	swait.ge @!p0 [sflag:s8], $0x0  }
0x24: {  	s3 =	sadd.s32 $0x88, s3;
	s6 =	simm.s32 @!p1 $0x1082;
	[sflag:s4] =	ssyncset.s32 $0xFFFFF086  }
0x25: {  	[simem:s6], [sflag:s4] =	dma.local [hbm:s3], $0xF7A  }
0x26: {  	[smem:$0x3F99] =	sst s1;
	(tag) =	ssettag s2;
	_ =	strace s9  }
0x27: {  	s1 =	sld [smem:$0x3FA9]  }
0x28: {  	s2 =	sld [smem:$0x3FAA]  }
0x29: {  	s4 =	sld [smem:$0x3FAC]  }
0x2a: {  	p0 =	seq.s32 s5, $0x0;
	s5 =	sld [smem:$0x3FAD]  }
0x2b: {  	s6 =	sld [smem:$0x3FAE]  }
0x2c: {  	s7 =	sld [smem:$0x3FAF]  }
0x2d: {  	s3 =	simm.s32 $0x108;
	s8 =	sld [smem:$0x3FB0]  }
0x2e: {  	s3 =	simm.s32 @!p0 $0x1082;
	s9 =	sld [smem:$0x3FB1]  }
0x2f: {  	lr =	sadd.s32 s0, s3;
	s0 =	sld [smem:$0x3FA8]  }
0x30: {  	s3 =	sld [smem:$0x3FAB]  }
0x31: {  	[smem:$0x3FB4] =	sst s10  }
0x32: {  	s10 =	sld [smem:$0x3FB2];
	_ =	sdelay $0x3  }
0x33: {  	p0 =	seq.s32 s10, $0x1;
	s10 =	sld [smem:$0x3FB4];
	_ =	sdelay $0x3  }
0x34: {  	[smem:$0x3FB4] =	sst s10  }
0x35: {  	s10 =	sld [smem:$0x3FB3];
	_ =	sdelay $0x3  }
0x36: {  	p1 =	seq.s32 s10, $0x1;
	s10 =	sld [smem:$0x3FB4];
	_ =	sdelay $0x3  }
0x37: {  	[smem:$0x3FB4] =	sst s10  }
0x38: {  	s10 =	sld [smem:$0x3FB5]  }
0x39: {  	_ = 	snop;
	(pc) =	sbr.ind lr, $3  }
0x3a: {  	_ = 	snop  }
0x3b: {  	_ = 	snop  }
0x3c: {  	p2 =	seq.s32 s10, $0x1;
	s10 =	sld [smem:$0x3FB4]  }
0x3d: {  	_ =	shalt  }
0x3e: {  	_ =	shalt  }
0x3f: {  	_ =	shalt  }
0x40: {  	_ =	shalt  }
0x41: {  	_ =	shalt  }
0x42: {  	_ =	shalt  }
0x43: {  	_ =	shalt  }
0x44: {  	_ =	shalt  }
0x45: {  	_ =	shalt  }
0x46: {  	_ =	shalt  }
0x47: {  	_ =	shalt  }
0x48: {  	_ =	shalt  }
0x49: {  	_ =	shalt  }
0x4a: {  	_ =	shalt  }
0x4b: {  	_ =	shalt  }
0x4c: {  	_ =	shalt  }
0x4d: {  	_ =	shalt  }
0x4e: {  	_ =	shalt  }
0x4f: {  	_ =	shalt  }
0x50: {  	_ =	shalt  }
0x51: {  	_ =	shalt  }
0x52: {  	_ =	shalt  }
0x53: {  	_ =	shalt  }
0x54: {  	_ =	shalt  }
0x55: {  	_ =	shalt  }
0x56: {  	_ =	shalt  }
0x57: {  	_ =	shalt  }
0x58: {  	_ =	shalt  }
0x59: {  	_ =	shalt  }
0x5a: {  	_ =	shalt  }
0x5b: {  	_ =	shalt  }
0x5c: {  	_ =	shalt  }
0x5d: {  	_ =	shalt  }
0x5e: {  	_ =	shalt  }
0x5f: {  	_ =	shalt  }
0x60: {  	_ =	shalt  }
0x61: {  	_ =	shalt  }
0x62: {  	_ =	shalt  }
0x63: {  	_ =	shalt  }
0x64: {  	_ =	shalt  }
0x65: {  	_ =	shalt  }
0x66: {  	_ =	shalt  }
0x67: {  	_ =	shalt  }
0x68: {  	_ =	shalt  }
0x69: {  	_ =	shalt  }
0x6a: {  	_ =	shalt  }
0x6b: {  	_ =	shalt  }
0x6c: {  	_ =	shalt  }
0x6d: {  	_ =	shalt  }
0x6e: {  	_ =	shalt  }
0x6f: {  	_ =	shalt  }
0x70: {  	_ =	shalt  }
0x71: {  	_ =	shalt  }
0x72: {  	_ =	shalt  }
0x73: {  	_ =	shalt  }
0x74: {  	_ =	shalt  }
0x75: {  	_ =	shalt  }
0x76: {  	_ =	shalt  }
0x77: {  	_ =	shalt  }
0x78: {  	_ =	shalt  }
0x79: {  	_ =	shalt  }
0x7a: {  	_ =	shalt  }
0x7b: {  	_ =	shalt  }
0x7c: {  	_ =	shalt  }
0x7d: {  	_ =	shalt  }
0x7e: {  	_ =	shalt  }
0x7f: {  	_ =	shalt  }
0x80: {  	_ =	shalt  }
0x81: {  	_ =	shalt  }
0x82: {  	_ =	shalt  }
0x83: {  	_ =	shalt  }
0x84: {  	_ =	shalt  }
0x85: {  	_ =	shalt  }
0x86: {  	_ =	shalt  }
0x87: {  	_ =	shalt  }
.Lfunc_end0:
.L_simem_size_0:
called_computation_lowered:
.L_overlay_start_0:
0x88: {  	s2 =	sld [smem:$0x3FD9]  }
0x89: {  	s3 =	sld [smem:$0x3FFE];
	_ =	sdelay $0x1  }
0x8a: {  	s1 =	srdreg.scid  }
0x8b: {  	s0 =	sand.u32 $0x1, s1  }
0x8c: {  	s17 =	sshll.u32 s0, $0xA;
	s2 =	sadd.s32 s3, s2  }
0x8d: {  	s2 =	sadd.s32 s2, s17  }
0x8e: {  	[smem:$0x3FC0] =	sst s2  }
0x8f: {  	_ = 	snop  }
0x90: {  	s2 =	sld [smem:$0x3FD0];
	(tm) =	ssettm $0x1  }
0x91: {  	s18 =	sld [smem:$0x3FFB];
	_ =	sdelay $0x3  }
0x92: {  	_ =	strace s18  }
0x93: {  	s3 =	sld [smem:$0x3FFC];
	_ =	sdelay $0x3  }
0x94: {  	_ =	strace s3  }
0x95: {  	s3 =	sld [smem:$0x3FFD];
	_ =	sdelay $0x3  }
0x96: {  	_ =	strace s3  }
0x97: {  	_ =	strace $0x8FFFFFFF  }
0x98: {  	s19 =	sld [smem:$0x3FDB];
	_ =	sdelay $0x1  }
0x99: {  	s4 =	simm.s32 $_scs_section_size  }
0x9a: {  	s5 =	simm.s32 $_size__tile_overlayer_lowered;
	s6 =	simm.s32 $_tile_overlayer_lowered  }
0x9b: {  	s22 =	simm.s32 $0x1BFF;
	s21 =	sshll.u32 s6, $0x1;
	s3 =	sadd.s32 s4, s19  }
0x9c: {  	s7 =	simm.s32 $0x0;
	s20 =	sshll.u32 s5, $0x1;
	s5 =	sadd.s32 s21, s3  }
0x9d: {  	[timem:s7], [sflag:s22] =	dma.local [hbm:s5], s20  }
0x9e: {  	_ =	swait.ge [sflag:s22], s20  }
0x9f: {  	s4 =	ssub.s32 $0x0, s20;
	[sflag:s22] =	ssyncset.done $0x0  }
0xa0: {  	[sflag:s22] =	ssyncadd.s32 s4;
	_ =	sdelay $0x1  }
0xa1: {  	s23 =	simm.s32 $0x1B8B  }
0xa2: {  	_ =	swait.ge [sflag:s23], $0x1  }
0xa3: {  	[sflag:s23] =	ssyncset.done $0x0  }
0xa4: {  	s25 =	simm.s32 $0x1B8E;
	s24 =	sld [smem:$0x3FFE];
	[sflag:s23] =	ssyncadd.s32 $0xFFFFFFFF  }
0xa5: {  	s26 =	simm.s32 $execute0_lowered;
	[smem:$0x3FD2] =	sst s25  }
0xa6: {  	s5 =	sshll.u32 s26, $0x1;
	_ =	strace $0x80000046;
	[dreg:$0x1] =	wrdreg $0xFFFFFFFF  }
0xa7: {  	s28 =	simm.s32 $_size_execute0_lowered;
	s3 =	sadd.s32 s3, s5;
	[dreg:$0x0] =	wrdreg $0x0  }
0xa8: {  	s5 =	sshll.u32 s28, $0x1;
	[dreg:$0x2] =	wrdreg s3  }
0xa9: {  	[dreg:$0x3] =	wrdreg s5  }
0xaa: {  	[dreg:$0x4] =	wrdreg $0xC0  }
0xab: {  	_ =	task [dreg:s7], $0x5FFFF  }
0xac: {  	[dreg:$0x1] =	wrdreg $0xFFFFFFFF  }
0xad: {  	[dreg:$0x0] =	wrdreg $0x60  }
0xae: {  	[dreg:$0x2] =	wrdreg s2  }
0xaf: {  	[dreg:$0x3] =	wrdreg s24  }
0xb0: {  	[dreg:$0x4] =	wrdreg $0x90000  }
0xb1: {  	[dreg:$0x5] =	wrdreg $0x9  }
0xb2: {  	_ =	task.clear_ibuf [dreg:s7], $0x6FFFF;
	_ =	strace $0x90000046  }
0xb3: {  	s29 =	simm.s32 $0x9;
	_ =	strace $0x80000048  }
0xb4: {  	_ =	swait.ge [sflag:s29], $0x1  }
0xb5: {  	[sflag:s29] =	ssyncadd.s32 $0xFFFFFFFF  }
0xb6: {  	_ =	strace $0x90000048  }
0xb7: {  	_ =	sfence  }
0xb8: {  	s30 =	sld [smem:$0x0];
	_ =	sdelay $0x2  }
0xb9: {  	s31 =	sshll.u32 s1, $0xD;
	s1 =	sshrl.u32 s1, $0x2  }
0xba: {  	s3 =	sand.u32 $0x4000, s31;
	s1 =	sadd.s32 s1, s30  }
0xbb: {  	s0 =	sor.u32 s3, s0;
	s1 =	sshll.u32 s1, $0x11  }
0xbc: {  	s0 =	sor.u32 s1, s0  }
0xbd: {  	s0 =	sadd.s32 $0x8F2B, s0  }
0xbe: {  	[sflag:s0] =	ssyncadd.remote.s32 $0x1  }
0xbf: {  	_ =	sfence.sel $0xFFFF  }
0xc0: {  	[dreg:$0x0] =	wrdreg $0xFFFFFFFF;
	(pc) =	sbr.abs _section_cstart, $3  }
0xc1: {  	[dreg:$0x1] =	wrdreg $0xFFFFFFFF  }
0xc2: {  	_ =	task.clear_ibuf [dreg:s7], $0x2FFFF;
	_ =	strace $0x9FFFFFFF  }
0xc3: {  	(tm) =	ssettm $0x7FFFFFFF  }
tec
execute0_lowered:
.L_overlay_start_1:
0x0: {  	(tag) =	ssettag $0x1  }
0x1: {  	s1 =	rddreg [dreg:$0x0]  }
0x2: {  	s0 =	rddreg [dreg:$0x1]  }
0x3: {  	s3 =	rddreg [dreg:$0x2];
	s4 =	simm.s32 $0x0;
	s11 =	stileid.u32  }
0x4: {  	s7 =	srdreg.scid;
	s17 =	simm.s32 $0x3;
	s18 =	simm.s32 $0x800  }
0x5: {  	s19 =	simm.s32 $0x7D;
	s20 =	simm.s32 $0x1000;
	s22 =	simm.s32 $0x5000  }
0x6: {  	s23 =	simm.s32 $0x1;
	s25 =	simm.s32 $0x2;
	s2 =	smul.u32 $0x500, s11  }
0x7: {  	[smem:$0x7FF] =	sst s4;
	s6 =	smul.u32 $0x2700, s11;
	s5 =	sadd.s32 $0xCE00, s0  }
0x8: {  	s7 =	sand.u32 $0x1, s7;
	s8 =	smul.u32 $0x4E000, s11;
	s9 =	sadd.s32 $0x34000, s0  }
0x9: {  	s30 =	sadd.s32 $0x82300, s0;
	_ =	strace $0x80000047;
	[dreg:$0x4] =	wrdreg s9  }
0xa: {  	p0 =	seq.s32 s11, $0xF;
	s29 =	ssub.s32 $0x2, s7;
	[dreg:$0x6] =	wrdreg s30  }
0xb: {  	p1 =	sne.s32 s7, $0x0;
	s2 =	sadd.s32 s2, s0;
	s6 =	sadd.s32 s6, s0  }
0xc: {  	s10 =	sshrl.u32 s29, $0x1;
	s8 =	sshrl.u32 s8, $0x2;
	s0 =	sadd.s32 $0x5B100, s0  }
0xd: {  	s9 =	ssub.s32 s29, s10;
	s12 =	sadd.s32 $0x5DA00, s6;
	[dreg:$0x8] =	wrdreg s0  }
0xe: {  	s10 =	sadd.s32 $0x124800, s3;
	s6 =	sadd.s32 $0x36800, s6;
	[dreg:$0x5] =	wrdreg s12  }
.Ltmp0:
0xf: {  	[dreg:$0x7] =	wrdreg s6;
	s31 =	smax.u32 s9, $0x1;
	(pc) =	sbr.rel .LBB2_1-.Ltmp0, $4  }
0x10: {  	s0 =	sshll.u32 @!p0 s11, $0x6;
	s11 =	sshrl.u32 @p0 s10, $0x3;
	[dreg:$0x9] =	wrdreg s31  }
0x11: {  	s8 =	sadd.s32 s8, s3;
	s14 =	sor.u32 @!p0 $0x1C03, s0;
	[dreg:$0xa] =	wrdreg s11  }
0x12: {  	s13 =	sadd.s32 $0x7E00, s2;
	s15 =	sshrl.u32 @!p0 s8, $0x3;
	[dreg:$0xb] =	wrdreg s14  }
0x13: {  	s12 =	sadd.s32 $0x2E00, s2;
	s0 =	simm.s32 $0x0;
	[dreg:$0xc] =	wrdreg s15  }
.LBB2_7:
0x14: {  	s6 =	sadd.s32 s10, s13;
	[sflag:s17] =	ssyncadd.s32 $0xFFFFC180  }
0x15: {  	[tilespmem:s4], [sflag:$0x3] =	stream.linear.gather [hbm4b:s6+s4], $0x800, $0x38;
	[tilespmem:$0x1C880] =	vst v63  }
0x16: {  	_ =	swait.ge [sflag:s17], $0x800  }
0x17: {  	[sflag:s17] =	ssyncset.done $0x0  }
0x18: {  	s11 =	sadd.s32 s10, s12;
	[sflag:s17] =	ssyncadd.s32 $0xFFFFF800  }
0x19: {  	[tilespmem:s18], [sflag:$0x3] =	stream.linear.gather [hbm4b:s11+s4], $0x800, $0x38;
	[tilespmem:$0x1C880] =	vst v63  }
0x1a: {  	_ =	swait.ge [sflag:s17], $0x800  }
0x1b: {  	[sflag:s17] =	ssyncset.done $0x0  }
0x1c: {  	[sflag:s17] =	ssyncadd.s32 $0xFFFFF800  }
0x1d: {  	[tilespmem:s20], [sflag:$0x1] =	stream.indirect.gather [hbm4b:s5+s19], $0x80, s4, s19, $0xb8;
	[tilespmem:$0x1C880] =	vst v63  }
0x1e: {  	_ = 	snop  }
0x1f: {  	[tilespmem:s22], [sflag:$0x2] =	stream.indirect.gather [hbm4b:s5+s19], $0x80, s14, s19, $0xb8;
	[tilespmem:$0x1C880] =	vst v63  }
0x20: {  	_ =	swait.ge [sflag:s23], $0x3E80  }
0x21: {  	[sflag:s23] =	ssyncset.done $0x0  }
0x22: {  	[sflag:s23] =	ssyncadd.s32 $0xFFFFC180  }
0x23: {  	[spmem:s3] =	stream.indirect.scatter.add.f32 [tilespmem:s20], [sflag:$0x3], $0x80, s18, s19, $0xb8;
	[tilespmem:$0x1C880] =	vst v63  }
0x24: {  	_ =	swait.ge [sflag:s17], $0x3E80  }
0x25: {  	[sflag:s17] =	ssyncset.done $0x0  }
0x26: {  	[sflag:s17] =	ssyncadd.s32 $0xFFFFC180  }
0x27: {  	[tilespmem:s20], [sflag:$0x1] =	stream.indirect.gather [hbm4b:s5+s19], $0x80, s15, s19, $0xb8;
	[tilespmem:$0x1C880] =	vst v63  }
0x28: {  	_ =	swait.ge [sflag:s25], $0x3E80  }
0x29: {  	[sflag:s25] =	ssyncset.done $0x0  }
0x2a: {  	[sflag:s25] =	ssyncadd.s32 $0xFFFFC180  }
0x2b: {  	[spmem:s3] =	stream.indirect.scatter.add.f32 [tilespmem:s22], [sflag:$0x3], $0x80, s16, s19, $0xb8;
	[tilespmem:$0x1C880] =	vst v63  }
0x2c: {  	_ =	swait.ge [sflag:s17], $0x3E80  }
0x2d: {  	[sflag:s17] =	ssyncset.done $0x0  }
0x2e: {  	[sflag:s17] =	ssyncadd.s32 $0xFFFFC180  }
0x2f: {  	[tilespmem:s22], [sflag:$0x2] =	stream.indirect.gather [hbm4b:s5+s19], $0x80, s21, s19, $0xb8;
	[tilespmem:$0x1C880] =	vst v63  }
0x30: {  	_ =	swait.ge [sflag:s23], $0x3E80  }
0x31: {  	[sflag:s23] =	ssyncset.done $0x0  }
0x32: {  	[sflag:s23] =	ssyncadd.s32 $0xFFFFC180  }
0x33: {  	[spmem:s3] =	stream.indirect.scatter.add.f32 [tilespmem:s20], [sflag:$0x3], $0x80, s24, s19, $0xb8;
	[tilespmem:$0x1C880] =	vst v63  }
0x34: {  	_ =	swait.ge [sflag:s17], $0x3E80  }
0x35: {  	[sflag:s17] =	ssyncset.done $0x0  }
0x36: {  	[sflag:s17] =	ssyncadd.s32 $0xFFFFC180  }
0x37: {  	[tilespmem:s20], [sflag:$0x1] =	stream.indirect.gather [hbm4b:s5+s19], $0x80, s26, s19, $0xb8;
	[tilespmem:$0x1C880] =	vst v63  }
0x38: {  	_ =	swait.ge [sflag:s25], $0x3E80  }
0x39: {  	[sflag:s25] =	ssyncset.done $0x0  }
0x3a: {  	[sflag:s25] =	ssyncadd.s32 $0xFFFFC180  }
0x3b: {  	[spmem:s3] =	stream.indirect.scatter.add.f32 [tilespmem:s22], [sflag:$0x3], $0x80, s28, s19, $0xb8;
	[tilespmem:$0x1C880] =	vst v63  }
0x3c: {  	_ =	swait.ge [sflag:s17], $0x3E80  }
0x3d: {  	[sflag:s17] =	ssyncset.done $0x0  }
0x3e: {  	[sflag:s17] =	ssyncadd.s32 $0xFFFFC180  }
0x3f: {  	[tilespmem:s22], [sflag:$0x2] =	stream.indirect.gather [hbm4b:s5+s19], $0x80, s29, s19, $0xb8;
	[tilespmem:$0x1C880] =	vst v63  }
0x40: {  	_ =	swait.ge [sflag:s23], $0x3E80  }
0x41: {  	[sflag:s23] =	ssyncset.done $0x0  }
0x42: {  	[sflag:s23] =	ssyncadd.s32 $0xFFFFC180  }
0x43: {  	[spmem:s3] =	stream.indirect.scatter.add.f32 [tilespmem:s20], [sflag:$0x3], $0x80, s30, s19, $0xb8;
	[tilespmem:$0x1C880] =	vst v63  }
0x44: {  	_ =	swait.ge [sflag:s17], $0x3E80  }
0x45: {  	[sflag:s17] =	ssyncset.done $0x0  }
0x46: {  	[sflag:s17] =	ssyncadd.s32 $0xFFFFC180  }
0x47: {  	[tilespmem:s20], [sflag:$0x1] =	stream.indirect.gather [hbm4b:s5+s19], $0x80, s31, s19, $0xb8;
	[tilespmem:$0x1C880] =	vst v63  }
0x48: {  	_ =	swait.ge [sflag:s25], $0x3E80  }
0x49: {  	[sflag:s25] =	ssyncset.done $0x0  }
0x4a: {  	[sflag:s25] =	ssyncadd.s32 $0xFFFFC180  }
0x4b: {  	[spmem:s3] =	stream.indirect.scatter.add.f32 [tilespmem:s22], [sflag:$0x3], $0x80, s0, s19, $0xb8;
	[tilespmem:$0x1C880] =	vst v63  }
0x4c: {  	_ =	swait.ge [sflag:s17], $0x3E80  }
0x4d: {  	[sflag:s17] =	ssyncset.done $0x0  }
0x4e: {  	[sflag:s17] =	ssyncadd.s32 $0xFFFFC180  }
0x4f: {  	[tilespmem:s22], [sflag:$0x2] =	stream.indirect.gather [hbm4b:s5+s19], $0x80, s2, s19, $0xb8;
	[tilespmem:$0x1C880] =	vst v63  }
0x50: {  	_ =	swait.ge [sflag:s23], $0x3E80  }
0x51: {  	[sflag:s23] =	ssyncset.done $0x0  }
0x52: {  	[sflag:s23] =	ssyncadd.s32 $0xFFFFC180  }
0x53: {  	[spmem:s3] =	stream.indirect.scatter.add.f32 [tilespmem:s20], [sflag:$0x3], $0x80, s7, s19, $0xb8;
	[tilespmem:$0x1C880] =	vst v63  }
0x54: {  	_ =	swait.ge [sflag:s17], $0x3E80  }
0x55: {  	[sflag:s17] =	ssyncset.done $0x0  }
0x56: {  	[sflag:s17] =	ssyncadd.s32 $0xFFFFC180  }
0x57: {  	[tilespmem:s20], [sflag:$0x1] =	stream.indirect.gather [hbm4b:s5+s19], $0x80, s8, s19, $0xb8;
	[tilespmem:$0x1C880] =	vst v63  }
0x58: {  	_ =	swait.ge [sflag:s25], $0x3E80  }
0x59: {  	[sflag:s25] =	ssyncset.done $0x0  }
0x5a: {  	[sflag:s25] =	ssyncadd.s32 $0xFFFFC180  }
0x5b: {  	[spmem:s3] =	stream.indirect.scatter.add.f32 [tilespmem:s22], [sflag:$0x3], $0x80, s9, s19, $0xb8;
	[tilespmem:$0x1C880] =	vst v63  }
0x5c: {  	_ =	swait.ge [sflag:s17], $0x3E80  }
0x5d: {  	[sflag:s17] =	ssyncset.done $0x0  }
0x5e: {  	s7 =	simm.s32 $0x480;
	[sflag:s17] =	ssyncadd.s32 $0xFFFFC180  }
0x5f: {  	[tilespmem:s22], [sflag:$0x2] =	stream.indirect.gather [hbm4b:s5+s19], $0x80, s7, s19, $0xb8;
	[tilespmem:$0x1C880] =	vst v63  }
0x60: {  	_ =	swait.ge [sflag:s23], $0x3E80  }
0x61: {  	[sflag:s23] =	ssyncset.done $0x0  }
0x62: {  	s8 =	simm.s32 $0xC00;
	[sflag:s23] =	ssyncadd.s32 $0xFFFFC180  }
0x63: {  	[spmem:s3] =	stream.indirect.scatter.add.f32 [tilespmem:s20], [sflag:$0x3], $0x80, s8, s19, $0xb8;
	[tilespmem:$0x1C880] =	vst v63  }
0x64: {  	_ =	swait.ge [sflag:s17], $0x3E80  }
0x65: {  	[sflag:s17] =	ssyncset.done $0x0  }
0x66: {  	s9 =	simm.s32 $0x500;
	[sflag:s17] =	ssyncadd.s32 $0xFFFFC180  }
0x67: {  	[tilespmem:s20], [sflag:$0x1] =	stream.indirect.gather [hbm4b:s5+s19], $0x80, s9, s19, $0xb8;
	[tilespmem:$0x1C880] =	vst v63  }
0x68: {  	_ =	swait.ge [sflag:s25], $0x3E80  }
0x69: {  	[sflag:s25] =	ssyncset.done $0x0  }
0x6a: {  	s10 =	simm.s32 $0xC80;
	[sflag:s25] =	ssyncadd.s32 $0xFFFFC180  }
0x6b: {  	[spmem:s3] =	stream.indirect.scatter.add.f32 [tilespmem:s22], [sflag:$0x3], $0x80, s10, s19, $0xb8;
	[tilespmem:$0x1C880] =	vst v63  }
0x6c: {  	_ =	swait.ge [sflag:s17], $0x3E80  }
0x6d: {  	[sflag:s17] =	ssyncset.done $0x0  }
0x6e: {  	s11 =	simm.s32 $0x580;
	[sflag:s17] =	ssyncadd.s32 $0xFFFFC180  }
0x6f: {  	[tilespmem:s22], [sflag:$0x2] =	stream.indirect.gather [hbm4b:s5+s19], $0x80, s11, s19, $0xb8;
	[tilespmem:$0x1C880] =	vst v63  }
0x70: {  	_ =	swait.ge [sflag:s23], $0x3E80  }
0x71: {  	[sflag:s23] =	ssyncset.done $0x0  }
0x72: {  	s14 =	simm.s32 $0xD00;
	[sflag:s23] =	ssyncadd.s32 $0xFFFFC180  }
0x73: {  	[spmem:s3] =	stream.indirect.scatter.add.f32 [tilespmem:s20], [sflag:$0x3], $0x80, s14, s19, $0xb8;
	[tilespmem:$0x1C880] =	vst v63  }
0x74: {  	_ =	swait.ge [sflag:s17], $0x3E80  }
0x75: {  	[sflag:s17] =	ssyncset.done $0x0  }
0x76: {  	s15 =	simm.s32 $0x600;
	[sflag:s17] =	ssyncadd.s32 $0xFFFFC180  }
0x77: {  	[tilespmem:s20], [sflag:$0x1] =	stream.indirect.gather [hbm4b:s5+s19], $0x80, s15, s19, $0xb8;
	[tilespmem:$0x1C880] =	vst v63  }
0x78: {  	_ =	swait.ge [sflag:s25], $0x3E80  }
0x79: {  	[sflag:s25] =	ssyncset.done $0x0  }
0x7a: {  	s16 =	simm.s32 $0xD80;
	[sflag:s25] =	ssyncadd.s32 $0xFFFFC180  }
0x7b: {  	[spmem:s3] =	stream.indirect.scatter.add.f32 [tilespmem:s22], [sflag:$0x3], $0x80, s16, s19, $0xb8;
	[tilespmem:$0x1C880] =	vst v63  }
0x7c: {  	_ =	swait.ge [sflag:s17], $0x3E80  }
0x7d: {  	[sflag:s17] =	ssyncset.done $0x0  }
0x7e: {  	s21 =	simm.s32 $0x680;
	[sflag:s17] =	ssyncadd.s32 $0xFFFFC180  }
0x7f: {  	[tilespmem:s22], [sflag:$0x2] =	stream.indirect.gather [hbm4b:s5+s19], $0x80, s21, s19, $0xb8;
	[tilespmem:$0x1C880] =	vst v63  }
0x80: {  	_ =	swait.ge [sflag:s23], $0x3E80  }
0x81: {  	[sflag:s23] =	ssyncset.done $0x0  }
0x82: {  	s24 =	simm.s32 $0xE00;
	[sflag:s23] =	ssyncadd.s32 $0xFFFFC180  }
0x83: {  	[spmem:s3] =	stream.indirect.scatter.add.f32 [tilespmem:s20], [sflag:$0x3], $0x80, s24, s19, $0xb8;
	[tilespmem:$0x1C880] =	vst v63  }
0x84: {  	_ =	swait.ge [sflag:s17], $0x3E80  }
0x85: {  	[sflag:s17] =	ssyncset.done $0x0  }
0x86: {  	s26 =	simm.s32 $0x700;
	[sflag:s17] =	ssyncadd.s32 $0xFFFFC180  }
0x87: {  	[tilespmem:s20], [sflag:$0x1] =	stream.indirect.gather [hbm4b:s5+s19], $0x80, s26, s19, $0xb8;
	[tilespmem:$0x1C880] =	vst v63  }
0x88: {  	_ =	swait.ge [sflag:s25], $0x3E80  }
0x89: {  	[sflag:s25] =	ssyncset.done $0x0  }
0x8a: {  	s28 =	simm.s32 $0xE80;
	[sflag:s25] =	ssyncadd.s32 $0xFFFFC180  }
0x8b: {  	[spmem:s3] =	stream.indirect.scatter.add.f32 [tilespmem:s22], [sflag:$0x3], $0x80, s28, s19, $0xb8;
	[tilespmem:$0x1C880] =	vst v63  }
0x8c: {  	_ =	swait.ge [sflag:s17], $0x3E80  }
0x8d: {  	[sflag:s17] =	ssyncset.done $0x0  }
0x8e: {  	s29 =	simm.s32 $0x780;
	[sflag:s17] =	ssyncadd.s32 $0xFFFFC180  }
0x8f: {  	[tilespmem:s22], [sflag:$0x2] =	stream.indirect.gather [hbm4b:s5+s19], $0x80, s29, s19, $0xb8;
	[tilespmem:$0x1C880] =	vst v63  }
0x90: {  	_ =	swait.ge [sflag:s23], $0x3E80  }
0x91: {  	[sflag:s23] =	ssyncset.done $0x0  }
0x92: {  	s30 =	simm.s32 $0xF00;
	[sflag:s23] =	ssyncadd.s32 $0xFFFFC180  }
0x93: {  	[spmem:s3] =	stream.indirect.scatter.add.f32 [tilespmem:s20], [sflag:$0x3], $0x80, s30, s19, $0xb8;
	[tilespmem:$0x1C880] =	vst v63  }
0x94: {  	_ =	swait.ge [sflag:s17], $0x3E80  }
0x95: {  	[sflag:s17] =	ssyncset.done $0x0  }
0x96: {  	[sflag:s17] =	ssyncadd.s32 $0xFFFFC180  }
0x97: {  	_ =	swait.ge [sflag:s25], $0x3E80  }
0x98: {  	[sflag:s25] =	ssyncset.done $0x0  }
0x99: {  	s31 =	simm.s32 $0xF80;
	[sflag:s25] =	ssyncadd.s32 $0xFFFFC180  }
0x9a: {  	[spmem:s3] =	stream.indirect.scatter.add.f32 [tilespmem:s22], [sflag:$0x3], $0x80, s31, s19, $0xb8;
	[tilespmem:$0x1C880] =	vst v63  }
0x9b: {  	_ =	swait.ge [sflag:s17], $0x3E80  }
0x9c: {  	[sflag:s17] =	ssyncset.done $0x0  }
0x9d: {  	[sflag:s17] =	ssyncadd.s32 $0xFFFFC180  }
0x9e: {  	[bflag:$0x0] =	sbarrier.arrive $0xFFFF  }
0x9f: {  	s10 =	rddreg [dreg:$0x6]  }
0xa0: {  	s6 =	simm.s32 @p0 $0x1FC3;
	s11 =	rddreg [dreg:$0xa]  }
0xa1: {  	[hbm:s10], [sflag:s6] =	dma.local @p0 [spmem:s11], $0x2800  }
0xa2: {  	s6 =	simm.s32 @p0 $0x3  }
0xa3: {  	_ =	swait.ge @p0 [sflag:s6], $0x2800  }
0xa4: {  	s14 =	rddreg [dreg:$0xb]  }
0xa5: {  	[sflag:s6] =	ssyncset.done @p0 $0x0;
	s15 =	rddreg [dreg:$0xc]  }
0xa6: {  	[sflag:s6] =	ssyncadd.s32 @p0 $0xFFFFD800;
	s6 =	rddreg [dreg:$0x5]  }
0xa7: {  	[hbm:s6], [sflag:s14] =	dma.local @!p0 [spmem:s15], $0x2700  }
0xa8: {  	s6 =	simm.s32 @!p0 $0x3  }
0xa9: {  	_ =	swait.ge @!p0 [sflag:s6], $0x2700  }
0xaa: {  	[sflag:s6] =	ssyncset.done @!p0 $0x0  }
0xab: {  	s0 =	rddreg [dreg:$0xd];
	[sflag:s6] =	ssyncadd.s32 @!p0 $0xFFFFD900  }
.LBB2_8:
0xac: {  	s0 =	sadd.s32 $0x1, s0;
	s6 =	rddreg [dreg:$0x9]  }
0xad: {  	p2 =	sne.s32 s0, s6  }
.Ltmp1:
0xae: {  	_ = 	snop;
	(pc) =	sbr.rel @!p2 .LBB2_9-.Ltmp1, $1  }
0xaf: {  	_ =	sdelay $0x3  }
.LBB2_1:
0xb0: {  	[dreg:$0xd] =	wrdreg s0  }
0xb1: {  	s6 =	simm.s32 @p0 $0x1FC3;
	s10 =	rddreg [dreg:$0x4]  }
0xb2: {  	[spmem:s11], [sflag:s6] =	dma.local @p0 [hbm:s10], $0x2800  }
0xb3: {  	s6 =	simm.s32 @p0 $0x3  }
0xb4: {  	_ =	swait.ge @p0 [sflag:s6], $0x2800  }
0xb5: {  	[sflag:s6] =	ssyncset.done @p0 $0x0  }
0xb6: {  	[sflag:s6] =	ssyncadd.s32 @p0 $0xFFFFD800;
	s6 =	simm.s32 @!p0 $0x3  }
0xb7: {  	[spmem:s15], [sflag:s14] =	dma.local @!p0 [hbm:s10], $0x2700  }
.Ltmp2:
0xb8: {  	_ =	swait.ge @!p0 [sflag:s6], $0x2700;
	(pc) =	sbr.rel @p1 .LBB2_5-.Ltmp2, $4  }
0xb9: {  	[sflag:s6] =	ssyncset.done @!p0 $0x0  }
0xba: {  	[sflag:s6] =	ssyncadd.s32 @!p0 $0xFFFFD900  }
0xbb: {  	[bflag:$0x0] =	sbarrier.arrive $0xFFFF  }
0xbc: {  	s6 =	sadd.s32 $0x0, s13  }
0xbd: {  	[tilespmem:s4], [sflag:$0x3] =	stream.linear.gather [hbm4b:s6+s4], $0x800, $0x38;
	[tilespmem:$0x1C880] =	vst v63  }
0xbe: {  	_ =	swait.ge [sflag:s17], $0x800  }
0xbf: {  	[sflag:s17] =	ssyncset.done $0x0  }
0xc0: {  	s8 =	sadd.s32 $0x0, s12;
	[sflag:s17] =	ssyncadd.s32 $0xFFFFF800  }
0xc1: {  	[tilespmem:s18], [sflag:$0x3] =	stream.linear.gather [hbm4b:s8+s4], $0x800, $0x38;
	[tilespmem:$0x1C880] =	vst v63  }
0xc2: {  	_ =	swait.ge [sflag:s17], $0x800  }
0xc3: {  	[sflag:s17] =	ssyncset.done $0x0  }
0xc4: {  	[sflag:s17] =	ssyncadd.s32 $0xFFFFF800  }
0xc5: {  	[tilespmem:s20], [sflag:$0x1] =	stream.indirect.gather [hbm4b:s1+s19], $0x80, s4, s19, $0xb8;
	[tilespmem:$0x1C880] =	vst v63  }
0xc6: {  	s9 =	simm.s32 $0x80  }
0xc7: {  	[tilespmem:s22], [sflag:$0x2] =	stream.indirect.gather [hbm4b:s1+s19], $0x80, s9, s19, $0xb8;
	[tilespmem:$0x1C880] =	vst v63  }
0xc8: {  	_ =	swait.ge [sflag:s23], $0x3E80  }
0xc9: {  	[sflag:s23] =	ssyncset.done $0x0  }
0xca: {  	[sflag:s23] =	ssyncadd.s32 $0xFFFFC180  }
0xcb: {  	[spmem:s3] =	stream.indirect.scatter.add.f32 [tilespmem:s20], [sflag:$0x3], $0x80, s18, s19, $0xb8;
	[tilespmem:$0x1C880] =	vst v63  }
0xcc: {  	_ =	swait.ge [sflag:s17], $0x3E80  }
0xcd: {  	[sflag:s17] =	ssyncset.done $0x0  }
0xce: {  	s10 =	simm.s32 $0x100;
	[sflag:s17] =	ssyncadd.s32 $0xFFFFC180  }
0xcf: {  	[tilespmem:s20], [sflag:$0x1] =	stream.indirect.gather [hbm4b:s1+s19], $0x80, s10, s19, $0xb8;
	[tilespmem:$0x1C880] =	vst v63  }
0xd0: {  	_ =	swait.ge [sflag:s25], $0x3E80  }
0xd1: {  	[sflag:s25] =	ssyncset.done $0x0  }
0xd2: {  	s16 =	simm.s32 $0x880;
	[sflag:s25] =	ssyncadd.s32 $0xFFFFC180  }
0xd3: {  	[spmem:s3] =	stream.indirect.scatter.add.f32 [tilespmem:s22], [sflag:$0x3], $0x80, s16, s19, $0xb8;
	[tilespmem:$0x1C880] =	vst v63  }
0xd4: {  	_ =	swait.ge [sflag:s17], $0x3E80  }
0xd5: {  	[sflag:s17] =	ssyncset.done $0x0  }
0xd6: {  	s21 =	simm.s32 $0x180;
	[sflag:s17] =	ssyncadd.s32 $0xFFFFC180  }
0xd7: {  	[tilespmem:s22], [sflag:$0x2] =	stream.indirect.gather [hbm4b:s1+s19], $0x80, s21, s19, $0xb8;
	[tilespmem:$0x1C880] =	vst v63  }
0xd8: {  	_ =	swait.ge [sflag:s23], $0x3E80  }
0xd9: {  	[sflag:s23] =	ssyncset.done $0x0  }
0xda: {  	s24 =	simm.s32 $0x900;
	[sflag:s23] =	ssyncadd.s32 $0xFFFFC180  }
0xdb: {  	[spmem:s3] =	stream.indirect.scatter.add.f32 [tilespmem:s20], [sflag:$0x3], $0x80, s24, s19, $0xb8;
	[tilespmem:$0x1C880] =	vst v63  }
0xdc: {  	_ =	swait.ge [sflag:s17], $0x3E80  }
0xdd: {  	[sflag:s17] =	ssyncset.done $0x0  }
0xde: {  	s26 =	simm.s32 $0x200;
	[sflag:s17] =	ssyncadd.s32 $0xFFFFC180  }
0xdf: {  	[tilespmem:s20], [sflag:$0x1] =	stream.indirect.gather [hbm4b:s1+s19], $0x80, s26, s19, $0xb8;
	[tilespmem:$0x1C880] =	vst v63  }
0xe0: {  	_ =	swait.ge [sflag:s25], $0x3E80  }
0xe1: {  	[sflag:s25] =	ssyncset.done $0x0  }
0xe2: {  	s28 =	simm.s32 $0x980;
	[sflag:s25] =	ssyncadd.s32 $0xFFFFC180  }
0xe3: {  	[spmem:s3] =	stream.indirect.scatter.add.f32 [tilespmem:s22], [sflag:$0x3], $0x80, s28, s19, $0xb8;
	[tilespmem:$0x1C880] =	vst v63  }
0xe4: {  	_ =	swait.ge [sflag:s17], $0x3E80  }
0xe5: {  	[sflag:s17] =	ssyncset.done $0x0  }
0xe6: {  	s29 =	simm.s32 $0x280;
	[sflag:s17] =	ssyncadd.s32 $0xFFFFC180  }
0xe7: {  	[tilespmem:s22], [sflag:$0x2] =	stream.indirect.gather [hbm4b:s1+s19], $0x80, s29, s19, $0xb8;
	[tilespmem:$0x1C880] =	vst v63  }
0xe8: {  	_ =	swait.ge [sflag:s23], $0x3E80  }
0xe9: {  	[sflag:s23] =	ssyncset.done $0x0  }
0xea: {  	s30 =	simm.s32 $0xA00;
	[sflag:s23] =	ssyncadd.s32 $0xFFFFC180  }
0xeb: {  	[spmem:s3] =	stream.indirect.scatter.add.f32 [tilespmem:s20], [sflag:$0x3], $0x80, s30, s19, $0xb8;
	[tilespmem:$0x1C880] =	vst v63  }
0xec: {  	_ =	swait.ge [sflag:s17], $0x3E80  }
0xed: {  	[sflag:s17] =	ssyncset.done $0x0  }
0xee: {  	s31 =	simm.s32 $0x300;
	[sflag:s17] =	ssyncadd.s32 $0xFFFFC180  }
0xef: {  	[tilespmem:s20], [sflag:$0x1] =	stream.indirect.gather [hbm4b:s1+s19], $0x80, s31, s19, $0xb8;
	[tilespmem:$0x1C880] =	vst v63  }
0xf0: {  	_ =	swait.ge [sflag:s25], $0x3E80  }
0xf1: {  	[sflag:s25] =	ssyncset.done $0x0  }
0xf2: {  	s0 =	simm.s32 $0xA80;
	[sflag:s25] =	ssyncadd.s32 $0xFFFFC180  }
0xf3: {  	[spmem:s3] =	stream.indirect.scatter.add.f32 [tilespmem:s22], [sflag:$0x3], $0x80, s0, s19, $0xb8;
	[tilespmem:$0x1C880] =	vst v63  }
0xf4: {  	_ =	swait.ge [sflag:s17], $0x3E80  }
0xf5: {  	[sflag:s17] =	ssyncset.done $0x0  }
0xf6: {  	s2 =	simm.s32 $0x380;
	[sflag:s17] =	ssyncadd.s32 $0xFFFFC180  }
0xf7: {  	[tilespmem:s22], [sflag:$0x2] =	stream.indirect.gather [hbm4b:s1+s19], $0x80, s2, s19, $0xb8;
	[tilespmem:$0x1C880] =	vst v63  }
0xf8: {  	_ =	swait.ge [sflag:s23], $0x3E80  }
0xf9: {  	[sflag:s23] =	ssyncset.done $0x0  }
0xfa: {  	s7 =	simm.s32 $0xB00;
	[sflag:s23] =	ssyncadd.s32 $0xFFFFC180  }
0xfb: {  	[spmem:s3] =	stream.indirect.scatter.add.f32 [tilespmem:s20], [sflag:$0x3], $0x80, s7, s19, $0xb8;
	[tilespmem:$0x1C880] =	vst v63  }
0xfc: {  	_ =	swait.ge [sflag:s17], $0x3E80  }
0xfd: {  	[sflag:s17] =	ssyncset.done $0x0  }
0xfe: {  	s8 =	simm.s32 $0x400;
	[sflag:s17] =	ssyncadd.s32 $0xFFFFC180  }
0xff: {  	[tilespmem:s20], [sflag:$0x1] =	stream.indirect.gather [hbm4b:s1+s19], $0x80, s8, s19, $0xb8;
	[tilespmem:$0x1C880] =	vst v63  }
0x100: {  	_ =	swait.ge [sflag:s25], $0x3E80  }
0x101: {  	[sflag:s25] =	ssyncset.done $0x0  }
0x102: {  	s9 =	simm.s32 $0xB80;
	[sflag:s25] =	ssyncadd.s32 $0xFFFFC180  }
0x103: {  	[spmem:s3] =	stream.indirect.scatter.add.f32 [tilespmem:s22], [sflag:$0x3], $0x80, s9, s19, $0xb8;
	[tilespmem:$0x1C880] =	vst v63  }
0x104: {  	_ =	swait.ge [sflag:s17], $0x3E80  }
0x105: {  	[sflag:s17] =	ssyncset.done $0x0  }
0x106: {  	s11 =	simm.s32 $0x480;
	[sflag:s17] =	ssyncadd.s32 $0xFFFFC180  }
0x107: {  	[tilespmem:s22], [sflag:$0x2] =	stream.indirect.gather [hbm4b:s1+s19], $0x80, s11, s19, $0xb8;
	[tilespmem:$0x1C880] =	vst v63  }
0x108: {  	_ =	swait.ge [sflag:s23], $0x3E80  }
0x109: {  	[sflag:s23] =	ssyncset.done $0x0  }
0x10a: {  	s14 =	simm.s32 $0xC00;
	[sflag:s23] =	ssyncadd.s32 $0xFFFFC180  }
0x10b: {  	[spmem:s3] =	stream.indirect.scatter.add.f32 [tilespmem:s20], [sflag:$0x3], $0x80, s14, s19, $0xb8;
	[tilespmem:$0x1C880] =	vst v63  }
0x10c: {  	_ =	swait.ge [sflag:s17], $0x3E80  }
0x10d: {  	[sflag:s17] =	ssyncset.done $0x0  }
0x10e: {  	s15 =	simm.s32 $0x500;
	[sflag:s17] =	ssyncadd.s32 $0xFFFFC180  }
0x10f: {  	[tilespmem:s20], [sflag:$0x1] =	stream.indirect.gather [hbm4b:s1+s19], $0x80, s15, s19, $0xb8;
	[tilespmem:$0x1C880] =	vst v63  }
0x110: {  	_ =	swait.ge [sflag:s25], $0x3E80  }
0x111: {  	[sflag:s25] =	ssyncset.done $0x0  }
0x112: {  	s10 =	simm.s32 $0xC80;
	[sflag:s25] =	ssyncadd.s32 $0xFFFFC180  }
0x113: {  	[spmem:s3] =	stream.indirect.scatter.add.f32 [tilespmem:s22], [sflag:$0x3], $0x80, s10, s19, $0xb8;
	[tilespmem:$0x1C880] =	vst v63  }
0x114: {  	_ =	swait.ge [sflag:s17], $0x3E80  }
0x115: {  	[sflag:s17] =	ssyncset.done $0x0  }
0x116: {  	s11 =	simm.s32 $0x580;
	[sflag:s17] =	ssyncadd.s32 $0xFFFFC180  }
0x117: {  	[tilespmem:s22], [sflag:$0x2] =	stream.indirect.gather [hbm4b:s1+s19], $0x80, s11, s19, $0xb8;
	[tilespmem:$0x1C880] =	vst v63  }
0x118: {  	_ =	swait.ge [sflag:s23], $0x3E80  }
0x119: {  	[sflag:s23] =	ssyncset.done $0x0  }
0x11a: {  	s14 =	simm.s32 $0xD00;
	[sflag:s23] =	ssyncadd.s32 $0xFFFFC180  }
0x11b: {  	[spmem:s3] =	stream.indirect.scatter.add.f32 [tilespmem:s20], [sflag:$0x3], $0x80, s14, s19, $0xb8;
	[tilespmem:$0x1C880] =	vst v63  }
0x11c: {  	_ =	swait.ge [sflag:s17], $0x3E80  }
0x11d: {  	[sflag:s17] =	ssyncset.done $0x0  }
0x11e: {  	s15 =	simm.s32 $0x600;
	[sflag:s17] =	ssyncadd.s32 $0xFFFFC180  }
0x11f: {  	[tilespmem:s20], [sflag:$0x1] =	stream.indirect.gather [hbm4b:s1+s19], $0x80, s15, s19, $0xb8;
	[tilespmem:$0x1C880] =	vst v63  }
0x120: {  	_ =	swait.ge [sflag:s25], $0x3E80  }
0x121: {  	[sflag:s25] =	ssyncset.done $0x0  }
0x122: {  	s10 =	simm.s32 $0xD80;
	[sflag:s25] =	ssyncadd.s32 $0xFFFFC180  }
0x123: {  	[spmem:s3] =	stream.indirect.scatter.add.f32 [tilespmem:s22], [sflag:$0x3], $0x80, s10, s19, $0xb8;
	[tilespmem:$0x1C880] =	vst v63  }
0x124: {  	_ =	swait.ge [sflag:s17], $0x3E80  }
0x125: {  	[sflag:s17] =	ssyncset.done $0x0  }
0x126: {  	s11 =	simm.s32 $0x680;
	[sflag:s17] =	ssyncadd.s32 $0xFFFFC180  }
0x127: {  	[tilespmem:s22], [sflag:$0x2] =	stream.indirect.gather [hbm4b:s1+s19], $0x80, s11, s19, $0xb8;
	[tilespmem:$0x1C880] =	vst v63  }
0x128: {  	_ =	swait.ge [sflag:s23], $0x3E80  }
0x129: {  	[sflag:s23] =	ssyncset.done $0x0  }
0x12a: {  	s14 =	simm.s32 $0xE00;
	[sflag:s23] =	ssyncadd.s32 $0xFFFFC180  }
0x12b: {  	[spmem:s3] =	stream.indirect.scatter.add.f32 [tilespmem:s20], [sflag:$0x3], $0x80, s14, s19, $0xb8;
	[tilespmem:$0x1C880] =	vst v63  }
0x12c: {  	_ =	swait.ge [sflag:s17], $0x3E80  }
0x12d: {  	[sflag:s17] =	ssyncset.done $0x0  }
0x12e: {  	s15 =	simm.s32 $0x700;
	[sflag:s17] =	ssyncadd.s32 $0xFFFFC180  }
0x12f: {  	[tilespmem:s20], [sflag:$0x1] =	stream.indirect.gather [hbm4b:s1+s19], $0x80, s15, s19, $0xb8;
	[tilespmem:$0x1C880] =	vst v63  }
0x130: {  	_ =	swait.ge [sflag:s25], $0x3E80  }
0x131: {  	[sflag:s25] =	ssyncset.done $0x0  }
0x132: {  	s10 =	simm.s32 $0xE80;
	[sflag:s25] =	ssyncadd.s32 $0xFFFFC180  }
0x133: {  	[spmem:s3] =	stream.indirect.scatter.add.f32 [tilespmem:s22], [sflag:$0x3], $0x80, s10, s19, $0xb8;
	[tilespmem:$0x1C880] =	vst v63  }
0x134: {  	_ =	swait.ge [sflag:s17], $0x3E80  }
0x135: {  	[sflag:s17] =	ssyncset.done $0x0  }
0x136: {  	s11 =	simm.s32 $0x780;
	[sflag:s17] =	ssyncadd.s32 $0xFFFFC180  }
0x137: {  	[tilespmem:s22], [sflag:$0x2] =	stream.indirect.gather [hbm4b:s1+s19], $0x80, s11, s19, $0xb8;
	[tilespmem:$0x1C880] =	vst v63  }
0x138: {  	_ =	swait.ge [sflag:s23], $0x3E80  }
0x139: {  	[sflag:s23] =	ssyncset.done $0x0  }
0x13a: {  	s14 =	simm.s32 $0xF00;
	[sflag:s23] =	ssyncadd.s32 $0xFFFFC180  }
0x13b: {  	[spmem:s3] =	stream.indirect.scatter.add.f32 [tilespmem:s20], [sflag:$0x3], $0x80, s14, s19, $0xb8;
	[tilespmem:$0x1C880] =	vst v63  }
0x13c: {  	_ =	swait.ge [sflag:s17], $0x3E80  }
0x13d: {  	[sflag:s17] =	ssyncset.done $0x0  }
0x13e: {  	[sflag:s17] =	ssyncadd.s32 $0xFFFFC180  }
0x13f: {  	_ =	swait.ge [sflag:s25], $0x3E80  }
0x140: {  	[sflag:s25] =	ssyncset.done $0x0  }
0x141: {  	s15 =	simm.s32 $0xF80;
	[sflag:s25] =	ssyncadd.s32 $0xFFFFC180  }
0x142: {  	[spmem:s3] =	stream.indirect.scatter.add.f32 [tilespmem:s22], [sflag:$0x3], $0x80, s15, s19, $0xb8;
	[tilespmem:$0x1C880] =	vst v63  }
0x143: {  	_ =	swait.ge [sflag:s17], $0x3E80  }
0x144: {  	s10 =	simm.s32 $0x100;
	s11 =	simm.s32 $0x200;
	[sflag:s17] =	ssyncset.done $0x0  }
.LBB2_3:
0x145: {  	s14 =	sadd.s32 s10, s13  }
0x146: {  	[sflag:s17] =	ssyncadd.s32 $0xFFFFC180;
	s15 =	smov.u32 s11;
	s6 =	sadd.s32 $0x100, s11  }
0x147: {  	[tilespmem:s4], [sflag:$0x3] =	stream.linear.gather [hbm4b:s14+s4], $0x800, $0x38;
	[tilespmem:$0x1C880] =	vst v63  }
0x148: {  	s14 =	simm.s32 $0x80  }
0x149: {  	p2 =	sne.s32 s11, $0x400;
	_ =	swait.ge [sflag:s17], $0x800  }
0x14a: {  	s11 =	sadd.s32 s10, s12;
	[sflag:s17] =	ssyncset.done $0x0  }
0x14b: {  	s10 =	smov.u32 s15;
	s15 =	simm.s32 $0x100;
	[sflag:s17] =	ssyncadd.s32 $0xFFFFF800  }
0x14c: {  	[tilespmem:s18], [sflag:$0x3] =	stream.linear.gather [hbm4b:s11+s4], $0x800, $0x38;
	[tilespmem:$0x1C880] =	vst v63  }
0x14d: {  	_ =	swait.ge [sflag:s17], $0x800  }
0x14e: {  	[sflag:s17] =	ssyncset.done $0x0  }
0x14f: {  	[sflag:s17] =	ssyncadd.s32 $0xFFFFF800  }
0x150: {  	[tilespmem:s20], [sflag:$0x1] =	stream.indirect.gather [hbm4b:s1+s19], $0x80, s4, s19, $0xb8;
	[tilespmem:$0x1C880] =	vst v63  }
0x151: {  	_ = 	snop  }
0x152: {  	[tilespmem:s22], [sflag:$0x2] =	stream.indirect.gather [hbm4b:s1+s19], $0x80, s14, s19, $0xb8;
	[tilespmem:$0x1C880] =	vst v63  }
0x153: {  	_ =	swait.ge [sflag:s23], $0x3E80  }
0x154: {  	[sflag:s23] =	ssyncset.done $0x0  }
0x155: {  	[sflag:s23] =	ssyncadd.s32 $0xFFFFC180  }
0x156: {  	[spmem:s3] =	stream.indirect.scatter.add.f32 [tilespmem:s20], [sflag:$0x3], $0x80, s18, s19, $0xb8;
	[tilespmem:$0x1C880] =	vst v63  }
0x157: {  	_ =	swait.ge [sflag:s17], $0x3E80  }
0x158: {  	[sflag:s17] =	ssyncset.done $0x0  }
0x159: {  	[sflag:s17] =	ssyncadd.s32 $0xFFFFC180  }
0x15a: {  	[tilespmem:s20], [sflag:$0x1] =	stream.indirect.gather [hbm4b:s1+s19], $0x80, s15, s19, $0xb8;
	[tilespmem:$0x1C880] =	vst v63  }
0x15b: {  	_ =	swait.ge [sflag:s25], $0x3E80  }
0x15c: {  	[sflag:s25] =	ssyncset.done $0x0  }
0x15d: {  	[sflag:s25] =	ssyncadd.s32 $0xFFFFC180  }
0x15e: {  	[spmem:s3] =	stream.indirect.scatter.add.f32 [tilespmem:s22], [sflag:$0x3], $0x80, s16, s19, $0xb8;
	[tilespmem:$0x1C880] =	vst v63  }
0x15f: {  	_ =	swait.ge [sflag:s17], $0x3E80  }
0x160: {  	[sflag:s17] =	ssyncset.done $0x0  }
0x161: {  	[sflag:s17] =	ssyncadd.s32 $0xFFFFC180  }
0x162: {  	[tilespmem:s22], [sflag:$0x2] =	stream.indirect.gather [hbm4b:s1+s19], $0x80, s21, s19, $0xb8;
	[tilespmem:$0x1C880] =	vst v63  }
0x163: {  	_ =	swait.ge [sflag:s23], $0x3E80  }
0x164: {  	[sflag:s23] =	ssyncset.done $0x0  }
0x165: {  	[sflag:s23] =	ssyncadd.s32 $0xFFFFC180  }
0x166: {  	[spmem:s3] =	stream.indirect.scatter.add.f32 [tilespmem:s20], [sflag:$0x3], $0x80, s24, s19, $0xb8;
	[tilespmem:$0x1C880] =	vst v63  }
0x167: {  	_ =	swait.ge [sflag:s17], $0x3E80  }
0x168: {  	[sflag:s17] =	ssyncset.done $0x0  }
0x169: {  	[sflag:s17] =	ssyncadd.s32 $0xFFFFC180  }
0x16a: {  	[tilespmem:s20], [sflag:$0x1] =	stream.indirect.gather [hbm4b:s1+s19], $0x80, s26, s19, $0xb8;
	[tilespmem:$0x1C880] =	vst v63  }
0x16b: {  	_ =	swait.ge [sflag:s25], $0x3E80  }
0x16c: {  	[sflag:s25] =	ssyncset.done $0x0  }
0x16d: {  	[sflag:s25] =	ssyncadd.s32 $0xFFFFC180  }
0x16e: {  	[spmem:s3] =	stream.indirect.scatter.add.f32 [tilespmem:s22], [sflag:$0x3], $0x80, s28, s19, $0xb8;
	[tilespmem:$0x1C880] =	vst v63  }
0x16f: {  	_ =	swait.ge [sflag:s17], $0x3E80  }
0x170: {  	[sflag:s17] =	ssyncset.done $0x0  }
0x171: {  	[sflag:s17] =	ssyncadd.s32 $0xFFFFC180  }
0x172: {  	[tilespmem:s22], [sflag:$0x2] =	stream.indirect.gather [hbm4b:s1+s19], $0x80, s29, s19, $0xb8;
	[tilespmem:$0x1C880] =	vst v63  }
0x173: {  	_ =	swait.ge [sflag:s23], $0x3E80  }
0x174: {  	[sflag:s23] =	ssyncset.done $0x0  }
0x175: {  	[sflag:s23] =	ssyncadd.s32 $0xFFFFC180  }
0x176: {  	[spmem:s3] =	stream.indirect.scatter.add.f32 [tilespmem:s20], [sflag:$0x3], $0x80, s30, s19, $0xb8;
	[tilespmem:$0x1C880] =	vst v63  }
0x177: {  	_ =	swait.ge [sflag:s17], $0x3E80  }
0x178: {  	[sflag:s17] =	ssyncset.done $0x0  }
0x179: {  	[sflag:s17] =	ssyncadd.s32 $0xFFFFC180  }
0x17a: {  	[tilespmem:s20], [sflag:$0x1] =	stream.indirect.gather [hbm4b:s1+s19], $0x80, s31, s19, $0xb8;
	[tilespmem:$0x1C880] =	vst v63  }
0x17b: {  	_ =	swait.ge [sflag:s25], $0x3E80  }
0x17c: {  	[sflag:s25] =	ssyncset.done $0x0  }
0x17d: {  	[sflag:s25] =	ssyncadd.s32 $0xFFFFC180  }
0x17e: {  	[spmem:s3] =	stream.indirect.scatter.add.f32 [tilespmem:s22], [sflag:$0x3], $0x80, s0, s19, $0xb8;
	[tilespmem:$0x1C880] =	vst v63  }
0x17f: {  	_ =	swait.ge [sflag:s17], $0x3E80  }
0x180: {  	[sflag:s17] =	ssyncset.done $0x0  }
0x181: {  	[sflag:s17] =	ssyncadd.s32 $0xFFFFC180  }
0x182: {  	[tilespmem:s22], [sflag:$0x2] =	stream.indirect.gather [hbm4b:s1+s19], $0x80, s2, s19, $0xb8;
	[tilespmem:$0x1C880] =	vst v63  }
0x183: {  	_ =	swait.ge [sflag:s23], $0x3E80  }
0x184: {  	[sflag:s23] =	ssyncset.done $0x0  }
0x185: {  	[sflag:s23] =	ssyncadd.s32 $0xFFFFC180  }
0x186: {  	[spmem:s3] =	stream.indirect.scatter.add.f32 [tilespmem:s20], [sflag:$0x3], $0x80, s7, s19, $0xb8;
	[tilespmem:$0x1C880] =	vst v63  }
0x187: {  	_ =	swait.ge [sflag:s17], $0x3E80  }
0x188: {  	[sflag:s17] =	ssyncset.done $0x0  }
0x189: {  	[sflag:s17] =	ssyncadd.s32 $0xFFFFC180  }
0x18a: {  	[tilespmem:s20], [sflag:$0x1] =	stream.indirect.gather [hbm4b:s1+s19], $0x80, s8, s19, $0xb8;
	[tilespmem:$0x1C880] =	vst v63  }
0x18b: {  	_ =	swait.ge [sflag:s25], $0x3E80  }
0x18c: {  	[sflag:s25] =	ssyncset.done $0x0  }
0x18d: {  	[sflag:s25] =	ssyncadd.s32 $0xFFFFC180  }
0x18e: {  	[spmem:s3] =	stream.indirect.scatter.add.f32 [tilespmem:s22], [sflag:$0x3], $0x80, s9, s19, $0xb8;
	[tilespmem:$0x1C880] =	vst v63  }
0x18f: {  	_ =	swait.ge [sflag:s17], $0x3E80  }
0x190: {  	[sflag:s17] =	ssyncset.done $0x0  }
0x191: {  	s11 =	simm.s32 $0x480;
	[sflag:s17] =	ssyncadd.s32 $0xFFFFC180  }
0x192: {  	[tilespmem:s22], [sflag:$0x2] =	stream.indirect.gather [hbm4b:s1+s19], $0x80, s11, s19, $0xb8;
	[tilespmem:$0x1C880] =	vst v63  }
0x193: {  	_ =	swait.ge [sflag:s23], $0x3E80  }
0x194: {  	[sflag:s23] =	ssyncset.done $0x0  }
0x195: {  	s11 =	simm.s32 $0xC00;
	[sflag:s23] =	ssyncadd.s32 $0xFFFFC180  }
0x196: {  	[spmem:s3] =	stream.indirect.scatter.add.f32 [tilespmem:s20], [sflag:$0x3], $0x80, s11, s19, $0xb8;
	[tilespmem:$0x1C880] =	vst v63  }
0x197: {  	_ =	swait.ge [sflag:s17], $0x3E80  }
0x198: {  	[sflag:s17] =	ssyncset.done $0x0  }
0x199: {  	s11 =	simm.s32 $0x500;
	[sflag:s17] =	ssyncadd.s32 $0xFFFFC180  }
0x19a: {  	[tilespmem:s20], [sflag:$0x1] =	stream.indirect.gather [hbm4b:s1+s19], $0x80, s11, s19, $0xb8;
	[tilespmem:$0x1C880] =	vst v63  }
0x19b: {  	_ =	swait.ge [sflag:s25], $0x3E80  }
0x19c: {  	[sflag:s25] =	ssyncset.done $0x0  }
0x19d: {  	s11 =	simm.s32 $0xC80;
	[sflag:s25] =	ssyncadd.s32 $0xFFFFC180  }
0x19e: {  	[spmem:s3] =	stream.indirect.scatter.add.f32 [tilespmem:s22], [sflag:$0x3], $0x80, s11, s19, $0xb8;
	[tilespmem:$0x1C880] =	vst v63  }
0x19f: {  	_ =	swait.ge [sflag:s17], $0x3E80  }
0x1a0: {  	[sflag:s17] =	ssyncset.done $0x0  }
0x1a1: {  	s11 =	simm.s32 $0x580;
	[sflag:s17] =	ssyncadd.s32 $0xFFFFC180  }
0x1a2: {  	[tilespmem:s22], [sflag:$0x2] =	stream.indirect.gather [hbm4b:s1+s19], $0x80, s11, s19, $0xb8;
	[tilespmem:$0x1C880] =	vst v63  }
0x1a3: {  	_ =	swait.ge [sflag:s23], $0x3E80  }
0x1a4: {  	[sflag:s23] =	ssyncset.done $0x0  }
0x1a5: {  	s11 =	simm.s32 $0xD00;
	[sflag:s23] =	ssyncadd.s32 $0xFFFFC180  }
0x1a6: {  	[spmem:s3] =	stream.indirect.scatter.add.f32 [tilespmem:s20], [sflag:$0x3], $0x80, s11, s19, $0xb8;
	[tilespmem:$0x1C880] =	vst v63  }
0x1a7: {  	_ =	swait.ge [sflag:s17], $0x3E80  }
0x1a8: {  	[sflag:s17] =	ssyncset.done $0x0  }
0x1a9: {  	s11 =	simm.s32 $0x600;
	[sflag:s17] =	ssyncadd.s32 $0xFFFFC180  }
0x1aa: {  	[tilespmem:s20], [sflag:$0x1] =	stream.indirect.gather [hbm4b:s1+s19], $0x80, s11, s19, $0xb8;
	[tilespmem:$0x1C880] =	vst v63  }
0x1ab: {  	_ =	swait.ge [sflag:s25], $0x3E80  }
0x1ac: {  	[sflag:s25] =	ssyncset.done $0x0  }
0x1ad: {  	s11 =	simm.s32 $0xD80;
	[sflag:s25] =	ssyncadd.s32 $0xFFFFC180  }
0x1ae: {  	[spmem:s3] =	stream.indirect.scatter.add.f32 [tilespmem:s22], [sflag:$0x3], $0x80, s11, s19, $0xb8;
	[tilespmem:$0x1C880] =	vst v63  }
0x1af: {  	_ =	swait.ge [sflag:s17], $0x3E80  }
0x1b0: {  	[sflag:s17] =	ssyncset.done $0x0  }
0x1b1: {  	s11 =	simm.s32 $0x680;
	[sflag:s17] =	ssyncadd.s32 $0xFFFFC180  }
0x1b2: {  	[tilespmem:s22], [sflag:$0x2] =	stream.indirect.gather [hbm4b:s1+s19], $0x80, s11, s19, $0xb8;
	[tilespmem:$0x1C880] =	vst v63  }
0x1b3: {  	_ =	swait.ge [sflag:s23], $0x3E80  }
0x1b4: {  	[sflag:s23] =	ssyncset.done $0x0  }
0x1b5: {  	s11 =	simm.s32 $0xE00;
	[sflag:s23] =	ssyncadd.s32 $0xFFFFC180  }
0x1b6: {  	[spmem:s3] =	stream.indirect.scatter.add.f32 [tilespmem:s20], [sflag:$0x3], $0x80, s11, s19, $0xb8;
	[tilespmem:$0x1C880] =	vst v63  }
0x1b7: {  	_ =	swait.ge [sflag:s17], $0x3E80  }
0x1b8: {  	[sflag:s17] =	ssyncset.done $0x0  }
0x1b9: {  	s11 =	simm.s32 $0x700;
	[sflag:s17] =	ssyncadd.s32 $0xFFFFC180  }
0x1ba: {  	[tilespmem:s20], [sflag:$0x1] =	stream.indirect.gather [hbm4b:s1+s19], $0x80, s11, s19, $0xb8;
	[tilespmem:$0x1C880] =	vst v63  }
0x1bb: {  	_ =	swait.ge [sflag:s25], $0x3E80  }
0x1bc: {  	[sflag:s25] =	ssyncset.done $0x0  }
0x1bd: {  	s11 =	simm.s32 $0xE80;
	[sflag:s25] =	ssyncadd.s32 $0xFFFFC180  }
0x1be: {  	[spmem:s3] =	stream.indirect.scatter.add.f32 [tilespmem:s22], [sflag:$0x3], $0x80, s11, s19, $0xb8;
	[tilespmem:$0x1C880] =	vst v63  }
0x1bf: {  	_ =	swait.ge [sflag:s17], $0x3E80  }
0x1c0: {  	[sflag:s17] =	ssyncset.done $0x0  }
0x1c1: {  	s11 =	simm.s32 $0x780;
	[sflag:s17] =	ssyncadd.s32 $0xFFFFC180  }
0x1c2: {  	[tilespmem:s22], [sflag:$0x2] =	stream.indirect.gather [hbm4b:s1+s19], $0x80, s11, s19, $0xb8;
	[tilespmem:$0x1C880] =	vst v63  }
0x1c3: {  	_ =	swait.ge [sflag:s23], $0x3E80  }
0x1c4: {  	[sflag:s23] =	ssyncset.done $0x0  }
0x1c5: {  	s11 =	simm.s32 $0xF00;
	[sflag:s23] =	ssyncadd.s32 $0xFFFFC180  }
0x1c6: {  	[spmem:s3] =	stream.indirect.scatter.add.f32 [tilespmem:s20], [sflag:$0x3], $0x80, s11, s19, $0xb8;
	[tilespmem:$0x1C880] =	vst v63  }
0x1c7: {  	_ =	swait.ge [sflag:s17], $0x3E80  }
0x1c8: {  	[sflag:s17] =	ssyncset.done $0x0  }
0x1c9: {  	[sflag:s17] =	ssyncadd.s32 $0xFFFFC180  }
0x1ca: {  	_ =	swait.ge [sflag:s25], $0x3E80  }
.Ltmp3:
0x1cb: {  	[sflag:s25] =	ssyncset.done $0x0;
	(pc) =	sbr.rel @p2 .LBB2_3-.Ltmp3, $4  }
0x1cc: {  	s11 =	simm.s32 $0xF80;
	[sflag:s25] =	ssyncadd.s32 $0xFFFFC180  }
0x1cd: {  	[spmem:s3] =	stream.indirect.scatter.add.f32 [tilespmem:s22], [sflag:$0x3], $0x80, s11, s19, $0xb8;
	[tilespmem:$0x1C880] =	vst v63  }
0x1ce: {  	_ =	swait.ge [sflag:s17], $0x3E80  }
0x1cf: {  	s11 =	smov.u32 s6;
	[sflag:s17] =	ssyncset.done $0x0  }
0x1d0: {  	s6 =	sadd.s32 s10, s13;
	[sflag:s17] =	ssyncadd.s32 $0xFFFFC180  }
0x1d1: {  	[tilespmem:s4], [sflag:$0x3] =	stream.linear.gather [hbm4b:s6+s4], $0x800, $0x38;
	[tilespmem:$0x1C880] =	vst v63  }
0x1d2: {  	_ =	swait.ge [sflag:s17], $0x800  }
0x1d3: {  	[sflag:s17] =	ssyncset.done $0x0  }
0x1d4: {  	s11 =	sadd.s32 s10, s12;
	[sflag:s17] =	ssyncadd.s32 $0xFFFFF800  }
0x1d5: {  	[tilespmem:s18], [sflag:$0x3] =	stream.linear.gather [hbm4b:s11+s4], $0x800, $0x38;
	[tilespmem:$0x1C880] =	vst v63  }
0x1d6: {  	_ =	swait.ge [sflag:s17], $0x800  }
0x1d7: {  	[sflag:s17] =	ssyncset.done $0x0  }
0x1d8: {  	[sflag:s17] =	ssyncadd.s32 $0xFFFFF800  }
0x1d9: {  	[tilespmem:s20], [sflag:$0x1] =	stream.indirect.gather [hbm4b:s1+s19], $0x80, s4, s19, $0xb8;
	[tilespmem:$0x1C880] =	vst v63  }
0x1da: {  	_ = 	snop  }
0x1db: {  	[tilespmem:s22], [sflag:$0x2] =	stream.indirect.gather [hbm4b:s1+s19], $0x80, s14, s19, $0xb8;
	[tilespmem:$0x1C880] =	vst v63  }
0x1dc: {  	_ =	swait.ge [sflag:s23], $0x3E80  }
0x1dd: {  	[sflag:s23] =	ssyncset.done $0x0  }
0x1de: {  	[sflag:s23] =	ssyncadd.s32 $0xFFFFC180  }
0x1df: {  	[spmem:s3] =	stream.indirect.scatter.add.f32 [tilespmem:s20], [sflag:$0x3], $0x80, s18, s19, $0xb8;
	[tilespmem:$0x1C880] =	vst v63  }
0x1e0: {  	_ =	swait.ge [sflag:s17], $0x3E80  }
0x1e1: {  	[sflag:s17] =	ssyncset.done $0x0  }
0x1e2: {  	[sflag:s17] =	ssyncadd.s32 $0xFFFFC180  }
0x1e3: {  	[tilespmem:s20], [sflag:$0x1] =	stream.indirect.gather [hbm4b:s1+s19], $0x80, s15, s19, $0xb8;
	[tilespmem:$0x1C880] =	vst v63  }
0x1e4: {  	_ =	swait.ge [sflag:s25], $0x3E80  }
0x1e5: {  	[sflag:s25] =	ssyncset.done $0x0  }
0x1e6: {  	[sflag:s25] =	ssyncadd.s32 $0xFFFFC180  }
0x1e7: {  	[spmem:s3] =	stream.indirect.scatter.add.f32 [tilespmem:s22], [sflag:$0x3], $0x80, s16, s19, $0xb8;
	[tilespmem:$0x1C880] =	vst v63  }
0x1e8: {  	_ =	swait.ge [sflag:s17], $0x3E80  }
0x1e9: {  	[sflag:s17] =	ssyncset.done $0x0  }
0x1ea: {  	[sflag:s17] =	ssyncadd.s32 $0xFFFFC180  }
0x1eb: {  	[tilespmem:s22], [sflag:$0x2] =	stream.indirect.gather [hbm4b:s1+s19], $0x80, s21, s19, $0xb8;
	[tilespmem:$0x1C880] =	vst v63  }
0x1ec: {  	_ =	swait.ge [sflag:s23], $0x3E80  }
0x1ed: {  	[sflag:s23] =	ssyncset.done $0x0  }
0x1ee: {  	[sflag:s23] =	ssyncadd.s32 $0xFFFFC180  }
0x1ef: {  	[spmem:s3] =	stream.indirect.scatter.add.f32 [tilespmem:s20], [sflag:$0x3], $0x80, s24, s19, $0xb8;
	[tilespmem:$0x1C880] =	vst v63  }
0x1f0: {  	_ =	swait.ge [sflag:s17], $0x3E80  }
0x1f1: {  	[sflag:s17] =	ssyncset.done $0x0  }
0x1f2: {  	[sflag:s17] =	ssyncadd.s32 $0xFFFFC180  }
0x1f3: {  	[tilespmem:s20], [sflag:$0x1] =	stream.indirect.gather [hbm4b:s1+s19], $0x80, s26, s19, $0xb8;
	[tilespmem:$0x1C880] =	vst v63  }
0x1f4: {  	_ =	swait.ge [sflag:s25], $0x3E80  }
0x1f5: {  	[sflag:s25] =	ssyncset.done $0x0  }
0x1f6: {  	[sflag:s25] =	ssyncadd.s32 $0xFFFFC180  }
0x1f7: {  	[spmem:s3] =	stream.indirect.scatter.add.f32 [tilespmem:s22], [sflag:$0x3], $0x80, s28, s19, $0xb8;
	[tilespmem:$0x1C880] =	vst v63  }
0x1f8: {  	_ =	swait.ge [sflag:s17], $0x3E80  }
0x1f9: {  	[sflag:s17] =	ssyncset.done $0x0  }
0x1fa: {  	[sflag:s17] =	ssyncadd.s32 $0xFFFFC180  }
0x1fb: {  	[tilespmem:s22], [sflag:$0x2] =	stream.indirect.gather [hbm4b:s1+s19], $0x80, s29, s19, $0xb8;
	[tilespmem:$0x1C880] =	vst v63  }
0x1fc: {  	_ =	swait.ge [sflag:s23], $0x3E80  }
0x1fd: {  	[sflag:s23] =	ssyncset.done $0x0  }
0x1fe: {  	[sflag:s23] =	ssyncadd.s32 $0xFFFFC180  }
0x1ff: {  	[spmem:s3] =	stream.indirect.scatter.add.f32 [tilespmem:s20], [sflag:$0x3], $0x80, s30, s19, $0xb8;
	[tilespmem:$0x1C880] =	vst v63  }
0x200: {  	_ =	swait.ge [sflag:s17], $0x3E80  }
0x201: {  	[sflag:s17] =	ssyncset.done $0x0  }
0x202: {  	[sflag:s17] =	ssyncadd.s32 $0xFFFFC180  }
0x203: {  	[tilespmem:s20], [sflag:$0x1] =	stream.indirect.gather [hbm4b:s1+s19], $0x80, s31, s19, $0xb8;
	[tilespmem:$0x1C880] =	vst v63  }
0x204: {  	_ =	swait.ge [sflag:s25], $0x3E80  }
0x205: {  	[sflag:s25] =	ssyncset.done $0x0  }
0x206: {  	[sflag:s25] =	ssyncadd.s32 $0xFFFFC180  }
0x207: {  	[spmem:s3] =	stream.indirect.scatter.add.f32 [tilespmem:s22], [sflag:$0x3], $0x80, s0, s19, $0xb8;
	[tilespmem:$0x1C880] =	vst v63  }
0x208: {  	_ =	swait.ge [sflag:s17], $0x3E80  }
0x209: {  	[sflag:s17] =	ssyncset.done $0x0  }
0x20a: {  	[sflag:s17] =	ssyncadd.s32 $0xFFFFC180  }
0x20b: {  	[tilespmem:s22], [sflag:$0x2] =	stream.indirect.gather [hbm4b:s1+s19], $0x80, s2, s19, $0xb8;
	[tilespmem:$0x1C880] =	vst v63  }
0x20c: {  	_ =	swait.ge [sflag:s23], $0x3E80  }
0x20d: {  	[sflag:s23] =	ssyncset.done $0x0  }
0x20e: {  	[sflag:s23] =	ssyncadd.s32 $0xFFFFC180  }
0x20f: {  	[spmem:s3] =	stream.indirect.scatter.add.f32 [tilespmem:s20], [sflag:$0x3], $0x80, s7, s19, $0xb8;
	[tilespmem:$0x1C880] =	vst v63  }
0x210: {  	_ =	swait.ge [sflag:s17], $0x3E80  }
0x211: {  	[sflag:s17] =	ssyncset.done $0x0  }
0x212: {  	[sflag:s17] =	ssyncadd.s32 $0xFFFFC180  }
0x213: {  	[tilespmem:s20], [sflag:$0x1] =	stream.indirect.gather [hbm4b:s1+s19], $0x80, s8, s19, $0xb8;
	[tilespmem:$0x1C880] =	vst v63  }
0x214: {  	_ =	swait.ge [sflag:s25], $0x3E80  }
0x215: {  	[sflag:s25] =	ssyncset.done $0x0  }
0x216: {  	[sflag:s25] =	ssyncadd.s32 $0xFFFFC180  }
0x217: {  	[spmem:s3] =	stream.indirect.scatter.add.f32 [tilespmem:s22], [sflag:$0x3], $0x80, s9, s19, $0xb8;
	[tilespmem:$0x1C880] =	vst v63  }
0x218: {  	_ =	swait.ge [sflag:s17], $0x3E80  }
0x219: {  	[sflag:s17] =	ssyncset.done $0x0  }
0x21a: {  	s7 =	simm.s32 $0x480;
	[sflag:s17] =	ssyncadd.s32 $0xFFFFC180  }
0x21b: {  	[tilespmem:s22], [sflag:$0x2] =	stream.indirect.gather [hbm4b:s1+s19], $0x80, s7, s19, $0xb8;
	[tilespmem:$0x1C880] =	vst v63  }
0x21c: {  	_ =	swait.ge [sflag:s23], $0x3E80  }
0x21d: {  	[sflag:s23] =	ssyncset.done $0x0  }
0x21e: {  	s8 =	simm.s32 $0xC00;
	[sflag:s23] =	ssyncadd.s32 $0xFFFFC180  }
0x21f: {  	[spmem:s3] =	stream.indirect.scatter.add.f32 [tilespmem:s20], [sflag:$0x3], $0x80, s8, s19, $0xb8;
	[tilespmem:$0x1C880] =	vst v63  }
0x220: {  	_ =	swait.ge [sflag:s17], $0x3E80  }
0x221: {  	[sflag:s17] =	ssyncset.done $0x0  }
0x222: {  	s9 =	simm.s32 $0x500;
	[sflag:s17] =	ssyncadd.s32 $0xFFFFC180  }
0x223: {  	[tilespmem:s20], [sflag:$0x1] =	stream.indirect.gather [hbm4b:s1+s19], $0x80, s9, s19, $0xb8;
	[tilespmem:$0x1C880] =	vst v63  }
0x224: {  	_ =	swait.ge [sflag:s25], $0x3E80  }
0x225: {  	[sflag:s25] =	ssyncset.done $0x0  }
0x226: {  	s10 =	simm.s32 $0xC80;
	[sflag:s25] =	ssyncadd.s32 $0xFFFFC180  }
0x227: {  	[spmem:s3] =	stream.indirect.scatter.add.f32 [tilespmem:s22], [sflag:$0x3], $0x80, s10, s19, $0xb8;
	[tilespmem:$0x1C880] =	vst v63  }
0x228: {  	_ =	swait.ge [sflag:s17], $0x3E80  }
0x229: {  	[sflag:s17] =	ssyncset.done $0x0  }
0x22a: {  	s11 =	simm.s32 $0x580;
	[sflag:s17] =	ssyncadd.s32 $0xFFFFC180  }
0x22b: {  	[tilespmem:s22], [sflag:$0x2] =	stream.indirect.gather [hbm4b:s1+s19], $0x80, s11, s19, $0xb8;
	[tilespmem:$0x1C880] =	vst v63  }
0x22c: {  	_ =	swait.ge [sflag:s23], $0x3E80  }
0x22d: {  	[sflag:s23] =	ssyncset.done $0x0  }
0x22e: {  	s14 =	simm.s32 $0xD00;
	[sflag:s23] =	ssyncadd.s32 $0xFFFFC180  }
0x22f: {  	[spmem:s3] =	stream.indirect.scatter.add.f32 [tilespmem:s20], [sflag:$0x3], $0x80, s14, s19, $0xb8;
	[tilespmem:$0x1C880] =	vst v63  }
0x230: {  	_ =	swait.ge [sflag:s17], $0x3E80  }
0x231: {  	[sflag:s17] =	ssyncset.done $0x0  }
0x232: {  	s15 =	simm.s32 $0x600;
	[sflag:s17] =	ssyncadd.s32 $0xFFFFC180  }
0x233: {  	[tilespmem:s20], [sflag:$0x1] =	stream.indirect.gather [hbm4b:s1+s19], $0x80, s15, s19, $0xb8;
	[tilespmem:$0x1C880] =	vst v63  }
0x234: {  	_ =	swait.ge [sflag:s25], $0x3E80  }
0x235: {  	[sflag:s25] =	ssyncset.done $0x0  }
0x236: {  	s16 =	simm.s32 $0xD80;
	[sflag:s25] =	ssyncadd.s32 $0xFFFFC180  }
0x237: {  	[spmem:s3] =	stream.indirect.scatter.add.f32 [tilespmem:s22], [sflag:$0x3], $0x80, s16, s19, $0xb8;
	[tilespmem:$0x1C880] =	vst v63  }
0x238: {  	_ =	swait.ge [sflag:s17], $0x3E80  }
0x239: {  	[sflag:s17] =	ssyncset.done $0x0  }
0x23a: {  	s21 =	simm.s32 $0x680;
	[sflag:s17] =	ssyncadd.s32 $0xFFFFC180  }
0x23b: {  	[tilespmem:s22], [sflag:$0x2] =	stream.indirect.gather [hbm4b:s1+s19], $0x80, s21, s19, $0xb8;
	[tilespmem:$0x1C880] =	vst v63  }
0x23c: {  	_ =	swait.ge [sflag:s23], $0x3E80  }
0x23d: {  	[sflag:s23] =	ssyncset.done $0x0  }
0x23e: {  	s24 =	simm.s32 $0xE00;
	[sflag:s23] =	ssyncadd.s32 $0xFFFFC180  }
0x23f: {  	[spmem:s3] =	stream.indirect.scatter.add.f32 [tilespmem:s20], [sflag:$0x3], $0x80, s24, s19, $0xb8;
	[tilespmem:$0x1C880] =	vst v63  }
0x240: {  	_ =	swait.ge [sflag:s17], $0x3E80  }
0x241: {  	[sflag:s17] =	ssyncset.done $0x0  }
0x242: {  	s26 =	simm.s32 $0x700;
	[sflag:s17] =	ssyncadd.s32 $0xFFFFC180  }
0x243: {  	[tilespmem:s20], [sflag:$0x1] =	stream.indirect.gather [hbm4b:s1+s19], $0x80, s26, s19, $0xb8;
	[tilespmem:$0x1C880] =	vst v63  }
0x244: {  	_ =	swait.ge [sflag:s25], $0x3E80  }
0x245: {  	[sflag:s25] =	ssyncset.done $0x0  }
0x246: {  	s28 =	simm.s32 $0xE80;
	[sflag:s25] =	ssyncadd.s32 $0xFFFFC180  }
0x247: {  	[spmem:s3] =	stream.indirect.scatter.add.f32 [tilespmem:s22], [sflag:$0x3], $0x80, s28, s19, $0xb8;
	[tilespmem:$0x1C880] =	vst v63  }
0x248: {  	_ =	swait.ge [sflag:s17], $0x3E80  }
0x249: {  	[sflag:s17] =	ssyncset.done $0x0  }
0x24a: {  	s29 =	simm.s32 $0x780;
	[sflag:s17] =	ssyncadd.s32 $0xFFFFC180  }
0x24b: {  	[tilespmem:s22], [sflag:$0x2] =	stream.indirect.gather [hbm4b:s1+s19], $0x80, s29, s19, $0xb8;
	[tilespmem:$0x1C880] =	vst v63  }
0x24c: {  	_ =	swait.ge [sflag:s23], $0x3E80  }
0x24d: {  	[sflag:s23] =	ssyncset.done $0x0  }
0x24e: {  	s30 =	simm.s32 $0xF00;
	[sflag:s23] =	ssyncadd.s32 $0xFFFFC180  }
0x24f: {  	[spmem:s3] =	stream.indirect.scatter.add.f32 [tilespmem:s20], [sflag:$0x3], $0x80, s30, s19, $0xb8;
	[tilespmem:$0x1C880] =	vst v63  }
0x250: {  	_ =	swait.ge [sflag:s17], $0x3E80  }
0x251: {  	[sflag:s17] =	ssyncset.done $0x0  }
0x252: {  	[sflag:s17] =	ssyncadd.s32 $0xFFFFC180  }
0x253: {  	_ =	swait.ge [sflag:s25], $0x3E80  }
0x254: {  	[sflag:s25] =	ssyncset.done $0x0  }
0x255: {  	s31 =	simm.s32 $0xF80;
	[sflag:s25] =	ssyncadd.s32 $0xFFFFC180  }
0x256: {  	[spmem:s3] =	stream.indirect.scatter.add.f32 [tilespmem:s22], [sflag:$0x3], $0x80, s31, s19, $0xb8;
	[tilespmem:$0x1C880] =	vst v63  }
0x257: {  	_ =	swait.ge [sflag:s17], $0x3E80  }
0x258: {  	[sflag:s17] =	ssyncset.done $0x0  }
0x259: {  	[sflag:s17] =	ssyncadd.s32 $0xFFFFC180  }
0x25a: {  	[bflag:$0x0] =	sbarrier.arrive $0xFFFF  }
0x25b: {  	s10 =	rddreg [dreg:$0x8]  }
0x25c: {  	s6 =	simm.s32 @p0 $0x1FC3;
	s11 =	rddreg [dreg:$0xa]  }
0x25d: {  	[hbm:s10], [sflag:s6] =	dma.local @p0 [spmem:s11], $0x2800  }
0x25e: {  	s6 =	simm.s32 @p0 $0x3  }
0x25f: {  	_ =	swait.ge @p0 [sflag:s6], $0x2800  }
0x260: {  	s14 =	rddreg [dreg:$0xb]  }
0x261: {  	[sflag:s6] =	ssyncset.done @p0 $0x0;
	s15 =	rddreg [dreg:$0xc]  }
0x262: {  	[sflag:s6] =	ssyncadd.s32 @p0 $0xFFFFD800;
	s6 =	rddreg [dreg:$0x7]  }
0x263: {  	[hbm:s6], [sflag:s14] =	dma.local @!p0 [spmem:s15], $0x2700  }
.Ltmp4:
0x264: {  	_ = 	snop;
	(pc) =	sbr.rel .LBB2_8-.Ltmp4, $4  }
0x265: {  	s6 =	simm.s32 @!p0 $0x3  }
0x266: {  	_ =	swait.ge @!p0 [sflag:s6], $0x2700  }
0x267: {  	[sflag:s6] =	ssyncset.done @!p0 $0x0  }
0x268: {  	s0 =	rddreg [dreg:$0xd];
	[sflag:s6] =	ssyncadd.s32 @!p0 $0xFFFFD900  }
.LBB2_5:
0x269: {  	[tilespmem:s4], [sflag:$0x3] =	stream.linear.gather [hbm4b:s6+s4], $0x800, $0x38;
	[tilespmem:$0x1C880] =	vst v63  }
0x26a: {  	_ =	swait.ge [sflag:s17], $0x800  }
0x26b: {  	[sflag:s17] =	ssyncset.done $0x0  }
0x26c: {  	s8 =	sadd.s32 $0x0, s12;
	[sflag:s17] =	ssyncadd.s32 $0xFFFFF800  }
0x26d: {  	[tilespmem:s18], [sflag:$0x3] =	stream.linear.gather [hbm4b:s8+s4], $0x800, $0x38;
	[tilespmem:$0x1C880] =	vst v63  }
0x26e: {  	_ =	swait.ge [sflag:s17], $0x800  }
0x26f: {  	[sflag:s17] =	ssyncset.done $0x0  }
0x270: {  	[sflag:s17] =	ssyncadd.s32 $0xFFFFF800  }
0x271: {  	[tilespmem:s20], [sflag:$0x1] =	stream.indirect.gather [hbm4b:s5+s19], $0x80, s4, s19, $0xb8;
	[tilespmem:$0x1C880] =	vst v63  }
0x272: {  	s9 =	simm.s32 $0x80  }
0x273: {  	[tilespmem:s22], [sflag:$0x2] =	stream.indirect.gather [hbm4b:s5+s19], $0x80, s9, s19, $0xb8;
	[tilespmem:$0x1C880] =	vst v63  }
0x274: {  	_ =	swait.ge [sflag:s23], $0x3E80  }
0x275: {  	[sflag:s23] =	ssyncset.done $0x0  }
0x276: {  	[sflag:s23] =	ssyncadd.s32 $0xFFFFC180  }
0x277: {  	[spmem:s3] =	stream.indirect.scatter.add.f32 [tilespmem:s20], [sflag:$0x3], $0x80, s18, s19, $0xb8;
	[tilespmem:$0x1C880] =	vst v63  }
0x278: {  	_ =	swait.ge [sflag:s17], $0x3E80  }
0x279: {  	[sflag:s17] =	ssyncset.done $0x0  }
0x27a: {  	s10 =	simm.s32 $0x100;
	[sflag:s17] =	ssyncadd.s32 $0xFFFFC180  }
0x27b: {  	[tilespmem:s20], [sflag:$0x1] =	stream.indirect.gather [hbm4b:s5+s19], $0x80, s10, s19, $0xb8;
	[tilespmem:$0x1C880] =	vst v63  }
0x27c: {  	_ =	swait.ge [sflag:s25], $0x3E80  }
0x27d: {  	[sflag:s25] =	ssyncset.done $0x0  }
0x27e: {  	s16 =	simm.s32 $0x880;
	[sflag:s25] =	ssyncadd.s32 $0xFFFFC180  }
0x27f: {  	[spmem:s3] =	stream.indirect.scatter.add.f32 [tilespmem:s22], [sflag:$0x3], $0x80, s16, s19, $0xb8;
	[tilespmem:$0x1C880] =	vst v63  }
0x280: {  	_ =	swait.ge [sflag:s17], $0x3E80  }
0x281: {  	[sflag:s17] =	ssyncset.done $0x0  }
0x282: {  	s21 =	simm.s32 $0x180;
	[sflag:s17] =	ssyncadd.s32 $0xFFFFC180  }
0x283: {  	[tilespmem:s22], [sflag:$0x2] =	stream.indirect.gather [hbm4b:s5+s19], $0x80, s21, s19, $0xb8;
	[tilespmem:$0x1C880] =	vst v63  }
0x284: {  	_ =	swait.ge [sflag:s23], $0x3E80  }
0x285: {  	[sflag:s23] =	ssyncset.done $0x0  }
0x286: {  	s24 =	simm.s32 $0x900;
	[sflag:s23] =	ssyncadd.s32 $0xFFFFC180  }
0x287: {  	[spmem:s3] =	stream.indirect.scatter.add.f32 [tilespmem:s20], [sflag:$0x3], $0x80, s24, s19, $0xb8;
	[tilespmem:$0x1C880] =	vst v63  }
0x288: {  	_ =	swait.ge [sflag:s17], $0x3E80  }
0x289: {  	[sflag:s17] =	ssyncset.done $0x0  }
0x28a: {  	s26 =	simm.s32 $0x200;
	[sflag:s17] =	ssyncadd.s32 $0xFFFFC180  }
0x28b: {  	[tilespmem:s20], [sflag:$0x1] =	stream.indirect.gather [hbm4b:s5+s19], $0x80, s26, s19, $0xb8;
	[tilespmem:$0x1C880] =	vst v63  }
0x28c: {  	_ =	swait.ge [sflag:s25], $0x3E80  }
0x28d: {  	[sflag:s25] =	ssyncset.done $0x0  }
0x28e: {  	s28 =	simm.s32 $0x980;
	[sflag:s25] =	ssyncadd.s32 $0xFFFFC180  }
0x28f: {  	[spmem:s3] =	stream.indirect.scatter.add.f32 [tilespmem:s22], [sflag:$0x3], $0x80, s28, s19, $0xb8;
	[tilespmem:$0x1C880] =	vst v63  }
0x290: {  	_ =	swait.ge [sflag:s17], $0x3E80  }
0x291: {  	[sflag:s17] =	ssyncset.done $0x0  }
0x292: {  	s29 =	simm.s32 $0x280;
	[sflag:s17] =	ssyncadd.s32 $0xFFFFC180  }
0x293: {  	[tilespmem:s22], [sflag:$0x2] =	stream.indirect.gather [hbm4b:s5+s19], $0x80, s29, s19, $0xb8;
	[tilespmem:$0x1C880] =	vst v63  }
0x294: {  	_ =	swait.ge [sflag:s23], $0x3E80  }
0x295: {  	[sflag:s23] =	ssyncset.done $0x0  }
0x296: {  	s30 =	simm.s32 $0xA00;
	[sflag:s23] =	ssyncadd.s32 $0xFFFFC180  }
0x297: {  	[spmem:s3] =	stream.indirect.scatter.add.f32 [tilespmem:s20], [sflag:$0x3], $0x80, s30, s19, $0xb8;
	[tilespmem:$0x1C880] =	vst v63  }
0x298: {  	_ =	swait.ge [sflag:s17], $0x3E80  }
0x299: {  	[sflag:s17] =	ssyncset.done $0x0  }
0x29a: {  	s31 =	simm.s32 $0x300;
	[sflag:s17] =	ssyncadd.s32 $0xFFFFC180  }
0x29b: {  	[tilespmem:s20], [sflag:$0x1] =	stream.indirect.gather [hbm4b:s5+s19], $0x80, s31, s19, $0xb8;
	[tilespmem:$0x1C880] =	vst v63  }
0x29c: {  	_ =	swait.ge [sflag:s25], $0x3E80  }
0x29d: {  	[sflag:s25] =	ssyncset.done $0x0  }
0x29e: {  	s0 =	simm.s32 $0xA80;
	[sflag:s25] =	ssyncadd.s32 $0xFFFFC180  }
0x29f: {  	[spmem:s3] =	stream.indirect.scatter.add.f32 [tilespmem:s22], [sflag:$0x3], $0x80, s0, s19, $0xb8;
	[tilespmem:$0x1C880] =	vst v63  }
0x2a0: {  	_ =	swait.ge [sflag:s17], $0x3E80  }
0x2a1: {  	[sflag:s17] =	ssyncset.done $0x0  }
0x2a2: {  	s2 =	simm.s32 $0x380;
	[sflag:s17] =	ssyncadd.s32 $0xFFFFC180  }
0x2a3: {  	[tilespmem:s22], [sflag:$0x2] =	stream.indirect.gather [hbm4b:s5+s19], $0x80, s2, s19, $0xb8;
	[tilespmem:$0x1C880] =	vst v63  }
0x2a4: {  	_ =	swait.ge [sflag:s23], $0x3E80  }
0x2a5: {  	[sflag:s23] =	ssyncset.done $0x0  }
0x2a6: {  	s7 =	simm.s32 $0xB00;
	[sflag:s23] =	ssyncadd.s32 $0xFFFFC180  }
0x2a7: {  	[spmem:s3] =	stream.indirect.scatter.add.f32 [tilespmem:s20], [sflag:$0x3], $0x80, s7, s19, $0xb8;
	[tilespmem:$0x1C880] =	vst v63  }
0x2a8: {  	_ =	swait.ge [sflag:s17], $0x3E80  }
0x2a9: {  	[sflag:s17] =	ssyncset.done $0x0  }
0x2aa: {  	s8 =	simm.s32 $0x400;
	[sflag:s17] =	ssyncadd.s32 $0xFFFFC180  }
0x2ab: {  	[tilespmem:s20], [sflag:$0x1] =	stream.indirect.gather [hbm4b:s5+s19], $0x80, s8, s19, $0xb8;
	[tilespmem:$0x1C880] =	vst v63  }
0x2ac: {  	_ =	swait.ge [sflag:s25], $0x3E80  }
0x2ad: {  	[sflag:s25] =	ssyncset.done $0x0  }
0x2ae: {  	s9 =	simm.s32 $0xB80;
	[sflag:s25] =	ssyncadd.s32 $0xFFFFC180  }
0x2af: {  	[spmem:s3] =	stream.indirect.scatter.add.f32 [tilespmem:s22], [sflag:$0x3], $0x80, s9, s19, $0xb8;
	[tilespmem:$0x1C880] =	vst v63  }
0x2b0: {  	_ =	swait.ge [sflag:s17], $0x3E80  }
0x2b1: {  	[sflag:s17] =	ssyncset.done $0x0  }
0x2b2: {  	s11 =	simm.s32 $0x480;
	[sflag:s17] =	ssyncadd.s32 $0xFFFFC180  }
0x2b3: {  	[tilespmem:s22], [sflag:$0x2] =	stream.indirect.gather [hbm4b:s5+s19], $0x80, s11, s19, $0xb8;
	[tilespmem:$0x1C880] =	vst v63  }
0x2b4: {  	_ =	swait.ge [sflag:s23], $0x3E80  }
0x2b5: {  	[sflag:s23] =	ssyncset.done $0x0  }
0x2b6: {  	s14 =	simm.s32 $0xC00;
	[sflag:s23] =	ssyncadd.s32 $0xFFFFC180  }
0x2b7: {  	[spmem:s3] =	stream.indirect.scatter.add.f32 [tilespmem:s20], [sflag:$0x3], $0x80, s14, s19, $0xb8;
	[tilespmem:$0x1C880] =	vst v63  }
0x2b8: {  	_ =	swait.ge [sflag:s17], $0x3E80  }
0x2b9: {  	[sflag:s17] =	ssyncset.done $0x0  }
0x2ba: {  	s15 =	simm.s32 $0x500;
	[sflag:s17] =	ssyncadd.s32 $0xFFFFC180  }
0x2bb: {  	[tilespmem:s20], [sflag:$0x1] =	stream.indirect.gather [hbm4b:s5+s19], $0x80, s15, s19, $0xb8;
	[tilespmem:$0x1C880] =	vst v63  }
0x2bc: {  	_ =	swait.ge [sflag:s25], $0x3E80  }
0x2bd: {  	[sflag:s25] =	ssyncset.done $0x0  }
0x2be: {  	s10 =	simm.s32 $0xC80;
	[sflag:s25] =	ssyncadd.s32 $0xFFFFC180  }
0x2bf: {  	[spmem:s3] =	stream.indirect.scatter.add.f32 [tilespmem:s22], [sflag:$0x3], $0x80, s10, s19, $0xb8;
	[tilespmem:$0x1C880] =	vst v63  }
0x2c0: {  	_ =	swait.ge [sflag:s17], $0x3E80  }
0x2c1: {  	[sflag:s17] =	ssyncset.done $0x0  }
0x2c2: {  	s11 =	simm.s32 $0x580;
	[sflag:s17] =	ssyncadd.s32 $0xFFFFC180  }
0x2c3: {  	[tilespmem:s22], [sflag:$0x2] =	stream.indirect.gather [hbm4b:s5+s19], $0x80, s11, s19, $0xb8;
	[tilespmem:$0x1C880] =	vst v63  }
0x2c4: {  	_ =	swait.ge [sflag:s23], $0x3E80  }
0x2c5: {  	[sflag:s23] =	ssyncset.done $0x0  }
0x2c6: {  	s14 =	simm.s32 $0xD00;
	[sflag:s23] =	ssyncadd.s32 $0xFFFFC180  }
0x2c7: {  	[spmem:s3] =	stream.indirect.scatter.add.f32 [tilespmem:s20], [sflag:$0x3], $0x80, s14, s19, $0xb8;
	[tilespmem:$0x1C880] =	vst v63  }
0x2c8: {  	_ =	swait.ge [sflag:s17], $0x3E80  }
0x2c9: {  	[sflag:s17] =	ssyncset.done $0x0  }
0x2ca: {  	s15 =	simm.s32 $0x600;
	[sflag:s17] =	ssyncadd.s32 $0xFFFFC180  }
0x2cb: {  	[tilespmem:s20], [sflag:$0x1] =	stream.indirect.gather [hbm4b:s5+s19], $0x80, s15, s19, $0xb8;
	[tilespmem:$0x1C880] =	vst v63  }
0x2cc: {  	_ =	swait.ge [sflag:s25], $0x3E80  }
0x2cd: {  	[sflag:s25] =	ssyncset.done $0x0  }
0x2ce: {  	s10 =	simm.s32 $0xD80;
	[sflag:s25] =	ssyncadd.s32 $0xFFFFC180  }
0x2cf: {  	[spmem:s3] =	stream.indirect.scatter.add.f32 [tilespmem:s22], [sflag:$0x3], $0x80, s10, s19, $0xb8;
	[tilespmem:$0x1C880] =	vst v63  }
0x2d0: {  	_ =	swait.ge [sflag:s17], $0x3E80  }
0x2d1: {  	[sflag:s17] =	ssyncset.done $0x0  }
0x2d2: {  	s11 =	simm.s32 $0x680;
	[sflag:s17] =	ssyncadd.s32 $0xFFFFC180  }
0x2d3: {  	[tilespmem:s22], [sflag:$0x2] =	stream.indirect.gather [hbm4b:s5+s19], $0x80, s11, s19, $0xb8;
	[tilespmem:$0x1C880] =	vst v63  }
0x2d4: {  	_ =	swait.ge [sflag:s23], $0x3E80  }
0x2d5: {  	[sflag:s23] =	ssyncset.done $0x0  }
0x2d6: {  	s14 =	simm.s32 $0xE00;
	[sflag:s23] =	ssyncadd.s32 $0xFFFFC180  }
0x2d7: {  	[spmem:s3] =	stream.indirect.scatter.add.f32 [tilespmem:s20], [sflag:$0x3], $0x80, s14, s19, $0xb8;
	[tilespmem:$0x1C880] =	vst v63  }
0x2d8: {  	_ =	swait.ge [sflag:s17], $0x3E80  }
0x2d9: {  	[sflag:s17] =	ssyncset.done $0x0  }
0x2da: {  	s15 =	simm.s32 $0x700;
	[sflag:s17] =	ssyncadd.s32 $0xFFFFC180  }
0x2db: {  	[tilespmem:s20], [sflag:$0x1] =	stream.indirect.gather [hbm4b:s5+s19], $0x80, s15, s19, $0xb8;
	[tilespmem:$0x1C880] =	vst v63  }
0x2dc: {  	_ =	swait.ge [sflag:s25], $0x3E80  }
0x2dd: {  	[sflag:s25] =	ssyncset.done $0x0  }
0x2de: {  	s10 =	simm.s32 $0xE80;
	[sflag:s25] =	ssyncadd.s32 $0xFFFFC180  }
0x2df: {  	[spmem:s3] =	stream.indirect.scatter.add.f32 [tilespmem:s22], [sflag:$0x3], $0x80, s10, s19, $0xb8;
	[tilespmem:$0x1C880] =	vst v63  }
0x2e0: {  	_ =	swait.ge [sflag:s17], $0x3E80  }
0x2e1: {  	[sflag:s17] =	ssyncset.done $0x0  }
0x2e2: {  	s11 =	simm.s32 $0x780;
	[sflag:s17] =	ssyncadd.s32 $0xFFFFC180  }
0x2e3: {  	[tilespmem:s22], [sflag:$0x2] =	stream.indirect.gather [hbm4b:s5+s19], $0x80, s11, s19, $0xb8;
	[tilespmem:$0x1C880] =	vst v63  }
0x2e4: {  	_ =	swait.ge [sflag:s23], $0x3E80  }
0x2e5: {  	[sflag:s23] =	ssyncset.done $0x0  }
0x2e6: {  	s14 =	simm.s32 $0xF00;
	[sflag:s23] =	ssyncadd.s32 $0xFFFFC180  }
0x2e7: {  	[spmem:s3] =	stream.indirect.scatter.add.f32 [tilespmem:s20], [sflag:$0x3], $0x80, s14, s19, $0xb8;
	[tilespmem:$0x1C880] =	vst v63  }
0x2e8: {  	_ =	swait.ge [sflag:s17], $0x3E80  }
0x2e9: {  	[sflag:s17] =	ssyncset.done $0x0  }
0x2ea: {  	[sflag:s17] =	ssyncadd.s32 $0xFFFFC180  }
0x2eb: {  	_ =	swait.ge [sflag:s25], $0x3E80  }
0x2ec: {  	[sflag:s25] =	ssyncset.done $0x0  }
0x2ed: {  	s15 =	simm.s32 $0xF80;
	[sflag:s25] =	ssyncadd.s32 $0xFFFFC180  }
0x2ee: {  	[spmem:s3] =	stream.indirect.scatter.add.f32 [tilespmem:s22], [sflag:$0x3], $0x80, s15, s19, $0xb8;
	[tilespmem:$0x1C880] =	vst v63  }
0x2ef: {  	_ =	swait.ge [sflag:s17], $0x3E80  }
0x2f0: {  	s6 =	simm.s32 $0x200;
	s10 =	simm.s32 $0x100;
	[sflag:s17] =	ssyncset.done $0x0  }
.LBB2_6:
0x2f1: {  	s14 =	sadd.s32 s10, s13  }
0x2f2: {  	[sflag:s17] =	ssyncadd.s32 $0xFFFFC180;
	s15 =	smov.u32 s6;
	s11 =	sadd.s32 $0x100, s6  }
0x2f3: {  	[tilespmem:s4], [sflag:$0x3] =	stream.linear.gather [hbm4b:s14+s4], $0x800, $0x38;
	[tilespmem:$0x1C880] =	vst v63  }
0x2f4: {  	s14 =	simm.s32 $0x80  }
0x2f5: {  	p2 =	sne.s32 s6, $0x400;
	_ =	swait.ge [sflag:s17], $0x800  }
0x2f6: {  	s6 =	sadd.s32 s10, s12;
	[sflag:s17] =	ssyncset.done $0x0  }
0x2f7: {  	s10 =	smov.u32 s15;
	s15 =	simm.s32 $0x100;
	[sflag:s17] =	ssyncadd.s32 $0xFFFFF800  }
0x2f8: {  	[tilespmem:s18], [sflag:$0x3] =	stream.linear.gather [hbm4b:s6+s4], $0x800, $0x38;
	[tilespmem:$0x1C880] =	vst v63  }
0x2f9: {  	_ =	swait.ge [sflag:s17], $0x800  }
0x2fa: {  	[sflag:s17] =	ssyncset.done $0x0  }
0x2fb: {  	[sflag:s17] =	ssyncadd.s32 $0xFFFFF800  }
0x2fc: {  	[tilespmem:s20], [sflag:$0x1] =	stream.indirect.gather [hbm4b:s5+s19], $0x80, s4, s19, $0xb8;
	[tilespmem:$0x1C880] =	vst v63  }
0x2fd: {  	_ = 	snop  }
0x2fe: {  	[tilespmem:s22], [sflag:$0x2] =	stream.indirect.gather [hbm4b:s5+s19], $0x80, s14, s19, $0xb8;
	[tilespmem:$0x1C880] =	vst v63  }
0x2ff: {  	_ =	swait.ge [sflag:s23], $0x3E80  }
0x300: {  	[sflag:s23] =	ssyncset.done $0x0  }
0x301: {  	[sflag:s23] =	ssyncadd.s32 $0xFFFFC180  }
0x302: {  	[spmem:s3] =	stream.indirect.scatter.add.f32 [tilespmem:s20], [sflag:$0x3], $0x80, s18, s19, $0xb8;
	[tilespmem:$0x1C880] =	vst v63  }
0x303: {  	_ =	swait.ge [sflag:s17], $0x3E80  }
0x304: {  	[sflag:s17] =	ssyncset.done $0x0  }
0x305: {  	[sflag:s17] =	ssyncadd.s32 $0xFFFFC180  }
0x306: {  	[tilespmem:s20], [sflag:$0x1] =	stream.indirect.gather [hbm4b:s5+s19], $0x80, s15, s19, $0xb8;
	[tilespmem:$0x1C880] =	vst v63  }
0x307: {  	_ =	swait.ge [sflag:s25], $0x3E80  }
0x308: {  	[sflag:s25] =	ssyncset.done $0x0  }
0x309: {  	[sflag:s25] =	ssyncadd.s32 $0xFFFFC180  }
0x30a: {  	[spmem:s3] =	stream.indirect.scatter.add.f32 [tilespmem:s22], [sflag:$0x3], $0x80, s16, s19, $0xb8;
	[tilespmem:$0x1C880] =	vst v63  }
0x30b: {  	_ =	swait.ge [sflag:s17], $0x3E80  }
0x30c: {  	[sflag:s17] =	ssyncset.done $0x0  }
0x30d: {  	[sflag:s17] =	ssyncadd.s32 $0xFFFFC180  }
0x30e: {  	[tilespmem:s22], [sflag:$0x2] =	stream.indirect.gather [hbm4b:s5+s19], $0x80, s21, s19, $0xb8;
	[tilespmem:$0x1C880] =	vst v63  }
0x30f: {  	_ =	swait.ge [sflag:s23], $0x3E80  }
0x310: {  	[sflag:s23] =	ssyncset.done $0x0  }
0x311: {  	[sflag:s23] =	ssyncadd.s32 $0xFFFFC180  }
0x312: {  	[spmem:s3] =	stream.indirect.scatter.add.f32 [tilespmem:s20], [sflag:$0x3], $0x80, s24, s19, $0xb8;
	[tilespmem:$0x1C880] =	vst v63  }
0x313: {  	_ =	swait.ge [sflag:s17], $0x3E80  }
0x314: {  	[sflag:s17] =	ssyncset.done $0x0  }
0x315: {  	[sflag:s17] =	ssyncadd.s32 $0xFFFFC180  }
0x316: {  	[tilespmem:s20], [sflag:$0x1] =	stream.indirect.gather [hbm4b:s5+s19], $0x80, s26, s19, $0xb8;
	[tilespmem:$0x1C880] =	vst v63  }
0x317: {  	_ =	swait.ge [sflag:s25], $0x3E80  }
0x318: {  	[sflag:s25] =	ssyncset.done $0x0  }
0x319: {  	[sflag:s25] =	ssyncadd.s32 $0xFFFFC180  }
0x31a: {  	[spmem:s3] =	stream.indirect.scatter.add.f32 [tilespmem:s22], [sflag:$0x3], $0x80, s28, s19, $0xb8;
	[tilespmem:$0x1C880] =	vst v63  }
0x31b: {  	_ =	swait.ge [sflag:s17], $0x3E80  }
0x31c: {  	[sflag:s17] =	ssyncset.done $0x0  }
0x31d: {  	[sflag:s17] =	ssyncadd.s32 $0xFFFFC180  }
0x31e: {  	[tilespmem:s22], [sflag:$0x2] =	stream.indirect.gather [hbm4b:s5+s19], $0x80, s29, s19, $0xb8;
	[tilespmem:$0x1C880] =	vst v63  }
0x31f: {  	_ =	swait.ge [sflag:s23], $0x3E80  }
0x320: {  	[sflag:s23] =	ssyncset.done $0x0  }
0x321: {  	[sflag:s23] =	ssyncadd.s32 $0xFFFFC180  }
0x322: {  	[spmem:s3] =	stream.indirect.scatter.add.f32 [tilespmem:s20], [sflag:$0x3], $0x80, s30, s19, $0xb8;
	[tilespmem:$0x1C880] =	vst v63  }
0x323: {  	_ =	swait.ge [sflag:s17], $0x3E80  }
0x324: {  	[sflag:s17] =	ssyncset.done $0x0  }
0x325: {  	[sflag:s17] =	ssyncadd.s32 $0xFFFFC180  }
0x326: {  	[tilespmem:s20], [sflag:$0x1] =	stream.indirect.gather [hbm4b:s5+s19], $0x80, s31, s19, $0xb8;
	[tilespmem:$0x1C880] =	vst v63  }
0x327: {  	_ =	swait.ge [sflag:s25], $0x3E80  }
0x328: {  	[sflag:s25] =	ssyncset.done $0x0  }
0x329: {  	[sflag:s25] =	ssyncadd.s32 $0xFFFFC180  }
0x32a: {  	[spmem:s3] =	stream.indirect.scatter.add.f32 [tilespmem:s22], [sflag:$0x3], $0x80, s0, s19, $0xb8;
	[tilespmem:$0x1C880] =	vst v63  }
0x32b: {  	_ =	swait.ge [sflag:s17], $0x3E80  }
0x32c: {  	[sflag:s17] =	ssyncset.done $0x0  }
0x32d: {  	[sflag:s17] =	ssyncadd.s32 $0xFFFFC180  }
0x32e: {  	[tilespmem:s22], [sflag:$0x2] =	stream.indirect.gather [hbm4b:s5+s19], $0x80, s2, s19, $0xb8;
	[tilespmem:$0x1C880] =	vst v63  }
0x32f: {  	_ =	swait.ge [sflag:s23], $0x3E80  }
0x330: {  	[sflag:s23] =	ssyncset.done $0x0  }
0x331: {  	[sflag:s23] =	ssyncadd.s32 $0xFFFFC180  }
0x332: {  	[spmem:s3] =	stream.indirect.scatter.add.f32 [tilespmem:s20], [sflag:$0x3], $0x80, s7, s19, $0xb8;
	[tilespmem:$0x1C880] =	vst v63  }
0x333: {  	_ =	swait.ge [sflag:s17], $0x3E80  }
0x334: {  	[sflag:s17] =	ssyncset.done $0x0  }
0x335: {  	[sflag:s17] =	ssyncadd.s32 $0xFFFFC180  }
0x336: {  	[tilespmem:s20], [sflag:$0x1] =	stream.indirect.gather [hbm4b:s5+s19], $0x80, s8, s19, $0xb8;
	[tilespmem:$0x1C880] =	vst v63  }
0x337: {  	_ =	swait.ge [sflag:s25], $0x3E80  }
0x338: {  	[sflag:s25] =	ssyncset.done $0x0  }
0x339: {  	[sflag:s25] =	ssyncadd.s32 $0xFFFFC180  }
0x33a: {  	[spmem:s3] =	stream.indirect.scatter.add.f32 [tilespmem:s22], [sflag:$0x3], $0x80, s9, s19, $0xb8;
	[tilespmem:$0x1C880] =	vst v63  }
0x33b: {  	_ =	swait.ge [sflag:s17], $0x3E80  }
0x33c: {  	[sflag:s17] =	ssyncset.done $0x0  }
0x33d: {  	s6 =	simm.s32 $0x480;
	[sflag:s17] =	ssyncadd.s32 $0xFFFFC180  }
0x33e: {  	[tilespmem:s22], [sflag:$0x2] =	stream.indirect.gather [hbm4b:s5+s19], $0x80, s6, s19, $0xb8;
	[tilespmem:$0x1C880] =	vst v63  }
0x33f: {  	_ =	swait.ge [sflag:s23], $0x3E80  }
0x340: {  	[sflag:s23] =	ssyncset.done $0x0  }
0x341: {  	s6 =	simm.s32 $0xC00;
	[sflag:s23] =	ssyncadd.s32 $0xFFFFC180  }
0x342: {  	[spmem:s3] =	stream.indirect.scatter.add.f32 [tilespmem:s20], [sflag:$0x3], $0x80, s6, s19, $0xb8;
	[tilespmem:$0x1C880] =	vst v63  }
0x343: {  	_ =	swait.ge [sflag:s17], $0x3E80  }
0x344: {  	[sflag:s17] =	ssyncset.done $0x0  }
0x345: {  	s6 =	simm.s32 $0x500;
	[sflag:s17] =	ssyncadd.s32 $0xFFFFC180  }
0x346: {  	[tilespmem:s20], [sflag:$0x1] =	stream.indirect.gather [hbm4b:s5+s19], $0x80, s6, s19, $0xb8;
	[tilespmem:$0x1C880] =	vst v63  }
0x347: {  	_ =	swait.ge [sflag:s25], $0x3E80  }
0x348: {  	[sflag:s25] =	ssyncset.done $0x0  }
0x349: {  	s6 =	simm.s32 $0xC80;
	[sflag:s25] =	ssyncadd.s32 $0xFFFFC180  }
0x34a: {  	[spmem:s3] =	stream.indirect.scatter.add.f32 [tilespmem:s22], [sflag:$0x3], $0x80, s6, s19, $0xb8;
	[tilespmem:$0x1C880] =	vst v63  }
0x34b: {  	_ =	swait.ge [sflag:s17], $0x3E80  }
0x34c: {  	[sflag:s17] =	ssyncset.done $0x0  }
0x34d: {  	s6 =	simm.s32 $0x580;
	[sflag:s17] =	ssyncadd.s32 $0xFFFFC180  }
0x34e: {  	[tilespmem:s22], [sflag:$0x2] =	stream.indirect.gather [hbm4b:s5+s19], $0x80, s6, s19, $0xb8;
	[tilespmem:$0x1C880] =	vst v63  }
0x34f: {  	_ =	swait.ge [sflag:s23], $0x3E80  }
0x350: {  	[sflag:s23] =	ssyncset.done $0x0  }
0x351: {  	s6 =	simm.s32 $0xD00;
	[sflag:s23] =	ssyncadd.s32 $0xFFFFC180  }
0x352: {  	[spmem:s3] =	stream.indirect.scatter.add.f32 [tilespmem:s20], [sflag:$0x3], $0x80, s6, s19, $0xb8;
	[tilespmem:$0x1C880] =	vst v63  }
0x353: {  	_ =	swait.ge [sflag:s17], $0x3E80  }
0x354: {  	[sflag:s17] =	ssyncset.done $0x0  }
0x355: {  	s6 =	simm.s32 $0x600;
	[sflag:s17] =	ssyncadd.s32 $0xFFFFC180  }
0x356: {  	[tilespmem:s20], [sflag:$0x1] =	stream.indirect.gather [hbm4b:s5+s19], $0x80, s6, s19, $0xb8;
	[tilespmem:$0x1C880] =	vst v63  }
0x357: {  	_ =	swait.ge [sflag:s25], $0x3E80  }
0x358: {  	[sflag:s25] =	ssyncset.done $0x0  }
0x359: {  	s6 =	simm.s32 $0xD80;
	[sflag:s25] =	ssyncadd.s32 $0xFFFFC180  }
0x35a: {  	[spmem:s3] =	stream.indirect.scatter.add.f32 [tilespmem:s22], [sflag:$0x3], $0x80, s6, s19, $0xb8;
	[tilespmem:$0x1C880] =	vst v63  }
0x35b: {  	_ =	swait.ge [sflag:s17], $0x3E80  }
0x35c: {  	[sflag:s17] =	ssyncset.done $0x0  }
0x35d: {  	s6 =	simm.s32 $0x680;
	[sflag:s17] =	ssyncadd.s32 $0xFFFFC180  }
0x35e: {  	[tilespmem:s22], [sflag:$0x2] =	stream.indirect.gather [hbm4b:s5+s19], $0x80, s6, s19, $0xb8;
	[tilespmem:$0x1C880] =	vst v63  }
0x35f: {  	_ =	swait.ge [sflag:s23], $0x3E80  }
0x360: {  	[sflag:s23] =	ssyncset.done $0x0  }
0x361: {  	s6 =	simm.s32 $0xE00;
	[sflag:s23] =	ssyncadd.s32 $0xFFFFC180  }
0x362: {  	[spmem:s3] =	stream.indirect.scatter.add.f32 [tilespmem:s20], [sflag:$0x3], $0x80, s6, s19, $0xb8;
	[tilespmem:$0x1C880] =	vst v63  }
0x363: {  	_ =	swait.ge [sflag:s17], $0x3E80  }
0x364: {  	[sflag:s17] =	ssyncset.done $0x0  }
0x365: {  	s6 =	simm.s32 $0x700;
	[sflag:s17] =	ssyncadd.s32 $0xFFFFC180  }
0x366: {  	[tilespmem:s20], [sflag:$0x1] =	stream.indirect.gather [hbm4b:s5+s19], $0x80, s6, s19, $0xb8;
	[tilespmem:$0x1C880] =	vst v63  }
0x367: {  	_ =	swait.ge [sflag:s25], $0x3E80  }
0x368: {  	[sflag:s25] =	ssyncset.done $0x0  }
0x369: {  	s6 =	simm.s32 $0xE80;
	[sflag:s25] =	ssyncadd.s32 $0xFFFFC180  }
0x36a: {  	[spmem:s3] =	stream.indirect.scatter.add.f32 [tilespmem:s22], [sflag:$0x3], $0x80, s6, s19, $0xb8;
	[tilespmem:$0x1C880] =	vst v63  }
0x36b: {  	_ =	swait.ge [sflag:s17], $0x3E80  }
0x36c: {  	[sflag:s17] =	ssyncset.done $0x0  }
0x36d: {  	s6 =	simm.s32 $0x780;
	[sflag:s17] =	ssyncadd.s32 $0xFFFFC180  }
0x36e: {  	[tilespmem:s22], [sflag:$0x2] =	stream.indirect.gather [hbm4b:s5+s19], $0x80, s6, s19, $0xb8;
	[tilespmem:$0x1C880] =	vst v63  }
0x36f: {  	_ =	swait.ge [sflag:s23], $0x3E80  }
0x370: {  	[sflag:s23] =	ssyncset.done $0x0  }
0x371: {  	s6 =	simm.s32 $0xF00;
	[sflag:s23] =	ssyncadd.s32 $0xFFFFC180  }
0x372: {  	[spmem:s3] =	stream.indirect.scatter.add.f32 [tilespmem:s20], [sflag:$0x3], $0x80, s6, s19, $0xb8;
	[tilespmem:$0x1C880] =	vst v63  }
0x373: {  	_ =	swait.ge [sflag:s17], $0x3E80  }
0x374: {  	[sflag:s17] =	ssyncset.done $0x0  }
0x375: {  	[sflag:s17] =	ssyncadd.s32 $0xFFFFC180  }
0x376: {  	_ =	swait.ge [sflag:s25], $0x3E80  }
.Ltmp5:
0x377: {  	[sflag:s25] =	ssyncset.done $0x0;
	(pc) =	sbr.rel @p2 .LBB2_6-.Ltmp5, $4  }
0x378: {  	s6 =	simm.s32 $0xF80;
	[sflag:s25] =	ssyncadd.s32 $0xFFFFC180  }
0x379: {  	[spmem:s3] =	stream.indirect.scatter.add.f32 [tilespmem:s22], [sflag:$0x3], $0x80, s6, s19, $0xb8;
	[tilespmem:$0x1C880] =	vst v63  }
0x37a: {  	_ =	swait.ge [sflag:s17], $0x3E80  }
0x37b: {  	s6 =	smov.u32 s11;
	[sflag:s17] =	ssyncset.done $0x0  }
.Ltmp6:
0x37c: {  	_ = 	snop;
	(pc) =	sbr.rel .LBB2_7-.Ltmp6, $1  }
0x37d: {  	_ =	sdelay $0x3  }
.LBB2_9:
0x37e: {  	_ =	sfence.sel $0x180000  }
0x37f: {  	[bflag:$0x0] =	sbarrier.arrive $0xFFFF  }
0x380: {  	_ =	strace $0x90000047  }
0x381: {  	s0 =	stileid.u32;
	[bflag:$0x2] =	sbarrier.arrive $0xFFFF  }
0x382: {  	p0 =	sne.s32 s0, $0x0;
	s0 =	rddreg [dreg:$0x3]  }
0x383: {  	s0 =	sadd.s32 @!p0 $0x100000, s0  }
0x384: {  	[sflag:s0] =	ssyncadd.tile.s32 @!p0 $0x1;
	_ =	shalt  }
.Lfunc_end2:
_tile_overlayer_lowered:
.L_overlay_start_2:
0x385: {  	(tag) =	ssettag $0x2  }
0x386: {  	s0 =	rddreg [dreg:$0x0];
	s2 =	stileid.u32  }
0x387: {  	s1 =	rddreg [dreg:$0x1];
	p0 =	sne.s32 s2, $0x0  }
0x388: {  	s3 =	rddreg [dreg:$0x2];
	[bflag:$0x3] =	sbarrier.arrive $0xFFFF;
	s2 =	simm.s32 @!p0 $0x1C03  }
0x389: {  	[timem:s3], [sflag:s2] =	dma.local @!p0 [hbm:s0], s1  }
0x38a: {  	s0 =	simm.s32 @!p0 $0x3  }
0x38b: {  	_ =	swait.ge @!p0 [sflag:s0], s1  }
0x38c: {  	s1 =	ssub.s32 @!p0 $0x0, s1;
	[sflag:s0] =	ssyncset.done @!p0 $0x0  }
0x38d: {  	[sflag:s0] =	ssyncadd.s32 @!p0 s1  }
0x38e: {  	[bflag:$0x3] =	sbarrier.arrive $0xFFFF  }
0x38f: {  	_ =	shalt  }

</sc_bundles>
